<compile_context>
chip_gen: v7x
topology: tpu7x:2x2x1
jax: 0.10.2.dev20260603
libtpu: 0.0.44.dev20260713+nightly
codegen_flags: <defaults>
</compile_context>

<pallas_src>
import jax
import jax.numpy as jnp
from jax import lax
from jax.experimental import pallas as pl
from jax.experimental.pallas import tpu as pltpu
from jax.experimental.pallas import tpu_sc as plsc

N_NODES_K = 10000
NPAD = 10240
N_EDGES_K = 320000
NDIM = 128
EDIM = 16
N_SEEDS_K = 100000

NC = 2
NS = 16
NW = NC * NS

EPT1 = N_EDGES_K // NS
CH1 = 400
NCH1 = EPT1 // CH1
GRP1 = CH1 // 16
ACC_W = NPAD * 8

S_CHUNK = 128
S_NFULL = 24
S_TAIL_BIG = 3128 - S_NFULL * S_CHUNK
S_TAIL_SMALL = 3120 - S_NFULL * S_CHUNK
S_SPLIT = 20

_mesh = lambda: plsc.VectorSubcoreMesh(core_axis_name="c", subcore_axis_name="s")


def _seg_body(dst_hbm, ef_hbm, zeros_hbm, sum_out, cnt_out,
              dst_v0, dst_v1, ef_v0, ef_v1, acc, cnt,
              sd0, sd1, se0, se1):
    c = lax.axis_index("c")
    s = lax.axis_index("s")

    for k in range(ACC_W // 8192):
        pltpu.sync_copy(zeros_hbm.at[pl.ds(k * 8192, 8192)],
                        acc.at[pl.ds(k * 8192, 8192)])
    pltpu.sync_copy(zeros_hbm.at[pl.ds(0, NPAD)], cnt)

    lane = jax.lax.broadcasted_iota(jnp.int32, (16,), 0)
    pat01 = lane // 8
    iota8x2 = lane % 8
    ones16 = jnp.full((16,), 1.0, jnp.float32)

    dpat = pat01 * 16 + iota8x2 + c * 8

    bufs = ((dst_v0, ef_v0, sd0, se0), (dst_v1, ef_v1, sd1, se1))

    def start(j, b):
        dv, ev, sd, se = bufs[b]
        e_base = s * EPT1 + j * CH1
        pltpu.async_copy(dst_hbm.at[pl.ds(e_base, CH1)], dv, sd)
        pltpu.async_copy(ef_hbm.at[s * NCH1 + j], ev, se)

    def wait(j, b):
        dv, ev, sd, se = bufs[b]
        e_base = s * EPT1 + j * CH1
        pltpu.make_async_copy(dst_hbm.at[pl.ds(e_base, CH1)], dv, sd).wait()
        pltpu.make_async_copy(ef_hbm.at[s * NCH1 + j], ev, se).wait()

    def process(b):
        dv, ev, _, _ = bufs[b]

        def group(g, cc):
            dvec = dv[pl.ds(g * 16, 16)]

            @pl.when(c == 0)
            def _():
                plsc.addupdate_scatter(cnt, (dvec,), ones16)

            for h in range(8):
                e0 = g * 16 + h * 2
                drep = plsc.load_gather(dv, (pat01 + e0,))
                idx = drep * 8 + iota8x2
                data = plsc.load_gather(ev, (dpat + e0 * 16,))
                plsc.addupdate_scatter(acc, (idx,), data)
            return cc

        lax.fori_loop(0, GRP1, group, 0)

    start(0, 0)

    def pair(p, carry):
        j0 = 2 * p
        start(j0 + 1, 1)
        wait(j0, 0)
        process(0)

        @pl.when(j0 + 2 < NCH1)
        def _():
            start(j0 + 2, 0)

        wait(j0 + 1, 1)
        process(1)
        return carry

    lax.fori_loop(0, NCH1 // 2, pair, 0)

    out_row = c * NS + s
    pltpu.sync_copy(acc, sum_out.at[out_row])

    @pl.when(c == 0)
    def _():
        pltpu.sync_copy(cnt, cnt_out.at[s])


def _segment_sums(dst_r, ef_r, zeros_in):
    f = pl.kernel(
        _seg_body,
        out_type=[
            jax.ShapeDtypeStruct((NW, ACC_W), jnp.float32),
            jax.ShapeDtypeStruct((NS, NPAD), jnp.float32),
        ],
        mesh=_mesh(),
        compiler_params=pltpu.CompilerParams(needs_layout_passes=False),
        scratch_types=[
            pltpu.VMEM((CH1,), jnp.int32),
            pltpu.VMEM((CH1,), jnp.int32),
            pltpu.VMEM((CH1 * 16,), jnp.float32),
            pltpu.VMEM((CH1 * 16,), jnp.float32),
            pltpu.VMEM((ACC_W,), jnp.float32),
            pltpu.VMEM((NPAD,), jnp.float32),
            pltpu.SemaphoreType.DMA,
            pltpu.SemaphoreType.DMA,
            pltpu.SemaphoreType.DMA,
            pltpu.SemaphoreType.DMA,
        ],
    )
    return f(dst_r, ef_r, zeros_in)


def _proj_body(sp, cp, wn, bn, w1, w2, be, h_ref, a_ref, b_ref):
    bm = h_ref.shape[0]
    x = sp[...]
    lo = x[:NS].reshape(NS, bm, 8).sum(axis=0)
    hi = x[NS:].reshape(NS, bm, 8).sum(axis=0)
    sums = jnp.concatenate([lo, hi], axis=1)
    cnts = jnp.maximum(cp[...].sum(axis=0), 1.0)[:, None]
    hn = sums / cnts
    h = jnp.maximum(
        lax.dot_general(hn, wn[...], (((1,), (1,)), ((), ())),
                        preferred_element_type=jnp.float32) + bn[...],
        0.0)
    h_ref[...] = h
    a_ref[...] = lax.dot_general(h, w1[...], (((1,), (1,)), ((), ())),
                                 preferred_element_type=jnp.float32) + be[...]
    b_ref[...] = lax.dot_general(h, w2[...], (((1,), (1,)), ((), ())),
                                 preferred_element_type=jnp.float32)


def _projection(sums_p, cnts_p, W_neigh, b_neigh, W1, W2, b_edge):
    BM = 2048
    grid = NPAD // BM
    full2 = lambda shp: pl.BlockSpec(shp, lambda i: (0, 0))
    outp = pl.BlockSpec((BM, NDIM), lambda i: (i, 0))
    return pl.pallas_call(
        _proj_body,
        grid=(grid,),
        in_specs=[
            pl.BlockSpec((NW, BM * 8), lambda i: (0, i)),
            pl.BlockSpec((NS, BM), lambda i: (0, i)),
            full2((NDIM, EDIM)),
            full2((1, NDIM)),
            full2((NDIM, NDIM)),
            full2((NDIM, NDIM)),
            full2((1, NDIM)),
        ],
        out_specs=[outp, outp, outp],
        out_shape=[
            jax.ShapeDtypeStruct((NPAD, NDIM), jnp.float32),
            jax.ShapeDtypeStruct((NPAD, NDIM), jnp.float32),
            jax.ShapeDtypeStruct((NPAD, NDIM), jnp.float32),
        ],
    )(sums_p, cnts_p, W_neigh, b_neigh.reshape(1, NDIM), W1, W2,
      b_edge.reshape(1, NDIM))


def _pair_body(su_hbm, sv_hbm, a_hbm, b_hbm, out_hbm, idxu_v, idxv_v,
               bufa0, bufb0, bufa1, bufb1, sa0, sb0, sa1, sb1):
    c = lax.axis_index("c")
    s = lax.axis_index("s")
    w = s * NC + c
    base = jnp.where(w < S_SPLIT, w * 3128,
                     S_SPLIT * 3128 + (w - S_SPLIT) * 3120)

    pltpu.sync_copy(su_hbm.at[pl.ds(base, 3072)], idxu_v.at[pl.ds(0, 3072)])
    pltpu.sync_copy(sv_hbm.at[pl.ds(base, 3072)], idxv_v.at[pl.ds(0, 3072)])

    @pl.when(w < S_SPLIT)
    def _():
        pltpu.sync_copy(su_hbm.at[pl.ds(base + 3072, S_TAIL_BIG)],
                        idxu_v.at[pl.ds(3072, S_TAIL_BIG)])
        pltpu.sync_copy(sv_hbm.at[pl.ds(base + 3072, S_TAIL_BIG)],
                        idxv_v.at[pl.ds(3072, S_TAIL_BIG)])

    @pl.when(w >= S_SPLIT)
    def _():
        pltpu.sync_copy(su_hbm.at[pl.ds(base + 3072, S_TAIL_SMALL)],
                        idxu_v.at[pl.ds(3072, S_TAIL_SMALL)])
        pltpu.sync_copy(sv_hbm.at[pl.ds(base + 3072, S_TAIL_SMALL)],
                        idxv_v.at[pl.ds(3072, S_TAIL_SMALL)])

    gbufs = ((bufa0, bufb0, sa0, sb0), (bufa1, bufb1, sa1, sb1))

    def gstart(j, p):
        ba, bb, sa, sb = gbufs[p]
        pltpu.async_copy(a_hbm.at[idxu_v.at[pl.ds(j * S_CHUNK, S_CHUNK)]], ba, sa)
        pltpu.async_copy(b_hbm.at[idxv_v.at[pl.ds(j * S_CHUNK, S_CHUNK)]], bb, sb)

    def gwait(j, p):
        ba, bb, sa, sb = gbufs[p]
        pltpu.make_async_copy(a_hbm.at[idxu_v.at[pl.ds(j * S_CHUNK, S_CHUNK)]], ba, sa).wait()
        pltpu.make_async_copy(b_hbm.at[idxv_v.at[pl.ds(j * S_CHUNK, S_CHUNK)]], bb, sb).wait()

    def addwrite(j, p, n):
        ba, bb, _, _ = gbufs[p]

        def addrow(q, cc):
            for rr in range(2):
                r = q * 2 + rr
                for k in range(NDIM // 16):
                    sl = pl.ds(k * 16, 16)
                    ba[r, sl] = ba[r, sl] + bb[r, sl]
            return cc

        lax.fori_loop(0, n // 2, addrow, 0)
        pltpu.sync_copy(ba.at[pl.ds(0, n)], out_hbm.at[pl.ds(base + j * S_CHUNK, n)])

    def do_tail(n):
        ba, bb, sa, sb = gbufs[0]
        pltpu.async_copy(a_hbm.at[idxu_v.at[pl.ds(S_NFULL * S_CHUNK, n)]], ba.at[pl.ds(0, n)], sa)
        pltpu.async_copy(b_hbm.at[idxv_v.at[pl.ds(S_NFULL * S_CHUNK, n)]], bb.at[pl.ds(0, n)], sb)
        pltpu.make_async_copy(a_hbm.at[idxu_v.at[pl.ds(S_NFULL * S_CHUNK, n)]], ba.at[pl.ds(0, n)], sa).wait()
        pltpu.make_async_copy(b_hbm.at[idxv_v.at[pl.ds(S_NFULL * S_CHUNK, n)]], bb.at[pl.ds(0, n)], sb).wait()
        addwrite(S_NFULL, 0, n)

    gstart(0, 0)

    def pair(p, carry):
        j0 = 2 * p
        gstart(j0 + 1, 1)
        gwait(j0, 0)
        addwrite(j0, 0, S_CHUNK)

        @pl.when(j0 + 2 < S_NFULL)
        def _():
            gstart(j0 + 2, 0)

        gwait(j0 + 1, 1)
        addwrite(j0 + 1, 1, S_CHUNK)
        return carry

    lax.fori_loop(0, S_NFULL // 2, pair, 0)

    @pl.when(w < S_SPLIT)
    def _():
        do_tail(S_TAIL_BIG)

    @pl.when(w >= S_SPLIT)
    def _():
        do_tail(S_TAIL_SMALL)


def _pair_gather(su_r, sv_r, A, B):
    f = pl.kernel(
        _pair_body,
        out_type=[jax.ShapeDtypeStruct((N_SEEDS_K, NDIM), jnp.float32)],
        mesh=_mesh(),
        compiler_params=pltpu.CompilerParams(needs_layout_passes=False),
        scratch_types=[
            pltpu.VMEM((3136,), jnp.int32),
            pltpu.VMEM((3136,), jnp.int32),
            pltpu.VMEM((S_CHUNK, NDIM), jnp.float32),
            pltpu.VMEM((S_CHUNK, NDIM), jnp.float32),
            pltpu.VMEM((S_CHUNK, NDIM), jnp.float32),
            pltpu.VMEM((S_CHUNK, NDIM), jnp.float32),
            pltpu.SemaphoreType.DMA,
            pltpu.SemaphoreType.DMA,
            pltpu.SemaphoreType.DMA,
            pltpu.SemaphoreType.DMA,
        ],
    )
    return f(su_r, sv_r, A, B)[0]


def kernel(nfeats, efeats, edge_index, seeds_u, seeds_v, W_neigh, b_neigh, W_edge, b_edge):
    del nfeats
    dst_r = edge_index[1].astype(jnp.int32)
    ef_r = efeats.reshape(NS * NCH1, CH1 * 16)
    zeros_in = jnp.zeros((ACC_W,), jnp.float32)
    sums_p, cnts_p = _segment_sums(dst_r, ef_r, zeros_in)
    W1 = W_edge[:, :NDIM]
    W2 = W_edge[:, NDIM:]
    h, A, B = _projection(sums_p, cnts_p, W_neigh, b_neigh, W1, W2, b_edge)
    su_r = seeds_u.astype(jnp.int32)
    sv_r = seeds_v.astype(jnp.int32)
    edge = _pair_gather(su_r, sv_r, A, B)
    return (h[:N_NODES_K], edge)

# --- scband reference (transcript-rebuilt; emitter-appended) ---
"""Pipeline reference for scband-sagelayer-14817637171446 (READ-ONLY COPY).

The authoritative reference and input builder live on the scoring server;
editing this copy changes nothing except your own understanding.
"""

import jax, jax.numpy as jnp
import numpy as np

N_NODES = 10000
N_EDGES = 320000
NDIM_IN = 128
EDIM_IN = 16
EDIM_OUT = 128
N_SEEDS = 100000


def setup_inputs(seed: int = 0) -> dict:
    key = jax.random.key(seed)
    ks = jax.random.split(key, 9)
    nfeats = jax.random.normal(ks[0], (N_NODES, NDIM_IN), dtype=jnp.float32)
    efeats = jax.random.normal(ks[1], (N_EDGES, EDIM_IN), dtype=jnp.float32)
    edge_index = jax.random.randint(ks[2], (2, N_EDGES), 0, N_NODES)
    seeds_u = jax.random.randint(ks[3], (N_SEEDS,), 0, N_NODES)
    seeds_v = jax.random.randint(ks[4], (N_SEEDS,), 0, N_NODES)
    # fc_neigh: Linear(edim_in -> ndim_in), xavier-normal init with relu gain
    gain = float(np.sqrt(2.0))
    std_neigh = gain * float(np.sqrt(2.0 / (EDIM_IN + NDIM_IN)))
    W_neigh = jax.random.normal(ks[5], (NDIM_IN, EDIM_IN), dtype=jnp.float32) * std_neigh
    b_neigh = jnp.zeros((NDIM_IN,), dtype=jnp.float32)
    # fc_edge: Linear(2*ndim_in -> edim_out), default-ish init
    std_edge = float(np.sqrt(1.0 / (2 * NDIM_IN)))
    W_edge = jax.random.normal(ks[6], (EDIM_OUT, 2 * NDIM_IN), dtype=jnp.float32) * std_edge
    b_edge = jax.random.uniform(ks[7], (EDIM_OUT,), dtype=jnp.float32, minval=-std_edge, maxval=std_edge)
    return {
        "nfeats": nfeats,
        "efeats": efeats,
        "edge_index": edge_index,
        "seeds_u": seeds_u,
        "seeds_v": seeds_v,
        "W_neigh": W_neigh,
        "b_neigh": b_neigh,
        "W_edge": W_edge,
        "b_edge": b_edge,
    }


def reference(nfeats, efeats, edge_index, seeds_u, seeds_v, W_neigh, b_neigh, W_edge, b_edge):
    # DGL block semantics: all N_NODES are dst nodes here.
    dst = edge_index[1]
    # update_all(copy_e('h','m'), mean('m','h_neigh')): mean of incoming edge feats per dst node
    sums = jax.ops.segment_sum(efeats, dst, num_segments=N_NODES)
    counts = jax.ops.segment_sum(jnp.ones((efeats.shape[0], 1), dtype=efeats.dtype), dst, num_segments=N_NODES)
    h_neigh = sums / jnp.maximum(counts, 1.0)
    # h = relu(fc_neigh(h_neigh))
    h = jax.nn.relu(h_neigh @ W_neigh.T + b_neigh)
    # edge = fc_edge(cat([h[u], h[v]], 1)); dropout_rate=0.0 -> identity
    edge_in = jnp.concatenate([h[seeds_u], h[seeds_v]], axis=1)
    edge = edge_in @ W_edge.T + b_edge
    return (h, edge)

if __name__ == "__main__":
    import jax
    _d = setup_inputs()
    print(jax.jit(kernel)(*tuple(_d.values())))

</pallas_src>

<mosaic_0001>
#map = affine_map<(d0, d1) -> (0)>
#map1 = affine_map<(d0, d1) -> (0, 0)>
module attributes {stable_mosaic.version = 14 : i64} {
  func.func @_pair_body(%arg0: i32, %arg1: i32, %arg2: memref<100000xi32, #tpu.memory_space<hbm>>, %arg3: memref<100000xi32, #tpu.memory_space<hbm>>, %arg4: memref<10240x128xf32, #tpu.memory_space<hbm>>, %arg5: memref<10240x128xf32, #tpu.memory_space<hbm>>, %arg6: memref<100000x128xf32, #tpu.memory_space<hbm>>, %arg7: memref<3136xi32, #tpu.memory_space<vmem>>, %arg8: memref<3136xi32, #tpu.memory_space<vmem>>, %arg9: memref<128x128xf32, #tpu.memory_space<vmem>>, %arg10: memref<128x128xf32, #tpu.memory_space<vmem>>, %arg11: memref<128x128xf32, #tpu.memory_space<vmem>>, %arg12: memref<128x128xf32, #tpu.memory_space<vmem>>, %arg13: memref<!tpu.dma_semaphore, #tpu.memory_space<semaphore_mem>>, %arg14: memref<!tpu.dma_semaphore, #tpu.memory_space<semaphore_mem>>, %arg15: memref<!tpu.dma_semaphore, #tpu.memory_space<semaphore_mem>>, %arg16: memref<!tpu.dma_semaphore, #tpu.memory_space<semaphore_mem>>) attributes {dimension_semantics = [#tpu.dimension_semantics<core_parallel>, #tpu.dimension_semantics<subcore_parallel>], iteration_bounds = array<i64: 2, 16>, scalar_prefetch = 0 : i64, scratch_operands = 10 : i64, tpu.core_type = #tpu.core_type<sc_vector_subcore>, window_params = [{transform_indices = #map}, {transform_indices = #map}, {transform_indices = #map1}, {transform_indices = #map1}, {transform_indices = #map1}]} {
    %mul3A = arith.constant 2 : i32
    %mul3A_0 = arith.muli %arg1, %mul3A : i32
    %add3A = arith.addi %mul3A_0, %arg0 : i32
    %lt3A = arith.constant 20 : i32
    %lt3A_1 = arith.cmpi slt, %add3A, %lt3A : i32
    %mul3A_2 = arith.constant 3128 : i32
    %mul3A_3 = arith.muli %add3A, %mul3A_2 : i32
    %sub3A = arith.constant 20 : i32
    %sub3A_4 = arith.subi %add3A, %sub3A : i32
    %mul3A_5 = arith.constant 3120 : i32
    %mul3A_6 = arith.muli %sub3A_4, %mul3A_5 : i32
    %add3A_7 = arith.constant 62560 : i32
    %add3A_8 = arith.addi %add3A_7, %mul3A_6 : i32
    %select_n3A = arith.select %lt3A_1, %mul3A_3, %add3A_8 : i32
    "tpu.region"() ({
      %run_scoped3A = tpu.sem_alloc : memref<!tpu.dma_semaphore, #tpu.memory_space<semaphore_mem>>
      %dma_start3A_40 = arith.constant 0 : i32
      %dma_start3A_41 = tpu.memref_slice %arg7[%dma_start3A_40] : memref<3136xi32, #tpu.memory_space<vmem>> -> memref<3072xi32, #tpu.memory_space<vmem>>
      %dma_start3A_42 = tpu.memref_slice %arg2[%select_n3A] : memref<100000xi32, #tpu.memory_space<hbm>> -> memref<3072xi32, #tpu.memory_space<hbm>>
      %dma_start3A_43 = arith.constant 0 : i32
      %dma_start3A_44 = tpu.memref_slice %arg7[%dma_start3A_43] : memref<3136xi32, #tpu.memory_space<vmem>> -> memref<3072xi32, #tpu.memory_space<vmem>>
      %dma_start3A_45 = tpu.memref_slice %arg2[%select_n3A] : memref<100000xi32, #tpu.memory_space<hbm>> -> memref<3072xi32, #tpu.memory_space<hbm>>
      tpu.enqueue_dma source(%dma_start3A_45 : memref<3072xi32, #tpu.memory_space<hbm>>) target(%dma_start3A_44 : memref<3072xi32, #tpu.memory_space<vmem>>) target_semaphore(%run_scoped3A : memref<!tpu.dma_semaphore, #tpu.memory_space<semaphore_mem>>)
      %dma_wait3A = arith.constant 0 : i32
      %dma_wait3A_46 = tpu.memref_slice %arg7[%dma_wait3A] : memref<3136xi32, #tpu.memory_space<vmem>> -> memref<3072xi32, #tpu.memory_space<vmem>>
      %dma_wait3A_47 = tpu.memref_slice %arg2[%select_n3A] : memref<100000xi32, #tpu.memory_space<hbm>> -> memref<3072xi32, #tpu.memory_space<hbm>>
      %dma_wait3A_48 = arith.constant 0 : i32
      %dma_wait3A_49 = tpu.memref_slice %arg7[%dma_wait3A_48] : memref<3136xi32, #tpu.memory_space<vmem>> -> memref<3072xi32, #tpu.memory_space<vmem>>
      %dma_wait3A_50 = tpu.memref_slice %arg2[%select_n3A] : memref<100000xi32, #tpu.memory_space<hbm>> -> memref<3072xi32, #tpu.memory_space<hbm>>
      tpu.wait_dma2 semaphore(%run_scoped3A : memref<!tpu.dma_semaphore, #tpu.memory_space<semaphore_mem>>) src(%dma_wait3A_50 : memref<3072xi32, #tpu.memory_space<hbm>>) dst(%dma_wait3A_49 : memref<3072xi32, #tpu.memory_space<vmem>>)
      tpu.yield
    }) : () -> ()
    "tpu.region"() ({
      %run_scoped3A = tpu.sem_alloc : memref<!tpu.dma_semaphore, #tpu.memory_space<semaphore_mem>>
      %dma_start3A_40 = arith.constant 0 : i32
      %dma_start3A_41 = tpu.memref_slice %arg8[%dma_start3A_40] : memref<3136xi32, #tpu.memory_space<vmem>> -> memref<3072xi32, #tpu.memory_space<vmem>>
      %dma_start3A_42 = tpu.memref_slice %arg3[%select_n3A] : memref<100000xi32, #tpu.memory_space<hbm>> -> memref<3072xi32, #tpu.memory_space<hbm>>
      %dma_start3A_43 = arith.constant 0 : i32
      %dma_start3A_44 = tpu.memref_slice %arg8[%dma_start3A_43] : memref<3136xi32, #tpu.memory_space<vmem>> -> memref<3072xi32, #tpu.memory_space<vmem>>
      %dma_start3A_45 = tpu.memref_slice %arg3[%select_n3A] : memref<100000xi32, #tpu.memory_space<hbm>> -> memref<3072xi32, #tpu.memory_space<hbm>>
      tpu.enqueue_dma source(%dma_start3A_45 : memref<3072xi32, #tpu.memory_space<hbm>>) target(%dma_start3A_44 : memref<3072xi32, #tpu.memory_space<vmem>>) target_semaphore(%run_scoped3A : memref<!tpu.dma_semaphore, #tpu.memory_space<semaphore_mem>>)
      %dma_wait3A = arith.constant 0 : i32
      %dma_wait3A_46 = tpu.memref_slice %arg8[%dma_wait3A] : memref<3136xi32, #tpu.memory_space<vmem>> -> memref<3072xi32, #tpu.memory_space<vmem>>
      %dma_wait3A_47 = tpu.memref_slice %arg3[%select_n3A] : memref<100000xi32, #tpu.memory_space<hbm>> -> memref<3072xi32, #tpu.memory_space<hbm>>
      %dma_wait3A_48 = arith.constant 0 : i32
      %dma_wait3A_49 = tpu.memref_slice %arg8[%dma_wait3A_48] : memref<3136xi32, #tpu.memory_space<vmem>> -> memref<3072xi32, #tpu.memory_space<vmem>>
      %dma_wait3A_50 = tpu.memref_slice %arg3[%select_n3A] : memref<100000xi32, #tpu.memory_space<hbm>> -> memref<3072xi32, #tpu.memory_space<hbm>>
      tpu.wait_dma2 semaphore(%run_scoped3A : memref<!tpu.dma_semaphore, #tpu.memory_space<semaphore_mem>>) src(%dma_wait3A_50 : memref<3072xi32, #tpu.memory_space<hbm>>) dst(%dma_wait3A_49 : memref<3072xi32, #tpu.memory_space<vmem>>)
      tpu.yield
    }) : () -> ()
    %lt3A_9 = arith.constant 20 : i32
    %lt3A_10 = arith.cmpi slt, %add3A, %lt3A_9 : i32
    %convert_element_type3A = arith.extui %lt3A_10 : i1 to i32
    %cond3A = arith.constant 0 : i32
    %cond3A_11 = arith.cmpi ne, %convert_element_type3A, %cond3A : i32
    scf.if %cond3A_11 {
      %add3A_40 = arith.constant 3072 : i32
      %add3A_41 = arith.addi %select_n3A, %add3A_40 : i32
      "tpu.region"() ({
        %run_scoped3A = tpu.sem_alloc : memref<!tpu.dma_semaphore, #tpu.memory_space<semaphore_mem>>
        %dma_start3A_44 = arith.constant 3072 : i32
        %dma_start3A_45 = tpu.memref_slice %arg7[%dma_start3A_44] : memref<3136xi32, #tpu.memory_space<vmem>> -> memref<56xi32, #tpu.memory_space<vmem>>
        %dma_start3A_46 = tpu.memref_slice %arg2[%add3A_41] : memref<100000xi32, #tpu.memory_space<hbm>> -> memref<56xi32, #tpu.memory_space<hbm>>
        %dma_start3A_47 = arith.constant 3072 : i32
        %dma_start3A_48 = tpu.memref_slice %arg7[%dma_start3A_47] : memref<3136xi32, #tpu.memory_space<vmem>> -> memref<56xi32, #tpu.memory_space<vmem>>
        %dma_start3A_49 = tpu.memref_slice %arg2[%add3A_41] : memref<100000xi32, #tpu.memory_space<hbm>> -> memref<56xi32, #tpu.memory_space<hbm>>
        tpu.enqueue_dma source(%dma_start3A_49 : memref<56xi32, #tpu.memory_space<hbm>>) target(%dma_start3A_48 : memref<56xi32, #tpu.memory_space<vmem>>) target_semaphore(%run_scoped3A : memref<!tpu.dma_semaphore, #tpu.memory_space<semaphore_mem>>)
        %dma_wait3A = arith.constant 3072 : i32
        %dma_wait3A_50 = tpu.memref_slice %arg7[%dma_wait3A] : memref<3136xi32, #tpu.memory_space<vmem>> -> memref<56xi32, #tpu.memory_space<vmem>>
        %dma_wait3A_51 = tpu.memref_slice %arg2[%add3A_41] : memref<100000xi32, #tpu.memory_space<hbm>> -> memref<56xi32, #tpu.memory_space<hbm>>
        %dma_wait3A_52 = arith.constant 3072 : i32
        %dma_wait3A_53 = tpu.memref_slice %arg7[%dma_wait3A_52] : memref<3136xi32, #tpu.memory_space<vmem>> -> memref<56xi32, #tpu.memory_space<vmem>>
        %dma_wait3A_54 = tpu.memref_slice %arg2[%add3A_41] : memref<100000xi32, #tpu.memory_space<hbm>> -> memref<56xi32, #tpu.memory_space<hbm>>
        tpu.wait_dma2 semaphore(%run_scoped3A : memref<!tpu.dma_semaphore, #tpu.memory_space<semaphore_mem>>) src(%dma_wait3A_54 : memref<56xi32, #tpu.memory_space<hbm>>) dst(%dma_wait3A_53 : memref<56xi32, #tpu.memory_space<vmem>>)
        tpu.yield
      }) : () -> ()
      %add3A_42 = arith.constant 3072 : i32
      %add3A_43 = arith.addi %select_n3A, %add3A_42 : i32
      "tpu.region"() ({
        %run_scoped3A = tpu.sem_alloc : memref<!tpu.dma_semaphore, #tpu.memory_space<semaphore_mem>>
        %dma_start3A_44 = arith.constant 3072 : i32
        %dma_start3A_45 = tpu.memref_slice %arg8[%dma_start3A_44] : memref<3136xi32, #tpu.memory_space<vmem>> -> memref<56xi32, #tpu.memory_space<vmem>>
        %dma_start3A_46 = tpu.memref_slice %arg3[%add3A_43] : memref<100000xi32, #tpu.memory_space<hbm>> -> memref<56xi32, #tpu.memory_space<hbm>>
        %dma_start3A_47 = arith.constant 3072 : i32
        %dma_start3A_48 = tpu.memref_slice %arg8[%dma_start3A_47] : memref<3136xi32, #tpu.memory_space<vmem>> -> memref<56xi32, #tpu.memory_space<vmem>>
        %dma_start3A_49 = tpu.memref_slice %arg3[%add3A_43] : memref<100000xi32, #tpu.memory_space<hbm>> -> memref<56xi32, #tpu.memory_space<hbm>>
        tpu.enqueue_dma source(%dma_start3A_49 : memref<56xi32, #tpu.memory_space<hbm>>) target(%dma_start3A_48 : memref<56xi32, #tpu.memory_space<vmem>>) target_semaphore(%run_scoped3A : memref<!tpu.dma_semaphore, #tpu.memory_space<semaphore_mem>>)
        %dma_wait3A = arith.constant 3072 : i32
        %dma_wait3A_50 = tpu.memref_slice %arg8[%dma_wait3A] : memref<3136xi32, #tpu.memory_space<vmem>> -> memref<56xi32, #tpu.memory_space<vmem>>
        %dma_wait3A_51 = tpu.memref_slice %arg3[%add3A_43] : memref<100000xi32, #tpu.memory_space<hbm>> -> memref<56xi32, #tpu.memory_space<hbm>>
        %dma_wait3A_52 = arith.constant 3072 : i32
        %dma_wait3A_53 = tpu.memref_slice %arg8[%dma_wait3A_52] : memref<3136xi32, #tpu.memory_space<vmem>> -> memref<56xi32, #tpu.memory_space<vmem>>
        %dma_wait3A_54 = tpu.memref_slice %arg3[%add3A_43] : memref<100000xi32, #tpu.memory_space<hbm>> -> memref<56xi32, #tpu.memory_space<hbm>>
        tpu.wait_dma2 semaphore(%run_scoped3A : memref<!tpu.dma_semaphore, #tpu.memory_space<semaphore_mem>>) src(%dma_wait3A_54 : memref<56xi32, #tpu.memory_space<hbm>>) dst(%dma_wait3A_53 : memref<56xi32, #tpu.memory_space<vmem>>)
        tpu.yield
      }) : () -> ()
    } else {
    }
    %ge3A = arith.constant 20 : i32
    %ge3A_12 = arith.cmpi sge, %add3A, %ge3A : i32
    %convert_element_type3A_13 = arith.extui %ge3A_12 : i1 to i32
    %cond3A_14 = arith.constant 0 : i32
    %cond3A_15 = arith.cmpi ne, %convert_element_type3A_13, %cond3A_14 : i32
    scf.if %cond3A_15 {
      %add3A_40 = arith.constant 3072 : i32
      %add3A_41 = arith.addi %select_n3A, %add3A_40 : i32
      "tpu.region"() ({
        %run_scoped3A = tpu.sem_alloc : memref<!tpu.dma_semaphore, #tpu.memory_space<semaphore_mem>>
        %dma_start3A_44 = arith.constant 3072 : i32
        %dma_start3A_45 = tpu.memref_slice %arg7[%dma_start3A_44] : memref<3136xi32, #tpu.memory_space<vmem>> -> memref<48xi32, #tpu.memory_space<vmem>>
        %dma_start3A_46 = tpu.memref_slice %arg2[%add3A_41] : memref<100000xi32, #tpu.memory_space<hbm>> -> memref<48xi32, #tpu.memory_space<hbm>>
        %dma_start3A_47 = arith.constant 3072 : i32
        %dma_start3A_48 = tpu.memref_slice %arg7[%dma_start3A_47] : memref<3136xi32, #tpu.memory_space<vmem>> -> memref<48xi32, #tpu.memory_space<vmem>>
        %dma_start3A_49 = tpu.memref_slice %arg2[%add3A_41] : memref<100000xi32, #tpu.memory_space<hbm>> -> memref<48xi32, #tpu.memory_space<hbm>>
        tpu.enqueue_dma source(%dma_start3A_49 : memref<48xi32, #tpu.memory_space<hbm>>) target(%dma_start3A_48 : memref<48xi32, #tpu.memory_space<vmem>>) target_semaphore(%run_scoped3A : memref<!tpu.dma_semaphore, #tpu.memory_space<semaphore_mem>>)
        %dma_wait3A = arith.constant 3072 : i32
        %dma_wait3A_50 = tpu.memref_slice %arg7[%dma_wait3A] : memref<3136xi32, #tpu.memory_space<vmem>> -> memref<48xi32, #tpu.memory_space<vmem>>
        %dma_wait3A_51 = tpu.memref_slice %arg2[%add3A_41] : memref<100000xi32, #tpu.memory_space<hbm>> -> memref<48xi32, #tpu.memory_space<hbm>>
        %dma_wait3A_52 = arith.constant 3072 : i32
        %dma_wait3A_53 = tpu.memref_slice %arg7[%dma_wait3A_52] : memref<3136xi32, #tpu.memory_space<vmem>> -> memref<48xi32, #tpu.memory_space<vmem>>
        %dma_wait3A_54 = tpu.memref_slice %arg2[%add3A_41] : memref<100000xi32, #tpu.memory_space<hbm>> -> memref<48xi32, #tpu.memory_space<hbm>>
        tpu.wait_dma2 semaphore(%run_scoped3A : memref<!tpu.dma_semaphore, #tpu.memory_space<semaphore_mem>>) src(%dma_wait3A_54 : memref<48xi32, #tpu.memory_space<hbm>>) dst(%dma_wait3A_53 : memref<48xi32, #tpu.memory_space<vmem>>)
        tpu.yield
      }) : () -> ()
      %add3A_42 = arith.constant 3072 : i32
      %add3A_43 = arith.addi %select_n3A, %add3A_42 : i32
      "tpu.region"() ({
        %run_scoped3A = tpu.sem_alloc : memref<!tpu.dma_semaphore, #tpu.memory_space<semaphore_mem>>
        %dma_start3A_44 = arith.constant 3072 : i32
        %dma_start3A_45 = tpu.memref_slice %arg8[%dma_start3A_44] : memref<3136xi32, #tpu.memory_space<vmem>> -> memref<48xi32, #tpu.memory_space<vmem>>
        %dma_start3A_46 = tpu.memref_slice %arg3[%add3A_43] : memref<100000xi32, #tpu.memory_space<hbm>> -> memref<48xi32, #tpu.memory_space<hbm>>
        %dma_start3A_47 = arith.constant 3072 : i32
        %dma_start3A_48 = tpu.memref_slice %arg8[%dma_start3A_47] : memref<3136xi32, #tpu.memory_space<vmem>> -> memref<48xi32, #tpu.memory_space<vmem>>
        %dma_start3A_49 = tpu.memref_slice %arg3[%add3A_43] : memref<100000xi32, #tpu.memory_space<hbm>> -> memref<48xi32, #tpu.memory_space<hbm>>
        tpu.enqueue_dma source(%dma_start3A_49 : memref<48xi32, #tpu.memory_space<hbm>>) target(%dma_start3A_48 : memref<48xi32, #tpu.memory_space<vmem>>) target_semaphore(%run_scoped3A : memref<!tpu.dma_semaphore, #tpu.memory_space<semaphore_mem>>)
        %dma_wait3A = arith.constant 3072 : i32
        %dma_wait3A_50 = tpu.memref_slice %arg8[%dma_wait3A] : memref<3136xi32, #tpu.memory_space<vmem>> -> memref<48xi32, #tpu.memory_space<vmem>>
        %dma_wait3A_51 = tpu.memref_slice %arg3[%add3A_43] : memref<100000xi32, #tpu.memory_space<hbm>> -> memref<48xi32, #tpu.memory_space<hbm>>
        %dma_wait3A_52 = arith.constant 3072 : i32
        %dma_wait3A_53 = tpu.memref_slice %arg8[%dma_wait3A_52] : memref<3136xi32, #tpu.memory_space<vmem>> -> memref<48xi32, #tpu.memory_space<vmem>>
        %dma_wait3A_54 = tpu.memref_slice %arg3[%add3A_43] : memref<100000xi32, #tpu.memory_space<hbm>> -> memref<48xi32, #tpu.memory_space<hbm>>
        tpu.wait_dma2 semaphore(%run_scoped3A : memref<!tpu.dma_semaphore, #tpu.memory_space<semaphore_mem>>) src(%dma_wait3A_54 : memref<48xi32, #tpu.memory_space<hbm>>) dst(%dma_wait3A_53 : memref<48xi32, #tpu.memory_space<vmem>>)
        tpu.yield
      }) : () -> ()
    } else {
    }
    %dma_start3A = arith.constant 0 : i32
    %dma_start3A_16 = tpu.memref_slice %arg7[%dma_start3A] : memref<3136xi32, #tpu.memory_space<vmem>> -> memref<128xi32, #tpu.memory_space<vmem>>
    %dma_start3A_17 = arith.constant 0 : i32
    %dma_start3A_18 = arith.constant 0 : i32
    %dma_start3A_19 = tpu.memref_slice %arg4[%dma_start3A_17, %dma_start3A_18] : memref<10240x128xf32, #tpu.memory_space<hbm>> -> memref<10240x128xf32, #tpu.memory_space<hbm>>
    tpu.enqueue_indirect_dma source(%dma_start3A_19 : memref<10240x128xf32, #tpu.memory_space<hbm>>) target(%arg9 : memref<128x128xf32, #tpu.memory_space<vmem>>) offsets(%dma_start3A_16 : memref<128xi32, #tpu.memory_space<vmem>>) semaphore(%arg13 : memref<!tpu.dma_semaphore, #tpu.memory_space<semaphore_mem>>)
    %dma_start3A_20 = arith.constant 0 : i32
    %dma_start3A_21 = tpu.memref_slice %arg8[%dma_start3A_20] : memref<3136xi32, #tpu.memory_space<vmem>> -> memref<128xi32, #tpu.memory_space<vmem>>
    %dma_start3A_22 = arith.constant 0 : i32
    %dma_start3A_23 = arith.constant 0 : i32
    %dma_start3A_24 = tpu.memref_slice %arg5[%dma_start3A_22, %dma_start3A_23] : memref<10240x128xf32, #tpu.memory_space<hbm>> -> memref<10240x128xf32, #tpu.memory_space<hbm>>
    tpu.enqueue_indirect_dma source(%dma_start3A_24 : memref<10240x128xf32, #tpu.memory_space<hbm>>) target(%arg10 : memref<128x128xf32, #tpu.memory_space<vmem>>) offsets(%dma_start3A_21 : memref<128xi32, #tpu.memory_space<vmem>>) semaphore(%arg14 : memref<!tpu.dma_semaphore, #tpu.memory_space<semaphore_mem>>)
    %scan3A = arith.constant 0 : i32
    %scan3A_25 = arith.constant 0 : i32
    %scan3A_26 = arith.constant 12 : i32
    %scan3A_27 = arith.addi %scan3A_25, %scan3A_26 : i32
    %scan3A_28 = arith.constant 1 : i32
    scf.for %scan3A_40 = %scan3A_25 to %scan3A_27 step %scan3A_28  : i32 {
      %mul3A_41 = arith.constant 2 : i32
      %mul3A_42 = arith.muli %mul3A_41, %scan3A_40 : i32
      %add3A_43 = arith.constant 1 : i32
      %add3A_44 = arith.addi %mul3A_42, %add3A_43 : i32
      %mul3A_45 = arith.constant 128 : i32
      %mul3A_46 = arith.muli %add3A_44, %mul3A_45 : i32
      %dma_start3A_47 = tpu.memref_slice %arg7[%mul3A_46] : memref<3136xi32, #tpu.memory_space<vmem>> -> memref<128xi32, #tpu.memory_space<vmem>>
      %dma_start3A_48 = arith.constant 0 : i32
      %dma_start3A_49 = arith.constant 0 : i32
      %dma_start3A_50 = tpu.memref_slice %arg4[%dma_start3A_48, %dma_start3A_49] : memref<10240x128xf32, #tpu.memory_space<hbm>> -> memref<10240x128xf32, #tpu.memory_space<hbm>>
      tpu.enqueue_indirect_dma source(%dma_start3A_50 : memref<10240x128xf32, #tpu.memory_space<hbm>>) target(%arg11 : memref<128x128xf32, #tpu.memory_space<vmem>>) offsets(%dma_start3A_47 : memref<128xi32, #tpu.memory_space<vmem>>) semaphore(%arg15 : memref<!tpu.dma_semaphore, #tpu.memory_space<semaphore_mem>>)
      %mul3A_51 = arith.constant 128 : i32
      %mul3A_52 = arith.muli %add3A_44, %mul3A_51 : i32
      %dma_start3A_53 = tpu.memref_slice %arg8[%mul3A_52] : memref<3136xi32, #tpu.memory_space<vmem>> -> memref<128xi32, #tpu.memory_space<vmem>>
      %dma_start3A_54 = arith.constant 0 : i32
      %dma_start3A_55 = arith.constant 0 : i32
      %dma_start3A_56 = tpu.memref_slice %arg5[%dma_start3A_54, %dma_start3A_55] : memref<10240x128xf32, #tpu.memory_space<hbm>> -> memref<10240x128xf32, #tpu.memory_space<hbm>>
      tpu.enqueue_indirect_dma source(%dma_start3A_56 : memref<10240x128xf32, #tpu.memory_space<hbm>>) target(%arg12 : memref<128x128xf32, #tpu.memory_space<vmem>>) offsets(%dma_start3A_53 : memref<128xi32, #tpu.memory_space<vmem>>) semaphore(%arg16 : memref<!tpu.dma_semaphore, #tpu.memory_space<semaphore_mem>>)
      %mul3A_57 = arith.constant 128 : i32
      %mul3A_58 = arith.muli %mul3A_42, %mul3A_57 : i32
      %dma_wait3A = tpu.memref_slice %arg7[%mul3A_58] : memref<3136xi32, #tpu.memory_space<vmem>> -> memref<128xi32, #tpu.memory_space<vmem>>
      %dma_wait3A_59 = arith.constant 0 : i32
      %dma_wait3A_60 = arith.constant 0 : i32
      %dma_wait3A_61 = tpu.memref_slice %arg4[%dma_wait3A_59, %dma_wait3A_60] : memref<10240x128xf32, #tpu.memory_space<hbm>> -> memref<10240x128xf32, #tpu.memory_space<hbm>>
      tpu.wait_indirect_dma semaphore(%arg13 : memref<!tpu.dma_semaphore, #tpu.memory_space<semaphore_mem>>) src(%dma_wait3A_61 : memref<10240x128xf32, #tpu.memory_space<hbm>>) dst(%arg9 : memref<128x128xf32, #tpu.memory_space<vmem>>)
      %mul3A_62 = arith.constant 128 : i32
      %mul3A_63 = arith.muli %mul3A_42, %mul3A_62 : i32
      %dma_wait3A_64 = tpu.memref_slice %arg8[%mul3A_63] : memref<3136xi32, #tpu.memory_space<vmem>> -> memref<128xi32, #tpu.memory_space<vmem>>
      %dma_wait3A_65 = arith.constant 0 : i32
      %dma_wait3A_66 = arith.constant 0 : i32
      %dma_wait3A_67 = tpu.memref_slice %arg5[%dma_wait3A_65, %dma_wait3A_66] : memref<10240x128xf32, #tpu.memory_space<hbm>> -> memref<10240x128xf32, #tpu.memory_space<hbm>>
      tpu.wait_indirect_dma semaphore(%arg14 : memref<!tpu.dma_semaphore, #tpu.memory_space<semaphore_mem>>) src(%dma_wait3A_67 : memref<10240x128xf32, #tpu.memory_space<hbm>>) dst(%arg10 : memref<128x128xf32, #tpu.memory_space<vmem>>)
      %scan3A_68 = arith.constant 0 : i32
      %scan3A_69 = arith.constant 0 : i32
      %scan3A_70 = arith.constant 64 : i32
      %scan3A_71 = arith.addi %scan3A_69, %scan3A_70 : i32
      %scan3A_72 = arith.constant 1 : i32
      scf.for %scan3A_109 = %scan3A_69 to %scan3A_71 step %scan3A_72  : i32 {
        %mul3A_110 = arith.constant 2 : i32
        %mul3A_111 = arith.muli %scan3A_109, %mul3A_110 : i32
        %add3A_112 = arith.constant 0 : i32
        %add3A_113 = arith.addi %mul3A_111, %add3A_112 : i32
        %get3A = arith.index_cast %add3A_113 : i32 to index
        %get3A_114 = arith.constant 0 : index
        %get3A_115 = tpu.vector_load %arg9[%get3A, %get3A_114] {strides = array<i32>} : memref<128x128xf32, #tpu.memory_space<vmem>>, vector<16xf32>,
        %get3A_116 = arith.index_cast %add3A_113 : i32 to index
        %get3A_117 = arith.constant 0 : index
        %get3A_118 = tpu.vector_load %arg10[%get3A_116, %get3A_117] {strides = array<i32>} : memref<128x128xf32, #tpu.memory_space<vmem>>, vector<16xf32>,
        %add3A_119 = arith.addf %get3A_115, %get3A_118 : vector<16xf32>
        %swap3A = arith.index_cast %add3A_113 : i32 to index
        %swap3A_120 = arith.constant 0 : index
        %swap3A_121 = tpu.vector_load %arg9[%swap3A, %swap3A_120] {strides = array<i32>} : memref<128x128xf32, #tpu.memory_space<vmem>>, vector<16xf32>,
        tpu.vector_store %arg9[%swap3A, %swap3A_120], %add3A_119 {strides = array<i32>} : memref<128x128xf32, #tpu.memory_space<vmem>>, vector<16xf32>,
        %get3A_122 = arith.index_cast %add3A_113 : i32 to index
        %get3A_123 = arith.constant 16 : index
        %get3A_124 = tpu.vector_load %arg9[%get3A_122, %get3A_123] {strides = array<i32>} : memref<128x128xf32, #tpu.memory_space<vmem>>, vector<16xf32>,
        %get3A_125 = arith.index_cast %add3A_113 : i32 to index
        %get3A_126 = arith.constant 16 : index
        %get3A_127 = tpu.vector_load %arg10[%get3A_125, %get3A_126] {strides = array<i32>} : memref<128x128xf32, #tpu.memory_space<vmem>>, vector<16xf32>,
        %add3A_128 = arith.addf %get3A_124, %get3A_127 : vector<16xf32>
        %swap3A_129 = arith.index_cast %add3A_113 : i32 to index
        %swap3A_130 = arith.constant 16 : index
        %swap3A_131 = tpu.vector_load %arg9[%swap3A_129, %swap3A_130] {strides = array<i32>} : memref<128x128xf32, #tpu.memory_space<vmem>>, vector<16xf32>,
        tpu.vector_store %arg9[%swap3A_129, %swap3A_130], %add3A_128 {strides = array<i32>} : memref<128x128xf32, #tpu.memory_space<vmem>>, vector<16xf32>,
        %get3A_132 = arith.index_cast %add3A_113 : i32 to index
        %get3A_133 = arith.constant 32 : index
        %get3A_134 = tpu.vector_load %arg9[%get3A_132, %get3A_133] {strides = array<i32>} : memref<128x128xf32, #tpu.memory_space<vmem>>, vector<16xf32>,
        %get3A_135 = arith.index_cast %add3A_113 : i32 to index
        %get3A_136 = arith.constant 32 : index
        %get3A_137 = tpu.vector_load %arg10[%get3A_135, %get3A_136] {strides = array<i32>} : memref<128x128xf32, #tpu.memory_space<vmem>>, vector<16xf32>,
        %add3A_138 = arith.addf %get3A_134, %get3A_137 : vector<16xf32>
        %swap3A_139 = arith.index_cast %add3A_113 : i32 to index
        %swap3A_140 = arith.constant 32 : index
        %swap3A_141 = tpu.vector_load %arg9[%swap3A_139, %swap3A_140] {strides = array<i32>} : memref<128x128xf32, #tpu.memory_space<vmem>>, vector<16xf32>,
        tpu.vector_store %arg9[%swap3A_139, %swap3A_140], %add3A_138 {strides = array<i32>} : memref<128x128xf32, #tpu.memory_space<vmem>>, vector<16xf32>,
        %get3A_142 = arith.index_cast %add3A_113 : i32 to index
        %get3A_143 = arith.constant 48 : index
        %get3A_144 = tpu.vector_load %arg9[%get3A_142, %get3A_143] {strides = array<i32>} : memref<128x128xf32, #tpu.memory_space<vmem>>, vector<16xf32>,
        %get3A_145 = arith.index_cast %add3A_113 : i32 to index
        %get3A_146 = arith.constant 48 : index
        %get3A_147 = tpu.vector_load %arg10[%get3A_145, %get3A_146] {strides = array<i32>} : memref<128x128xf32, #tpu.memory_space<vmem>>, vector<16xf32>,
        %add3A_148 = arith.addf %get3A_144, %get3A_147 : vector<16xf32>
        %swap3A_149 = arith.index_cast %add3A_113 : i32 to index
        %swap3A_150 = arith.constant 48 : index
        %swap3A_151 = tpu.vector_load %arg9[%swap3A_149, %swap3A_150] {strides = array<i32>} : memref<128x128xf32, #tpu.memory_space<vmem>>, vector<16xf32>,
        tpu.vector_store %arg9[%swap3A_149, %swap3A_150], %add3A_148 {strides = array<i32>} : memref<128x128xf32, #tpu.memory_space<vmem>>, vector<16xf32>,
        %get3A_152 = arith.index_cast %add3A_113 : i32 to index
        %get3A_153 = arith.constant 64 : index
        %get3A_154 = tpu.vector_load %arg9[%get3A_152, %get3A_153] {strides = array<i32>} : memref<128x128xf32, #tpu.memory_space<vmem>>, vector<16xf32>,
        %get3A_155 = arith.index_cast %add3A_113 : i32 to index
        %get3A_156 = arith.constant 64 : index
        %get3A_157 = tpu.vector_load %arg10[%get3A_155, %get3A_156] {strides = array<i32>} : memref<128x128xf32, #tpu.memory_space<vmem>>, vector<16xf32>,
        %add3A_158 = arith.addf %get3A_154, %get3A_157 : vector<16xf32>
        %swap3A_159 = arith.index_cast %add3A_113 : i32 to index
        %swap3A_160 = arith.constant 64 : index
        %swap3A_161 = tpu.vector_load %arg9[%swap3A_159, %swap3A_160] {strides = array<i32>} : memref<128x128xf32, #tpu.memory_space<vmem>>, vector<16xf32>,
        tpu.vector_store %arg9[%swap3A_159, %swap3A_160], %add3A_158 {strides = array<i32>} : memref<128x128xf32, #tpu.memory_space<vmem>>, vector<16xf32>,
        %get3A_162 = arith.index_cast %add3A_113 : i32 to index
        %get3A_163 = arith.constant 80 : index
        %get3A_164 = tpu.vector_load %arg9[%get3A_162, %get3A_163] {strides = array<i32>} : memref<128x128xf32, #tpu.memory_space<vmem>>, vector<16xf32>,
        %get3A_165 = arith.index_cast %add3A_113 : i32 to index
        %get3A_166 = arith.constant 80 : index
        %get3A_167 = tpu.vector_load %arg10[%get3A_165, %get3A_166] {strides = array<i32>} : memref<128x128xf32, #tpu.memory_space<vmem>>, vector<16xf32>,
        %add3A_168 = arith.addf %get3A_164, %get3A_167 : vector<16xf32>
        %swap3A_169 = arith.index_cast %add3A_113 : i32 to index
        %swap3A_170 = arith.constant 80 : index
        %swap3A_171 = tpu.vector_load %arg9[%swap3A_169, %swap3A_170] {strides = array<i32>} : memref<128x128xf32, #tpu.memory_space<vmem>>, vector<16xf32>,
        tpu.vector_store %arg9[%swap3A_169, %swap3A_170], %add3A_168 {strides = array<i32>} : memref<128x128xf32, #tpu.memory_space<vmem>>, vector<16xf32>,
        %get3A_172 = arith.index_cast %add3A_113 : i32 to index
        %get3A_173 = arith.constant 96 : index
        %get3A_174 = tpu.vector_load %arg9[%get3A_172, %get3A_173] {strides = array<i32>} : memref<128x128xf32, #tpu.memory_space<vmem>>, vector<16xf32>,
        %get3A_175 = arith.index_cast %add3A_113 : i32 to index
        %get3A_176 = arith.constant 96 : index
        %get3A_177 = tpu.vector_load %arg10[%get3A_175, %get3A_176] {strides = array<i32>} : memref<128x128xf32, #tpu.memory_space<vmem>>, vector<16xf32>,
        %add3A_178 = arith.addf %get3A_174, %get3A_177 : vector<16xf32>
        %swap3A_179 = arith.index_cast %add3A_113 : i32 to index
        %swap3A_180 = arith.constant 96 : index
        %swap3A_181 = tpu.vector_load %arg9[%swap3A_179, %swap3A_180] {strides = array<i32>} : memref<128x128xf32, #tpu.memory_space<vmem>>, vector<16xf32>,
        tpu.vector_store %arg9[%swap3A_179, %swap3A_180], %add3A_178 {strides = array<i32>} : memref<128x128xf32, #tpu.memory_space<vmem>>, vector<16xf32>,
        %get3A_182 = arith.index_cast %add3A_113 : i32 to index
        %get3A_183 = arith.constant 112 : index
        %get3A_184 = tpu.vector_load %arg9[%get3A_182, %get3A_183] {strides = array<i32>} : memref<128x128xf32, #tpu.memory_space<vmem>>, vector<16xf32>,
        %get3A_185 = arith.index_cast %add3A_113 : i32 to index
        %get3A_186 = arith.constant 112 : index
        %get3A_187 = tpu.vector_load %arg10[%get3A_185, %get3A_186] {strides = array<i32>} : memref<128x128xf32, #tpu.memory_space<vmem>>, vector<16xf32>,
        %add3A_188 = arith.addf %get3A_184, %get3A_187 : vector<16xf32>
        %swap3A_189 = arith.index_cast %add3A_113 : i32 to index
        %swap3A_190 = arith.constant 112 : index
        %swap3A_191 = tpu.vector_load %arg9[%swap3A_189, %swap3A_190] {strides = array<i32>} : memref<128x128xf32, #tpu.memory_space<vmem>>, vector<16xf32>,
        tpu.vector_store %arg9[%swap3A_189, %swap3A_190], %add3A_188 {strides = array<i32>} : memref<128x128xf32, #tpu.memory_space<vmem>>, vector<16xf32>,
        %mul3A_192 = arith.constant 2 : i32
        %mul3A_193 = arith.muli %scan3A_109, %mul3A_192 : i32
        %add3A_194 = arith.constant 1 : i32
        %add3A_195 = arith.addi %mul3A_193, %add3A_194 : i32
        %get3A_196 = arith.index_cast %add3A_195 : i32 to index
        %get3A_197 = arith.constant 0 : index
        %get3A_198 = tpu.vector_load %arg9[%get3A_196, %get3A_197] {strides = array<i32>} : memref<128x128xf32, #tpu.memory_space<vmem>>, vector<16xf32>,
        %get3A_199 = arith.index_cast %add3A_195 : i32 to index
        %get3A_200 = arith.constant 0 : index
        %get3A_201 = tpu.vector_load %arg10[%get3A_199, %get3A_200] {strides = array<i32>} : memref<128x128xf32, #tpu.memory_space<vmem>>, vector<16xf32>,
        %add3A_202 = arith.addf %get3A_198, %get3A_201 : vector<16xf32>
        %swap3A_203 = arith.index_cast %add3A_195 : i32 to index
        %swap3A_204 = arith.constant 0 : index
        %swap3A_205 = tpu.vector_load %arg9[%swap3A_203, %swap3A_204] {strides = array<i32>} : memref<128x128xf32, #tpu.memory_space<vmem>>, vector<16xf32>,
        tpu.vector_store %arg9[%swap3A_203, %swap3A_204], %add3A_202 {strides = array<i32>} : memref<128x128xf32, #tpu.memory_space<vmem>>, vector<16xf32>,
        %get3A_206 = arith.index_cast %add3A_195 : i32 to index
        %get3A_207 = arith.constant 16 : index
        %get3A_208 = tpu.vector_load %arg9[%get3A_206, %get3A_207] {strides = array<i32>} : memref<128x128xf32, #tpu.memory_space<vmem>>, vector<16xf32>,
        %get3A_209 = arith.index_cast %add3A_195 : i32 to index
        %get3A_210 = arith.constant 16 : index
        %get3A_211 = tpu.vector_load %arg10[%get3A_209, %get3A_210] {strides = array<i32>} : memref<128x128xf32, #tpu.memory_space<vmem>>, vector<16xf32>,
        %add3A_212 = arith.addf %get3A_208, %get3A_211 : vector<16xf32>
        %swap3A_213 = arith.index_cast %add3A_195 : i32 to index
        %swap3A_214 = arith.constant 16 : index
        %swap3A_215 = tpu.vector_load %arg9[%swap3A_213, %swap3A_214] {strides = array<i32>} : memref<128x128xf32, #tpu.memory_space<vmem>>, vector<16xf32>,
        tpu.vector_store %arg9[%swap3A_213, %swap3A_214], %add3A_212 {strides = array<i32>} : memref<128x128xf32, #tpu.memory_space<vmem>>, vector<16xf32>,
        %get3A_216 = arith.index_cast %add3A_195 : i32 to index
        %get3A_217 = arith.constant 32 : index
        %get3A_218 = tpu.vector_load %arg9[%get3A_216, %get3A_217] {strides = array<i32>} : memref<128x128xf32, #tpu.memory_space<vmem>>, vector<16xf32>,
        %get3A_219 = arith.index_cast %add3A_195 : i32 to index
        %get3A_220 = arith.constant 32 : index
        %get3A_221 = tpu.vector_load %arg10[%get3A_219, %get3A_220] {strides = array<i32>} : memref<128x128xf32, #tpu.memory_space<vmem>>, vector<16xf32>,
        %add3A_222 = arith.addf %get3A_218, %get3A_221 : vector<16xf32>
        %swap3A_223 = arith.index_cast %add3A_195 : i32 to index
        %swap3A_224 = arith.constant 32 : index
        %swap3A_225 = tpu.vector_load %arg9[%swap3A_223, %swap3A_224] {strides = array<i32>} : memref<128x128xf32, #tpu.memory_space<vmem>>, vector<16xf32>,
        tpu.vector_store %arg9[%swap3A_223, %swap3A_224], %add3A_222 {strides = array<i32>} : memref<128x128xf32, #tpu.memory_space<vmem>>, vector<16xf32>,
        %get3A_226 = arith.index_cast %add3A_195 : i32 to index
        %get3A_227 = arith.constant 48 : index
        %get3A_228 = tpu.vector_load %arg9[%get3A_226, %get3A_227] {strides = array<i32>} : memref<128x128xf32, #tpu.memory_space<vmem>>, vector<16xf32>,
        %get3A_229 = arith.index_cast %add3A_195 : i32 to index
        %get3A_230 = arith.constant 48 : index
        %get3A_231 = tpu.vector_load %arg10[%get3A_229, %get3A_230] {strides = array<i32>} : memref<128x128xf32, #tpu.memory_space<vmem>>, vector<16xf32>,
        %add3A_232 = arith.addf %get3A_228, %get3A_231 : vector<16xf32>
        %swap3A_233 = arith.index_cast %add3A_195 : i32 to index
        %swap3A_234 = arith.constant 48 : index
        %swap3A_235 = tpu.vector_load %arg9[%swap3A_233, %swap3A_234] {strides = array<i32>} : memref<128x128xf32, #tpu.memory_space<vmem>>, vector<16xf32>,
        tpu.vector_store %arg9[%swap3A_233, %swap3A_234], %add3A_232 {strides = array<i32>} : memref<128x128xf32, #tpu.memory_space<vmem>>, vector<16xf32>,
        %get3A_236 = arith.index_cast %add3A_195 : i32 to index
        %get3A_237 = arith.constant 64 : index
        %get3A_238 = tpu.vector_load %arg9[%get3A_236, %get3A_237] {strides = array<i32>} : memref<128x128xf32, #tpu.memory_space<vmem>>, vector<16xf32>,
        %get3A_239 = arith.index_cast %add3A_195 : i32 to index
        %get3A_240 = arith.constant 64 : index
        %get3A_241 = tpu.vector_load %arg10[%get3A_239, %get3A_240] {strides = array<i32>} : memref<128x128xf32, #tpu.memory_space<vmem>>, vector<16xf32>,
        %add3A_242 = arith.addf %get3A_238, %get3A_241 : vector<16xf32>
        %swap3A_243 = arith.index_cast %add3A_195 : i32 to index
        %swap3A_244 = arith.constant 64 : index
        %swap3A_245 = tpu.vector_load %arg9[%swap3A_243, %swap3A_244] {strides = array<i32>} : memref<128x128xf32, #tpu.memory_space<vmem>>, vector<16xf32>,
        tpu.vector_store %arg9[%swap3A_243, %swap3A_244], %add3A_242 {strides = array<i32>} : memref<128x128xf32, #tpu.memory_space<vmem>>, vector<16xf32>,
        %get3A_246 = arith.index_cast %add3A_195 : i32 to index
        %get3A_247 = arith.constant 80 : index
        %get3A_248 = tpu.vector_load %arg9[%get3A_246, %get3A_247] {strides = array<i32>} : memref<128x128xf32, #tpu.memory_space<vmem>>, vector<16xf32>,
        %get3A_249 = arith.index_cast %add3A_195 : i32 to index
        %get3A_250 = arith.constant 80 : index
        %get3A_251 = tpu.vector_load %arg10[%get3A_249, %get3A_250] {strides = array<i32>} : memref<128x128xf32, #tpu.memory_space<vmem>>, vector<16xf32>,
        %add3A_252 = arith.addf %get3A_248, %get3A_251 : vector<16xf32>
        %swap3A_253 = arith.index_cast %add3A_195 : i32 to index
        %swap3A_254 = arith.constant 80 : index
        %swap3A_255 = tpu.vector_load %arg9[%swap3A_253, %swap3A_254] {strides = array<i32>} : memref<128x128xf32, #tpu.memory_space<vmem>>, vector<16xf32>,
        tpu.vector_store %arg9[%swap3A_253, %swap3A_254], %add3A_252 {strides = array<i32>} : memref<128x128xf32, #tpu.memory_space<vmem>>, vector<16xf32>,
        %get3A_256 = arith.index_cast %add3A_195 : i32 to index
        %get3A_257 = arith.constant 96 : index
        %get3A_258 = tpu.vector_load %arg9[%get3A_256, %get3A_257] {strides = array<i32>} : memref<128x128xf32, #tpu.memory_space<vmem>>, vector<16xf32>,
        %get3A_259 = arith.index_cast %add3A_195 : i32 to index
        %get3A_260 = arith.constant 96 : index
        %get3A_261 = tpu.vector_load %arg10[%get3A_259, %get3A_260] {strides = array<i32>} : memref<128x128xf32, #tpu.memory_space<vmem>>, vector<16xf32>,
        %add3A_262 = arith.addf %get3A_258, %get3A_261 : vector<16xf32>
        %swap3A_263 = arith.index_cast %add3A_195 : i32 to index
        %swap3A_264 = arith.constant 96 : index
        %swap3A_265 = tpu.vector_load %arg9[%swap3A_263, %swap3A_264] {strides = array<i32>} : memref<128x128xf32, #tpu.memory_space<vmem>>, vector<16xf32>,
        tpu.vector_store %arg9[%swap3A_263, %swap3A_264], %add3A_262 {strides = array<i32>} : memref<128x128xf32, #tpu.memory_space<vmem>>, vector<16xf32>,
        %get3A_266 = arith.index_cast %add3A_195 : i32 to index
        %get3A_267 = arith.constant 112 : index
        %get3A_268 = tpu.vector_load %arg9[%get3A_266, %get3A_267] {strides = array<i32>} : memref<128x128xf32, #tpu.memory_space<vmem>>, vector<16xf32>,
        %get3A_269 = arith.index_cast %add3A_195 : i32 to index
        %get3A_270 = arith.constant 112 : index
        %get3A_271 = tpu.vector_load %arg10[%get3A_269, %get3A_270] {strides = array<i32>} : memref<128x128xf32, #tpu.memory_space<vmem>>, vector<16xf32>,
        %add3A_272 = arith.addf %get3A_268, %get3A_271 : vector<16xf32>
        %swap3A_273 = arith.index_cast %add3A_195 : i32 to index
        %swap3A_274 = arith.constant 112 : index
        %swap3A_275 = tpu.vector_load %arg9[%swap3A_273, %swap3A_274] {strides = array<i32>} : memref<128x128xf32, #tpu.memory_space<vmem>>, vector<16xf32>,
        tpu.vector_store %arg9[%swap3A_273, %swap3A_274], %add3A_272 {strides = array<i32>} : memref<128x128xf32, #tpu.memory_space<vmem>>, vector<16xf32>,
      }
      %scan3A_73 = arith.constant 64 : i32
      %mul3A_74 = arith.constant 128 : i32
      %mul3A_75 = arith.muli %mul3A_42, %mul3A_74 : i32
      %add3A_76 = arith.addi %select_n3A, %mul3A_75 : i32
      "tpu.region"() ({
        %run_scoped3A = tpu.sem_alloc : memref<!tpu.dma_semaphore, #tpu.memory_space<semaphore_mem>>
        %dma_start3A_109 = arith.constant 0 : i32
        %dma_start3A_110 = arith.constant 0 : i32
        %dma_start3A_111 = tpu.memref_slice %arg9[%dma_start3A_109, %dma_start3A_110] : memref<128x128xf32, #tpu.memory_space<vmem>> -> memref<128x128xf32, #tpu.memory_space<vmem>>
        %dma_start3A_112 = arith.constant 0 : i32
        %dma_start3A_113 = tpu.memref_slice %arg6[%add3A_76, %dma_start3A_112] : memref<100000x128xf32, #tpu.memory_space<hbm>> -> memref<128x128xf32, #tpu.memory_space<hbm>>
        %dma_start3A_114 = arith.constant 0 : i32
        %dma_start3A_115 = tpu.memref_slice %arg6[%add3A_76, %dma_start3A_114] : memref<100000x128xf32, #tpu.memory_space<hbm>> -> memref<128x128xf32, #tpu.memory_space<hbm>>
        %dma_start3A_116 = arith.constant 0 : i32
        %dma_start3A_117 = arith.constant 0 : i32
        %dma_start3A_118 = tpu.memref_slice %arg9[%dma_start3A_116, %dma_start3A_117] : memref<128x128xf32, #tpu.memory_space<vmem>> -> memref<128x128xf32, #tpu.memory_space<vmem>>
        tpu.enqueue_dma source(%dma_start3A_118 : memref<128x128xf32, #tpu.memory_space<vmem>>) target(%dma_start3A_115 : memref<128x128xf32, #tpu.memory_space<hbm>>) target_semaphore(%run_scoped3A : memref<!tpu.dma_semaphore, #tpu.memory_space<semaphore_mem>>)
        %dma_wait3A_119 = arith.constant 0 : i32
        %dma_wait3A_120 = arith.constant 0 : i32
        %dma_wait3A_121 = tpu.memref_slice %arg9[%dma_wait3A_119, %dma_wait3A_120] : memref<128x128xf32, #tpu.memory_space<vmem>> -> memref<128x128xf32, #tpu.memory_space<vmem>>
        %dma_wait3A_122 = arith.constant 0 : i32
        %dma_wait3A_123 = tpu.memref_slice %arg6[%add3A_76, %dma_wait3A_122] : memref<100000x128xf32, #tpu.memory_space<hbm>> -> memref<128x128xf32, #tpu.memory_space<hbm>>
        %dma_wait3A_124 = arith.constant 0 : i32
        %dma_wait3A_125 = tpu.memref_slice %arg6[%add3A_76, %dma_wait3A_124] : memref<100000x128xf32, #tpu.memory_space<hbm>> -> memref<128x128xf32, #tpu.memory_space<hbm>>
        %dma_wait3A_126 = arith.constant 0 : i32
        %dma_wait3A_127 = arith.constant 0 : i32
        %dma_wait3A_128 = tpu.memref_slice %arg9[%dma_wait3A_126, %dma_wait3A_127] : memref<128x128xf32, #tpu.memory_space<vmem>> -> memref<128x128xf32, #tpu.memory_space<vmem>>
        tpu.wait_dma2 semaphore(%run_scoped3A : memref<!tpu.dma_semaphore, #tpu.memory_space<semaphore_mem>>) src(%dma_wait3A_128 : memref<128x128xf32, #tpu.memory_space<vmem>>) dst(%dma_wait3A_125 : memref<128x128xf32, #tpu.memory_space<hbm>>)
        tpu.yield
      }) : () -> ()
      %add3A_77 = arith.constant 2 : i32
      %add3A_78 = arith.addi %mul3A_42, %add3A_77 : i32
      %lt3A_79 = arith.constant 24 : i32
      %lt3A_80 = arith.cmpi slt, %add3A_78, %lt3A_79 : i32
      %convert_element_type3A_81 = arith.extui %lt3A_80 : i1 to i32
      %cond3A_82 = arith.constant 0 : i32
      %cond3A_83 = arith.cmpi ne, %convert_element_type3A_81, %cond3A_82 : i32
      scf.if %cond3A_83 {
        %add3A_109 = arith.constant 2 : i32
        %add3A_110 = arith.addi %mul3A_42, %add3A_109 : i32
        %mul3A_111 = arith.constant 128 : i32
        %mul3A_112 = arith.muli %add3A_110, %mul3A_111 : i32
        %dma_start3A_113 = tpu.memref_slice %arg7[%mul3A_112] : memref<3136xi32, #tpu.memory_space<vmem>> -> memref<128xi32, #tpu.memory_space<vmem>>
        %dma_start3A_114 = arith.constant 0 : i32
        %dma_start3A_115 = arith.constant 0 : i32
        %dma_start3A_116 = tpu.memref_slice %arg4[%dma_start3A_114, %dma_start3A_115] : memref<10240x128xf32, #tpu.memory_space<hbm>> -> memref<10240x128xf32, #tpu.memory_space<hbm>>
        tpu.enqueue_indirect_dma source(%dma_start3A_116 : memref<10240x128xf32, #tpu.memory_space<hbm>>) target(%arg9 : memref<128x128xf32, #tpu.memory_space<vmem>>) offsets(%dma_start3A_113 : memref<128xi32, #tpu.memory_space<vmem>>) semaphore(%arg13 : memref<!tpu.dma_semaphore, #tpu.memory_space<semaphore_mem>>)
        %mul3A_117 = arith.constant 128 : i32
        %mul3A_118 = arith.muli %add3A_110, %mul3A_117 : i32
        %dma_start3A_119 = tpu.memref_slice %arg8[%mul3A_118] : memref<3136xi32, #tpu.memory_space<vmem>> -> memref<128xi32, #tpu.memory_space<vmem>>
        %dma_start3A_120 = arith.constant 0 : i32
        %dma_start3A_121 = arith.constant 0 : i32
        %dma_start3A_122 = tpu.memref_slice %arg5[%dma_start3A_120, %dma_start3A_121] : memref<10240x128xf32, #tpu.memory_space<hbm>> -> memref<10240x128xf32, #tpu.memory_space<hbm>>
        tpu.enqueue_indirect_dma source(%dma_start3A_122 : memref<10240x128xf32, #tpu.memory_space<hbm>>) target(%arg10 : memref<128x128xf32, #tpu.memory_space<vmem>>) offsets(%dma_start3A_119 : memref<128xi32, #tpu.memory_space<vmem>>) semaphore(%arg14 : memref<!tpu.dma_semaphore, #tpu.memory_space<semaphore_mem>>)
      } else {
      }
      %add3A_84 = arith.constant 1 : i32
      %add3A_85 = arith.addi %mul3A_42, %add3A_84 : i32
      %mul3A_86 = arith.constant 128 : i32
      %mul3A_87 = arith.muli %add3A_85, %mul3A_86 : i32
      %dma_wait3A_88 = tpu.memref_slice %arg7[%mul3A_87] : memref<3136xi32, #tpu.memory_space<vmem>> -> memref<128xi32, #tpu.memory_space<vmem>>
      %dma_wait3A_89 = arith.constant 0 : i32
      %dma_wait3A_90 = arith.constant 0 : i32
      %dma_wait3A_91 = tpu.memref_slice %arg4[%dma_wait3A_89, %dma_wait3A_90] : memref<10240x128xf32, #tpu.memory_space<hbm>> -> memref<10240x128xf32, #tpu.memory_space<hbm>>
      tpu.wait_indirect_dma semaphore(%arg15 : memref<!tpu.dma_semaphore, #tpu.memory_space<semaphore_mem>>) src(%dma_wait3A_91 : memref<10240x128xf32, #tpu.memory_space<hbm>>) dst(%arg11 : memref<128x128xf32, #tpu.memory_space<vmem>>)
      %mul3A_92 = arith.constant 128 : i32
      %mul3A_93 = arith.muli %add3A_85, %mul3A_92 : i32
      %dma_wait3A_94 = tpu.memref_slice %arg8[%mul3A_93] : memref<3136xi32, #tpu.memory_space<vmem>> -> memref<128xi32, #tpu.memory_space<vmem>>
      %dma_wait3A_95 = arith.constant 0 : i32
      %dma_wait3A_96 = arith.constant 0 : i32
      %dma_wait3A_97 = tpu.memref_slice %arg5[%dma_wait3A_95, %dma_wait3A_96] : memref<10240x128xf32, #tpu.memory_space<hbm>> -> memref<10240x128xf32, #tpu.memory_space<hbm>>
      tpu.wait_indirect_dma semaphore(%arg16 : memref<!tpu.dma_semaphore, #tpu.memory_space<semaphore_mem>>) src(%dma_wait3A_97 : memref<10240x128xf32, #tpu.memory_space<hbm>>) dst(%arg12 : memref<128x128xf32, #tpu.memory_space<vmem>>)
      %add3A_98 = arith.constant 1 : i32
      %add3A_99 = arith.addi %mul3A_42, %add3A_98 : i32
      %scan3A_100 = arith.constant 0 : i32
      %scan3A_101 = arith.constant 0 : i32
      %scan3A_102 = arith.constant 64 : i32
      %scan3A_103 = arith.addi %scan3A_101, %scan3A_102 : i32
      %scan3A_104 = arith.constant 1 : i32
      scf.for %scan3A_109 = %scan3A_101 to %scan3A_103 step %scan3A_104  : i32 {
        %mul3A_110 = arith.constant 2 : i32
        %mul3A_111 = arith.muli %scan3A_109, %mul3A_110 : i32
        %add3A_112 = arith.constant 0 : i32
        %add3A_113 = arith.addi %mul3A_111, %add3A_112 : i32
        %get3A = arith.index_cast %add3A_113 : i32 to index
        %get3A_114 = arith.constant 0 : index
        %get3A_115 = tpu.vector_load %arg11[%get3A, %get3A_114] {strides = array<i32>} : memref<128x128xf32, #tpu.memory_space<vmem>>, vector<16xf32>,
        %get3A_116 = arith.index_cast %add3A_113 : i32 to index
        %get3A_117 = arith.constant 0 : index
        %get3A_118 = tpu.vector_load %arg12[%get3A_116, %get3A_117] {strides = array<i32>} : memref<128x128xf32, #tpu.memory_space<vmem>>, vector<16xf32>,
        %add3A_119 = arith.addf %get3A_115, %get3A_118 : vector<16xf32>
        %swap3A = arith.index_cast %add3A_113 : i32 to index
        %swap3A_120 = arith.constant 0 : index
        %swap3A_121 = tpu.vector_load %arg11[%swap3A, %swap3A_120] {strides = array<i32>} : memref<128x128xf32, #tpu.memory_space<vmem>>, vector<16xf32>,
        tpu.vector_store %arg11[%swap3A, %swap3A_120], %add3A_119 {strides = array<i32>} : memref<128x128xf32, #tpu.memory_space<vmem>>, vector<16xf32>,
        %get3A_122 = arith.index_cast %add3A_113 : i32 to index
        %get3A_123 = arith.constant 16 : index
        %get3A_124 = tpu.vector_load %arg11[%get3A_122, %get3A_123] {strides = array<i32>} : memref<128x128xf32, #tpu.memory_space<vmem>>, vector<16xf32>,
        %get3A_125 = arith.index_cast %add3A_113 : i32 to index
        %get3A_126 = arith.constant 16 : index
        %get3A_127 = tpu.vector_load %arg12[%get3A_125, %get3A_126] {strides = array<i32>} : memref<128x128xf32, #tpu.memory_space<vmem>>, vector<16xf32>,
        %add3A_128 = arith.addf %get3A_124, %get3A_127 : vector<16xf32>
        %swap3A_129 = arith.index_cast %add3A_113 : i32 to index
        %swap3A_130 = arith.constant 16 : index
        %swap3A_131 = tpu.vector_load %arg11[%swap3A_129, %swap3A_130] {strides = array<i32>} : memref<128x128xf32, #tpu.memory_space<vmem>>, vector<16xf32>,
        tpu.vector_store %arg11[%swap3A_129, %swap3A_130], %add3A_128 {strides = array<i32>} : memref<128x128xf32, #tpu.memory_space<vmem>>, vector<16xf32>,
        %get3A_132 = arith.index_cast %add3A_113 : i32 to index
        %get3A_133 = arith.constant 32 : index
        %get3A_134 = tpu.vector_load %arg11[%get3A_132, %get3A_133] {strides = array<i32>} : memref<128x128xf32, #tpu.memory_space<vmem>>, vector<16xf32>,
        %get3A_135 = arith.index_cast %add3A_113 : i32 to index
        %get3A_136 = arith.constant 32 : index
        %get3A_137 = tpu.vector_load %arg12[%get3A_135, %get3A_136] {strides = array<i32>} : memref<128x128xf32, #tpu.memory_space<vmem>>, vector<16xf32>,
        %add3A_138 = arith.addf %get3A_134, %get3A_137 : vector<16xf32>
        %swap3A_139 = arith.index_cast %add3A_113 : i32 to index
        %swap3A_140 = arith.constant 32 : index
        %swap3A_141 = tpu.vector_load %arg11[%swap3A_139, %swap3A_140] {strides = array<i32>} : memref<128x128xf32, #tpu.memory_space<vmem>>, vector<16xf32>,
        tpu.vector_store %arg11[%swap3A_139, %swap3A_140], %add3A_138 {strides = array<i32>} : memref<128x128xf32, #tpu.memory_space<vmem>>, vector<16xf32>,
        %get3A_142 = arith.index_cast %add3A_113 : i32 to index
        %get3A_143 = arith.constant 48 : index
        %get3A_144 = tpu.vector_load %arg11[%get3A_142, %get3A_143] {strides = array<i32>} : memref<128x128xf32, #tpu.memory_space<vmem>>, vector<16xf32>,
        %get3A_145 = arith.index_cast %add3A_113 : i32 to index
        %get3A_146 = arith.constant 48 : index
        %get3A_147 = tpu.vector_load %arg12[%get3A_145, %get3A_146] {strides = array<i32>} : memref<128x128xf32, #tpu.memory_space<vmem>>, vector<16xf32>,
        %add3A_148 = arith.addf %get3A_144, %get3A_147 : vector<16xf32>
        %swap3A_149 = arith.index_cast %add3A_113 : i32 to index
        %swap3A_150 = arith.constant 48 : index
        %swap3A_151 = tpu.vector_load %arg11[%swap3A_149, %swap3A_150] {strides = array<i32>} : memref<128x128xf32, #tpu.memory_space<vmem>>, vector<16xf32>,
        tpu.vector_store %arg11[%swap3A_149, %swap3A_150], %add3A_148 {strides = array<i32>} : memref<128x128xf32, #tpu.memory_space<vmem>>, vector<16xf32>,
        %get3A_152 = arith.index_cast %add3A_113 : i32 to index
        %get3A_153 = arith.constant 64 : index
        %get3A_154 = tpu.vector_load %arg11[%get3A_152, %get3A_153] {strides = array<i32>} : memref<128x128xf32, #tpu.memory_space<vmem>>, vector<16xf32>,
        %get3A_155 = arith.index_cast %add3A_113 : i32 to index
        %get3A_156 = arith.constant 64 : index
        %get3A_157 = tpu.vector_load %arg12[%get3A_155, %get3A_156] {strides = array<i32>} : memref<128x128xf32, #tpu.memory_space<vmem>>, vector<16xf32>,
        %add3A_158 = arith.addf %get3A_154, %get3A_157 : vector<16xf32>
        %swap3A_159 = arith.index_cast %add3A_113 : i32 to index
        %swap3A_160 = arith.constant 64 : index
        %swap3A_161 = tpu.vector_load %arg11[%swap3A_159, %swap3A_160] {strides = array<i32>} : memref<128x128xf32, #tpu.memory_space<vmem>>, vector<16xf32>,
        tpu.vector_store %arg11[%swap3A_159, %swap3A_160], %add3A_158 {strides = array<i32>} : memref<128x128xf32, #tpu.memory_space<vmem>>, vector<16xf32>,
        %get3A_162 = arith.index_cast %add3A_113 : i32 to index
        %get3A_163 = arith.constant 80 : index
        %get3A_164 = tpu.vector_load %arg11[%get3A_162, %get3A_163] {strides = array<i32>} : memref<128x128xf32, #tpu.memory_space<vmem>>, vector<16xf32>,
        %get3A_165 = arith.index_cast %add3A_113 : i32 to index
        %get3A_166 = arith.constant 80 : index
        %get3A_167 = tpu.vector_load %arg12[%get3A_165, %get3A_166] {strides = array<i32>} : memref<128x128xf32, #tpu.memory_space<vmem>>, vector<16xf32>,
        %add3A_168 = arith.addf %get3A_164, %get3A_167 : vector<16xf32>
        %swap3A_169 = arith.index_cast %add3A_113 : i32 to index
        %swap3A_170 = arith.constant 80 : index
        %swap3A_171 = tpu.vector_load %arg11[%swap3A_169, %swap3A_170] {strides = array<i32>} : memref<128x128xf32, #tpu.memory_space<vmem>>, vector<16xf32>,
        tpu.vector_store %arg11[%swap3A_169, %swap3A_170], %add3A_168 {strides = array<i32>} : memref<128x128xf32, #tpu.memory_space<vmem>>, vector<16xf32>,
        %get3A_172 = arith.index_cast %add3A_113 : i32 to index
        %get3A_173 = arith.constant 96 : index
        %get3A_174 = tpu.vector_load %arg11[%get3A_172, %get3A_173] {strides = array<i32>} : memref<128x128xf32, #tpu.memory_space<vmem>>, vector<16xf32>,
        %get3A_175 = arith.index_cast %add3A_113 : i32 to index
        %get3A_176 = arith.constant 96 : index
        %get3A_177 = tpu.vector_load %arg12[%get3A_175, %get3A_176] {strides = array<i32>} : memref<128x128xf32, #tpu.memory_space<vmem>>, vector<16xf32>,
        %add3A_178 = arith.addf %get3A_174, %get3A_177 : vector<16xf32>
        %swap3A_179 = arith.index_cast %add3A_113 : i32 to index
        %swap3A_180 = arith.constant 96 : index
        %swap3A_181 = tpu.vector_load %arg11[%swap3A_179, %swap3A_180] {strides = array<i32>} : memref<128x128xf32, #tpu.memory_space<vmem>>, vector<16xf32>,
        tpu.vector_store %arg11[%swap3A_179, %swap3A_180], %add3A_178 {strides = array<i32>} : memref<128x128xf32, #tpu.memory_space<vmem>>, vector<16xf32>,
        %get3A_182 = arith.index_cast %add3A_113 : i32 to index
        %get3A_183 = arith.constant 112 : index
        %get3A_184 = tpu.vector_load %arg11[%get3A_182, %get3A_183] {strides = array<i32>} : memref<128x128xf32, #tpu.memory_space<vmem>>, vector<16xf32>,
        %get3A_185 = arith.index_cast %add3A_113 : i32 to index
        %get3A_186 = arith.constant 112 : index
        %get3A_187 = tpu.vector_load %arg12[%get3A_185, %get3A_186] {strides = array<i32>} : memref<128x128xf32, #tpu.memory_space<vmem>>, vector<16xf32>,
        %add3A_188 = arith.addf %get3A_184, %get3A_187 : vector<16xf32>
        %swap3A_189 = arith.index_cast %add3A_113 : i32 to index
        %swap3A_190 = arith.constant 112 : index
        %swap3A_191 = tpu.vector_load %arg11[%swap3A_189, %swap3A_190] {strides = array<i32>} : memref<128x128xf32, #tpu.memory_space<vmem>>, vector<16xf32>,
        tpu.vector_store %arg11[%swap3A_189, %swap3A_190], %add3A_188 {strides = array<i32>} : memref<128x128xf32, #tpu.memory_space<vmem>>, vector<16xf32>,
        %mul3A_192 = arith.constant 2 : i32
        %mul3A_193 = arith.muli %scan3A_109, %mul3A_192 : i32
        %add3A_194 = arith.constant 1 : i32
        %add3A_195 = arith.addi %mul3A_193, %add3A_194 : i32
        %get3A_196 = arith.index_cast %add3A_195 : i32 to index
        %get3A_197 = arith.constant 0 : index
        %get3A_198 = tpu.vector_load %arg11[%get3A_196, %get3A_197] {strides = array<i32>} : memref<128x128xf32, #tpu.memory_space<vmem>>, vector<16xf32>,
        %get3A_199 = arith.index_cast %add3A_195 : i32 to index
        %get3A_200 = arith.constant 0 : index
        %get3A_201 = tpu.vector_load %arg12[%get3A_199, %get3A_200] {strides = array<i32>} : memref<128x128xf32, #tpu.memory_space<vmem>>, vector<16xf32>,
        %add3A_202 = arith.addf %get3A_198, %get3A_201 : vector<16xf32>
        %swap3A_203 = arith.index_cast %add3A_195 : i32 to index
        %swap3A_204 = arith.constant 0 : index
        %swap3A_205 = tpu.vector_load %arg11[%swap3A_203, %swap3A_204] {strides = array<i32>} : memref<128x128xf32, #tpu.memory_space<vmem>>, vector<16xf32>,
        tpu.vector_store %arg11[%swap3A_203, %swap3A_204], %add3A_202 {strides = array<i32>} : memref<128x128xf32, #tpu.memory_space<vmem>>, vector<16xf32>,
        %get3A_206 = arith.index_cast %add3A_195 : i32 to index
        %get3A_207 = arith.constant 16 : index
        %get3A_208 = tpu.vector_load %arg11[%get3A_206, %get3A_207] {strides = array<i32>} : memref<128x128xf32, #tpu.memory_space<vmem>>, vector<16xf32>,
        %get3A_209 = arith.index_cast %add3A_195 : i32 to index
        %get3A_210 = arith.constant 16 : index
        %get3A_211 = tpu.vector_load %arg12[%get3A_209, %get3A_210] {strides = array<i32>} : memref<128x128xf32, #tpu.memory_space<vmem>>, vector<16xf32>,
        %add3A_212 = arith.addf %get3A_208, %get3A_211 : vector<16xf32>
        %swap3A_213 = arith.index_cast %add3A_195 : i32 to index
        %swap3A_214 = arith.constant 16 : index
        %swap3A_215 = tpu.vector_load %arg11[%swap3A_213, %swap3A_214] {strides = array<i32>} : memref<128x128xf32, #tpu.memory_space<vmem>>, vector<16xf32>,
        tpu.vector_store %arg11[%swap3A_213, %swap3A_214], %add3A_212 {strides = array<i32>} : memref<128x128xf32, #tpu.memory_space<vmem>>, vector<16xf32>,
        %get3A_216 = arith.index_cast %add3A_195 : i32 to index
        %get3A_217 = arith.constant 32 : index
        %get3A_218 = tpu.vector_load %arg11[%get3A_216, %get3A_217] {strides = array<i32>} : memref<128x128xf32, #tpu.memory_space<vmem>>, vector<16xf32>,
        %get3A_219 = arith.index_cast %add3A_195 : i32 to index
        %get3A_220 = arith.constant 32 : index
        %get3A_221 = tpu.vector_load %arg12[%get3A_219, %get3A_220] {strides = array<i32>} : memref<128x128xf32, #tpu.memory_space<vmem>>, vector<16xf32>,
        %add3A_222 = arith.addf %get3A_218, %get3A_221 : vector<16xf32>
        %swap3A_223 = arith.index_cast %add3A_195 : i32 to index
        %swap3A_224 = arith.constant 32 : index
        %swap3A_225 = tpu.vector_load %arg11[%swap3A_223, %swap3A_224] {strides = array<i32>} : memref<128x128xf32, #tpu.memory_space<vmem>>, vector<16xf32>,
        tpu.vector_store %arg11[%swap3A_223, %swap3A_224], %add3A_222 {strides = array<i32>} : memref<128x128xf32, #tpu.memory_space<vmem>>, vector<16xf32>,
        %get3A_226 = arith.index_cast %add3A_195 : i32 to index
        %get3A_227 = arith.constant 48 : index
        %get3A_228 = tpu.vector_load %arg11[%get3A_226, %get3A_227] {strides = array<i32>} : memref<128x128xf32, #tpu.memory_space<vmem>>, vector<16xf32>,
        %get3A_229 = arith.index_cast %add3A_195 : i32 to index
        %get3A_230 = arith.constant 48 : index
        %get3A_231 = tpu.vector_load %arg12[%get3A_229, %get3A_230] {strides = array<i32>} : memref<128x128xf32, #tpu.memory_space<vmem>>, vector<16xf32>,
        %add3A_232 = arith.addf %get3A_228, %get3A_231 : vector<16xf32>
        %swap3A_233 = arith.index_cast %add3A_195 : i32 to index
        %swap3A_234 = arith.constant 48 : index
        %swap3A_235 = tpu.vector_load %arg11[%swap3A_233, %swap3A_234] {strides = array<i32>} : memref<128x128xf32, #tpu.memory_space<vmem>>, vector<16xf32>,
        tpu.vector_store %arg11[%swap3A_233, %swap3A_234], %add3A_232 {strides = array<i32>} : memref<128x128xf32, #tpu.memory_space<vmem>>, vector<16xf32>,
        %get3A_236 = arith.index_cast %add3A_195 : i32 to index
        %get3A_237 = arith.constant 64 : index
        %get3A_238 = tpu.vector_load %arg11[%get3A_236, %get3A_237] {strides = array<i32>} : memref<128x128xf32, #tpu.memory_space<vmem>>, vector<16xf32>,
        %get3A_239 = arith.index_cast %add3A_195 : i32 to index
        %get3A_240 = arith.constant 64 : index
        %get3A_241 = tpu.vector_load %arg12[%get3A_239, %get3A_240] {strides = array<i32>} : memref<128x128xf32, #tpu.memory_space<vmem>>, vector<16xf32>,
        %add3A_242 = arith.addf %get3A_238, %get3A_241 : vector<16xf32>
        %swap3A_243 = arith.index_cast %add3A_195 : i32 to index
        %swap3A_244 = arith.constant 64 : index
        %swap3A_245 = tpu.vector_load %arg11[%swap3A_243, %swap3A_244] {strides = array<i32>} : memref<128x128xf32, #tpu.memory_space<vmem>>, vector<16xf32>,
        tpu.vector_store %arg11[%swap3A_243, %swap3A_244], %add3A_242 {strides = array<i32>} : memref<128x128xf32, #tpu.memory_space<vmem>>, vector<16xf32>,
        %get3A_246 = arith.index_cast %add3A_195 : i32 to index
        %get3A_247 = arith.constant 80 : index
        %get3A_248 = tpu.vector_load %arg11[%get3A_246, %get3A_247] {strides = array<i32>} : memref<128x128xf32, #tpu.memory_space<vmem>>, vector<16xf32>,
        %get3A_249 = arith.index_cast %add3A_195 : i32 to index
        %get3A_250 = arith.constant 80 : index
        %get3A_251 = tpu.vector_load %arg12[%get3A_249, %get3A_250] {strides = array<i32>} : memref<128x128xf32, #tpu.memory_space<vmem>>, vector<16xf32>,
        %add3A_252 = arith.addf %get3A_248, %get3A_251 : vector<16xf32>
        %swap3A_253 = arith.index_cast %add3A_195 : i32 to index
        %swap3A_254 = arith.constant 80 : index
        %swap3A_255 = tpu.vector_load %arg11[%swap3A_253, %swap3A_254] {strides = array<i32>} : memref<128x128xf32, #tpu.memory_space<vmem>>, vector<16xf32>,
        tpu.vector_store %arg11[%swap3A_253, %swap3A_254], %add3A_252 {strides = array<i32>} : memref<128x128xf32, #tpu.memory_space<vmem>>, vector<16xf32>,
        %get3A_256 = arith.index_cast %add3A_195 : i32 to index
        %get3A_257 = arith.constant 96 : index
        %get3A_258 = tpu.vector_load %arg11[%get3A_256, %get3A_257] {strides = array<i32>} : memref<128x128xf32, #tpu.memory_space<vmem>>, vector<16xf32>,
        %get3A_259 = arith.index_cast %add3A_195 : i32 to index
        %get3A_260 = arith.constant 96 : index
        %get3A_261 = tpu.vector_load %arg12[%get3A_259, %get3A_260] {strides = array<i32>} : memref<128x128xf32, #tpu.memory_space<vmem>>, vector<16xf32>,
        %add3A_262 = arith.addf %get3A_258, %get3A_261 : vector<16xf32>
        %swap3A_263 = arith.index_cast %add3A_195 : i32 to index
        %swap3A_264 = arith.constant 96 : index
        %swap3A_265 = tpu.vector_load %arg11[%swap3A_263, %swap3A_264] {strides = array<i32>} : memref<128x128xf32, #tpu.memory_space<vmem>>, vector<16xf32>,
        tpu.vector_store %arg11[%swap3A_263, %swap3A_264], %add3A_262 {strides = array<i32>} : memref<128x128xf32, #tpu.memory_space<vmem>>, vector<16xf32>,
        %get3A_266 = arith.index_cast %add3A_195 : i32 to index
        %get3A_267 = arith.constant 112 : index
        %get3A_268 = tpu.vector_load %arg11[%get3A_266, %get3A_267] {strides = array<i32>} : memref<128x128xf32, #tpu.memory_space<vmem>>, vector<16xf32>,
        %get3A_269 = arith.index_cast %add3A_195 : i32 to index
        %get3A_270 = arith.constant 112 : index
        %get3A_271 = tpu.vector_load %arg12[%get3A_269, %get3A_270] {strides = array<i32>} : memref<128x128xf32, #tpu.memory_space<vmem>>, vector<16xf32>,
        %add3A_272 = arith.addf %get3A_268, %get3A_271 : vector<16xf32>
        %swap3A_273 = arith.index_cast %add3A_195 : i32 to index
        %swap3A_274 = arith.constant 112 : index
        %swap3A_275 = tpu.vector_load %arg11[%swap3A_273, %swap3A_274] {strides = array<i32>} : memref<128x128xf32, #tpu.memory_space<vmem>>, vector<16xf32>,
        tpu.vector_store %arg11[%swap3A_273, %swap3A_274], %add3A_272 {strides = array<i32>} : memref<128x128xf32, #tpu.memory_space<vmem>>, vector<16xf32>,
      }
      %scan3A_105 = arith.constant 64 : i32
      %mul3A_106 = arith.constant 128 : i32
      %mul3A_107 = arith.muli %add3A_99, %mul3A_106 : i32
      %add3A_108 = arith.addi %select_n3A, %mul3A_107 : i32
      "tpu.region"() ({
        %run_scoped3A = tpu.sem_alloc : memref<!tpu.dma_semaphore, #tpu.memory_space<semaphore_mem>>
        %dma_start3A_109 = arith.constant 0 : i32
        %dma_start3A_110 = arith.constant 0 : i32
        %dma_start3A_111 = tpu.memref_slice %arg11[%dma_start3A_109, %dma_start3A_110] : memref<128x128xf32, #tpu.memory_space<vmem>> -> memref<128x128xf32, #tpu.memory_space<vmem>>
        %dma_start3A_112 = arith.constant 0 : i32
        %dma_start3A_113 = tpu.memref_slice %arg6[%add3A_108, %dma_start3A_112] : memref<100000x128xf32, #tpu.memory_space<hbm>> -> memref<128x128xf32, #tpu.memory_space<hbm>>
        %dma_start3A_114 = arith.constant 0 : i32
        %dma_start3A_115 = tpu.memref_slice %arg6[%add3A_108, %dma_start3A_114] : memref<100000x128xf32, #tpu.memory_space<hbm>> -> memref<128x128xf32, #tpu.memory_space<hbm>>
        %dma_start3A_116 = arith.constant 0 : i32
        %dma_start3A_117 = arith.constant 0 : i32
        %dma_start3A_118 = tpu.memref_slice %arg11[%dma_start3A_116, %dma_start3A_117] : memref<128x128xf32, #tpu.memory_space<vmem>> -> memref<128x128xf32, #tpu.memory_space<vmem>>
        tpu.enqueue_dma source(%dma_start3A_118 : memref<128x128xf32, #tpu.memory_space<vmem>>) target(%dma_start3A_115 : memref<128x128xf32, #tpu.memory_space<hbm>>) target_semaphore(%run_scoped3A : memref<!tpu.dma_semaphore, #tpu.memory_space<semaphore_mem>>)
        %dma_wait3A_119 = arith.constant 0 : i32
        %dma_wait3A_120 = arith.constant 0 : i32
        %dma_wait3A_121 = tpu.memref_slice %arg11[%dma_wait3A_119, %dma_wait3A_120] : memref<128x128xf32, #tpu.memory_space<vmem>> -> memref<128x128xf32, #tpu.memory_space<vmem>>
        %dma_wait3A_122 = arith.constant 0 : i32
        %dma_wait3A_123 = tpu.memref_slice %arg6[%add3A_108, %dma_wait3A_122] : memref<100000x128xf32, #tpu.memory_space<hbm>> -> memref<128x128xf32, #tpu.memory_space<hbm>>
        %dma_wait3A_124 = arith.constant 0 : i32
        %dma_wait3A_125 = tpu.memref_slice %arg6[%add3A_108, %dma_wait3A_124] : memref<100000x128xf32, #tpu.memory_space<hbm>> -> memref<128x128xf32, #tpu.memory_space<hbm>>
        %dma_wait3A_126 = arith.constant 0 : i32
        %dma_wait3A_127 = arith.constant 0 : i32
        %dma_wait3A_128 = tpu.memref_slice %arg11[%dma_wait3A_126, %dma_wait3A_127] : memref<128x128xf32, #tpu.memory_space<vmem>> -> memref<128x128xf32, #tpu.memory_space<vmem>>
        tpu.wait_dma2 semaphore(%run_scoped3A : memref<!tpu.dma_semaphore, #tpu.memory_space<semaphore_mem>>) src(%dma_wait3A_128 : memref<128x128xf32, #tpu.memory_space<vmem>>) dst(%dma_wait3A_125 : memref<128x128xf32, #tpu.memory_space<hbm>>)
        tpu.yield
      }) : () -> ()
    }
    %scan3A_29 = arith.constant 12 : i32
    %lt3A_30 = arith.constant 20 : i32
    %lt3A_31 = arith.cmpi slt, %add3A, %lt3A_30 : i32
    %convert_element_type3A_32 = arith.extui %lt3A_31 : i1 to i32
    %cond3A_33 = arith.constant 0 : i32
    %cond3A_34 = arith.cmpi ne, %convert_element_type3A_32, %cond3A_33 : i32
    scf.if %cond3A_34 {
      %dma_start3A_40 = arith.constant 0 : i32
      %dma_start3A_41 = arith.constant 0 : i32
      %dma_start3A_42 = tpu.memref_slice %arg9[%dma_start3A_40, %dma_start3A_41] : memref<128x128xf32, #tpu.memory_space<vmem>> -> memref<56x128xf32, #tpu.memory_space<vmem>>
      %dma_start3A_43 = arith.constant 3072 : i32
      %dma_start3A_44 = tpu.memref_slice %arg7[%dma_start3A_43] : memref<3136xi32, #tpu.memory_space<vmem>> -> memref<56xi32, #tpu.memory_space<vmem>>
      %dma_start3A_45 = arith.constant 0 : i32
      %dma_start3A_46 = arith.constant 0 : i32
      %dma_start3A_47 = tpu.memref_slice %arg4[%dma_start3A_45, %dma_start3A_46] : memref<10240x128xf32, #tpu.memory_space<hbm>> -> memref<10240x128xf32, #tpu.memory_space<hbm>>
      tpu.enqueue_indirect_dma source(%dma_start3A_47 : memref<10240x128xf32, #tpu.memory_space<hbm>>) target(%dma_start3A_42 : memref<56x128xf32, #tpu.memory_space<vmem>>) offsets(%dma_start3A_44 : memref<56xi32, #tpu.memory_space<vmem>>) semaphore(%arg13 : memref<!tpu.dma_semaphore, #tpu.memory_space<semaphore_mem>>)
      %dma_start3A_48 = arith.constant 0 : i32
      %dma_start3A_49 = arith.constant 0 : i32
      %dma_start3A_50 = tpu.memref_slice %arg10[%dma_start3A_48, %dma_start3A_49] : memref<128x128xf32, #tpu.memory_space<vmem>> -> memref<56x128xf32, #tpu.memory_space<vmem>>
      %dma_start3A_51 = arith.constant 3072 : i32
      %dma_start3A_52 = tpu.memref_slice %arg8[%dma_start3A_51] : memref<3136xi32, #tpu.memory_space<vmem>> -> memref<56xi32, #tpu.memory_space<vmem>>
      %dma_start3A_53 = arith.constant 0 : i32
      %dma_start3A_54 = arith.constant 0 : i32
      %dma_start3A_55 = tpu.memref_slice %arg5[%dma_start3A_53, %dma_start3A_54] : memref<10240x128xf32, #tpu.memory_space<hbm>> -> memref<10240x128xf32, #tpu.memory_space<hbm>>
      tpu.enqueue_indirect_dma source(%dma_start3A_55 : memref<10240x128xf32, #tpu.memory_space<hbm>>) target(%dma_start3A_50 : memref<56x128xf32, #tpu.memory_space<vmem>>) offsets(%dma_start3A_52 : memref<56xi32, #tpu.memory_space<vmem>>) semaphore(%arg14 : memref<!tpu.dma_semaphore, #tpu.memory_space<semaphore_mem>>)
      %dma_wait3A = arith.constant 0 : i32
      %dma_wait3A_56 = arith.constant 0 : i32
      %dma_wait3A_57 = tpu.memref_slice %arg9[%dma_wait3A, %dma_wait3A_56] : memref<128x128xf32, #tpu.memory_space<vmem>> -> memref<56x128xf32, #tpu.memory_space<vmem>>
      %dma_wait3A_58 = arith.constant 3072 : i32
      %dma_wait3A_59 = tpu.memref_slice %arg7[%dma_wait3A_58] : memref<3136xi32, #tpu.memory_space<vmem>> -> memref<56xi32, #tpu.memory_space<vmem>>
      %dma_wait3A_60 = arith.constant 0 : i32
      %dma_wait3A_61 = arith.constant 0 : i32
      %dma_wait3A_62 = tpu.memref_slice %arg4[%dma_wait3A_60, %dma_wait3A_61] : memref<10240x128xf32, #tpu.memory_space<hbm>> -> memref<10240x128xf32, #tpu.memory_space<hbm>>
      tpu.wait_indirect_dma semaphore(%arg13 : memref<!tpu.dma_semaphore, #tpu.memory_space<semaphore_mem>>) src(%dma_wait3A_62 : memref<10240x128xf32, #tpu.memory_space<hbm>>) dst(%dma_wait3A_57 : memref<56x128xf32, #tpu.memory_space<vmem>>)
      %dma_wait3A_63 = arith.constant 0 : i32
      %dma_wait3A_64 = arith.constant 0 : i32
      %dma_wait3A_65 = tpu.memref_slice %arg10[%dma_wait3A_63, %dma_wait3A_64] : memref<128x128xf32, #tpu.memory_space<vmem>> -> memref<56x128xf32, #tpu.memory_space<vmem>>
      %dma_wait3A_66 = arith.constant 3072 : i32
      %dma_wait3A_67 = tpu.memref_slice %arg8[%dma_wait3A_66] : memref<3136xi32, #tpu.memory_space<vmem>> -> memref<56xi32, #tpu.memory_space<vmem>>
      %dma_wait3A_68 = arith.constant 0 : i32
      %dma_wait3A_69 = arith.constant 0 : i32
      %dma_wait3A_70 = tpu.memref_slice %arg5[%dma_wait3A_68, %dma_wait3A_69] : memref<10240x128xf32, #tpu.memory_space<hbm>> -> memref<10240x128xf32, #tpu.memory_space<hbm>>
      tpu.wait_indirect_dma semaphore(%arg14 : memref<!tpu.dma_semaphore, #tpu.memory_space<semaphore_mem>>) src(%dma_wait3A_70 : memref<10240x128xf32, #tpu.memory_space<hbm>>) dst(%dma_wait3A_65 : memref<56x128xf32, #tpu.memory_space<vmem>>)
      %scan3A_71 = arith.constant 0 : i32
      %scan3A_72 = arith.constant 0 : i32
      %scan3A_73 = arith.constant 28 : i32
      %scan3A_74 = arith.addi %scan3A_72, %scan3A_73 : i32
      %scan3A_75 = arith.constant 1 : i32
      scf.for %scan3A_79 = %scan3A_72 to %scan3A_74 step %scan3A_75  : i32 {
        %mul3A_80 = arith.constant 2 : i32
        %mul3A_81 = arith.muli %scan3A_79, %mul3A_80 : i32
        %add3A_82 = arith.constant 0 : i32
        %add3A_83 = arith.addi %mul3A_81, %add3A_82 : i32
        %get3A = arith.index_cast %add3A_83 : i32 to index
        %get3A_84 = arith.constant 0 : index
        %get3A_85 = tpu.vector_load %arg9[%get3A, %get3A_84] {strides = array<i32>} : memref<128x128xf32, #tpu.memory_space<vmem>>, vector<16xf32>,
        %get3A_86 = arith.index_cast %add3A_83 : i32 to index
        %get3A_87 = arith.constant 0 : index
        %get3A_88 = tpu.vector_load %arg10[%get3A_86, %get3A_87] {strides = array<i32>} : memref<128x128xf32, #tpu.memory_space<vmem>>, vector<16xf32>,
        %add3A_89 = arith.addf %get3A_85, %get3A_88 : vector<16xf32>
        %swap3A = arith.index_cast %add3A_83 : i32 to index
        %swap3A_90 = arith.constant 0 : index
        %swap3A_91 = tpu.vector_load %arg9[%swap3A, %swap3A_90] {strides = array<i32>} : memref<128x128xf32, #tpu.memory_space<vmem>>, vector<16xf32>,
        tpu.vector_store %arg9[%swap3A, %swap3A_90], %add3A_89 {strides = array<i32>} : memref<128x128xf32, #tpu.memory_space<vmem>>, vector<16xf32>,
        %get3A_92 = arith.index_cast %add3A_83 : i32 to index
        %get3A_93 = arith.constant 16 : index
        %get3A_94 = tpu.vector_load %arg9[%get3A_92, %get3A_93] {strides = array<i32>} : memref<128x128xf32, #tpu.memory_space<vmem>>, vector<16xf32>,
        %get3A_95 = arith.index_cast %add3A_83 : i32 to index
        %get3A_96 = arith.constant 16 : index
        %get3A_97 = tpu.vector_load %arg10[%get3A_95, %get3A_96] {strides = array<i32>} : memref<128x128xf32, #tpu.memory_space<vmem>>, vector<16xf32>,
        %add3A_98 = arith.addf %get3A_94, %get3A_97 : vector<16xf32>
        %swap3A_99 = arith.index_cast %add3A_83 : i32 to index
        %swap3A_100 = arith.constant 16 : index
        %swap3A_101 = tpu.vector_load %arg9[%swap3A_99, %swap3A_100] {strides = array<i32>} : memref<128x128xf32, #tpu.memory_space<vmem>>, vector<16xf32>,
        tpu.vector_store %arg9[%swap3A_99, %swap3A_100], %add3A_98 {strides = array<i32>} : memref<128x128xf32, #tpu.memory_space<vmem>>, vector<16xf32>,
        %get3A_102 = arith.index_cast %add3A_83 : i32 to index
        %get3A_103 = arith.constant 32 : index
        %get3A_104 = tpu.vector_load %arg9[%get3A_102, %get3A_103] {strides = array<i32>} : memref<128x128xf32, #tpu.memory_space<vmem>>, vector<16xf32>,
        %get3A_105 = arith.index_cast %add3A_83 : i32 to index
        %get3A_106 = arith.constant 32 : index
        %get3A_107 = tpu.vector_load %arg10[%get3A_105, %get3A_106] {strides = array<i32>} : memref<128x128xf32, #tpu.memory_space<vmem>>, vector<16xf32>,
        %add3A_108 = arith.addf %get3A_104, %get3A_107 : vector<16xf32>
        %swap3A_109 = arith.index_cast %add3A_83 : i32 to index
        %swap3A_110 = arith.constant 32 : index
        %swap3A_111 = tpu.vector_load %arg9[%swap3A_109, %swap3A_110] {strides = array<i32>} : memref<128x128xf32, #tpu.memory_space<vmem>>, vector<16xf32>,
        tpu.vector_store %arg9[%swap3A_109, %swap3A_110], %add3A_108 {strides = array<i32>} : memref<128x128xf32, #tpu.memory_space<vmem>>, vector<16xf32>,
        %get3A_112 = arith.index_cast %add3A_83 : i32 to index
        %get3A_113 = arith.constant 48 : index
        %get3A_114 = tpu.vector_load %arg9[%get3A_112, %get3A_113] {strides = array<i32>} : memref<128x128xf32, #tpu.memory_space<vmem>>, vector<16xf32>,
        %get3A_115 = arith.index_cast %add3A_83 : i32 to index
        %get3A_116 = arith.constant 48 : index
        %get3A_117 = tpu.vector_load %arg10[%get3A_115, %get3A_116] {strides = array<i32>} : memref<128x128xf32, #tpu.memory_space<vmem>>, vector<16xf32>,
        %add3A_118 = arith.addf %get3A_114, %get3A_117 : vector<16xf32>
        %swap3A_119 = arith.index_cast %add3A_83 : i32 to index
        %swap3A_120 = arith.constant 48 : index
        %swap3A_121 = tpu.vector_load %arg9[%swap3A_119, %swap3A_120] {strides = array<i32>} : memref<128x128xf32, #tpu.memory_space<vmem>>, vector<16xf32>,
        tpu.vector_store %arg9[%swap3A_119, %swap3A_120], %add3A_118 {strides = array<i32>} : memref<128x128xf32, #tpu.memory_space<vmem>>, vector<16xf32>,
        %get3A_122 = arith.index_cast %add3A_83 : i32 to index
        %get3A_123 = arith.constant 64 : index
        %get3A_124 = tpu.vector_load %arg9[%get3A_122, %get3A_123] {strides = array<i32>} : memref<128x128xf32, #tpu.memory_space<vmem>>, vector<16xf32>,
        %get3A_125 = arith.index_cast %add3A_83 : i32 to index
        %get3A_126 = arith.constant 64 : index
        %get3A_127 = tpu.vector_load %arg10[%get3A_125, %get3A_126] {strides = array<i32>} : memref<128x128xf32, #tpu.memory_space<vmem>>, vector<16xf32>,
        %add3A_128 = arith.addf %get3A_124, %get3A_127 : vector<16xf32>
        %swap3A_129 = arith.index_cast %add3A_83 : i32 to index
        %swap3A_130 = arith.constant 64 : index
        %swap3A_131 = tpu.vector_load %arg9[%swap3A_129, %swap3A_130] {strides = array<i32>} : memref<128x128xf32, #tpu.memory_space<vmem>>, vector<16xf32>,
        tpu.vector_store %arg9[%swap3A_129, %swap3A_130], %add3A_128 {strides = array<i32>} : memref<128x128xf32, #tpu.memory_space<vmem>>, vector<16xf32>,
        %get3A_132 = arith.index_cast %add3A_83 : i32 to index
        %get3A_133 = arith.constant 80 : index
        %get3A_134 = tpu.vector_load %arg9[%get3A_132, %get3A_133] {strides = array<i32>} : memref<128x128xf32, #tpu.memory_space<vmem>>, vector<16xf32>,
        %get3A_135 = arith.index_cast %add3A_83 : i32 to index
        %get3A_136 = arith.constant 80 : index
        %get3A_137 = tpu.vector_load %arg10[%get3A_135, %get3A_136] {strides = array<i32>} : memref<128x128xf32, #tpu.memory_space<vmem>>, vector<16xf32>,
        %add3A_138 = arith.addf %get3A_134, %get3A_137 : vector<16xf32>
        %swap3A_139 = arith.index_cast %add3A_83 : i32 to index
        %swap3A_140 = arith.constant 80 : index
        %swap3A_141 = tpu.vector_load %arg9[%swap3A_139, %swap3A_140] {strides = array<i32>} : memref<128x128xf32, #tpu.memory_space<vmem>>, vector<16xf32>,
        tpu.vector_store %arg9[%swap3A_139, %swap3A_140], %add3A_138 {strides = array<i32>} : memref<128x128xf32, #tpu.memory_space<vmem>>, vector<16xf32>,
        %get3A_142 = arith.index_cast %add3A_83 : i32 to index
        %get3A_143 = arith.constant 96 : index
        %get3A_144 = tpu.vector_load %arg9[%get3A_142, %get3A_143] {strides = array<i32>} : memref<128x128xf32, #tpu.memory_space<vmem>>, vector<16xf32>,
        %get3A_145 = arith.index_cast %add3A_83 : i32 to index
        %get3A_146 = arith.constant 96 : index
        %get3A_147 = tpu.vector_load %arg10[%get3A_145, %get3A_146] {strides = array<i32>} : memref<128x128xf32, #tpu.memory_space<vmem>>, vector<16xf32>,
        %add3A_148 = arith.addf %get3A_144, %get3A_147 : vector<16xf32>
        %swap3A_149 = arith.index_cast %add3A_83 : i32 to index
        %swap3A_150 = arith.constant 96 : index
        %swap3A_151 = tpu.vector_load %arg9[%swap3A_149, %swap3A_150] {strides = array<i32>} : memref<128x128xf32, #tpu.memory_space<vmem>>, vector<16xf32>,
        tpu.vector_store %arg9[%swap3A_149, %swap3A_150], %add3A_148 {strides = array<i32>} : memref<128x128xf32, #tpu.memory_space<vmem>>, vector<16xf32>,
        %get3A_152 = arith.index_cast %add3A_83 : i32 to index
        %get3A_153 = arith.constant 112 : index
        %get3A_154 = tpu.vector_load %arg9[%get3A_152, %get3A_153] {strides = array<i32>} : memref<128x128xf32, #tpu.memory_space<vmem>>, vector<16xf32>,
        %get3A_155 = arith.index_cast %add3A_83 : i32 to index
        %get3A_156 = arith.constant 112 : index
        %get3A_157 = tpu.vector_load %arg10[%get3A_155, %get3A_156] {strides = array<i32>} : memref<128x128xf32, #tpu.memory_space<vmem>>, vector<16xf32>,
        %add3A_158 = arith.addf %get3A_154, %get3A_157 : vector<16xf32>
        %swap3A_159 = arith.index_cast %add3A_83 : i32 to index
        %swap3A_160 = arith.constant 112 : index
        %swap3A_161 = tpu.vector_load %arg9[%swap3A_159, %swap3A_160] {strides = array<i32>} : memref<128x128xf32, #tpu.memory_space<vmem>>, vector<16xf32>,
        tpu.vector_store %arg9[%swap3A_159, %swap3A_160], %add3A_158 {strides = array<i32>} : memref<128x128xf32, #tpu.memory_space<vmem>>, vector<16xf32>,
        %mul3A_162 = arith.constant 2 : i32
        %mul3A_163 = arith.muli %scan3A_79, %mul3A_162 : i32
        %add3A_164 = arith.constant 1 : i32
        %add3A_165 = arith.addi %mul3A_163, %add3A_164 : i32
        %get3A_166 = arith.index_cast %add3A_165 : i32 to index
        %get3A_167 = arith.constant 0 : index
        %get3A_168 = tpu.vector_load %arg9[%get3A_166, %get3A_167] {strides = array<i32>} : memref<128x128xf32, #tpu.memory_space<vmem>>, vector<16xf32>,
        %get3A_169 = arith.index_cast %add3A_165 : i32 to index
        %get3A_170 = arith.constant 0 : index
        %get3A_171 = tpu.vector_load %arg10[%get3A_169, %get3A_170] {strides = array<i32>} : memref<128x128xf32, #tpu.memory_space<vmem>>, vector<16xf32>,
        %add3A_172 = arith.addf %get3A_168, %get3A_171 : vector<16xf32>
        %swap3A_173 = arith.index_cast %add3A_165 : i32 to index
        %swap3A_174 = arith.constant 0 : index
        %swap3A_175 = tpu.vector_load %arg9[%swap3A_173, %swap3A_174] {strides = array<i32>} : memref<128x128xf32, #tpu.memory_space<vmem>>, vector<16xf32>,
        tpu.vector_store %arg9[%swap3A_173, %swap3A_174], %add3A_172 {strides = array<i32>} : memref<128x128xf32, #tpu.memory_space<vmem>>, vector<16xf32>,
        %get3A_176 = arith.index_cast %add3A_165 : i32 to index
        %get3A_177 = arith.constant 16 : index
        %get3A_178 = tpu.vector_load %arg9[%get3A_176, %get3A_177] {strides = array<i32>} : memref<128x128xf32, #tpu.memory_space<vmem>>, vector<16xf32>,
        %get3A_179 = arith.index_cast %add3A_165 : i32 to index
        %get3A_180 = arith.constant 16 : index
        %get3A_181 = tpu.vector_load %arg10[%get3A_179, %get3A_180] {strides = array<i32>} : memref<128x128xf32, #tpu.memory_space<vmem>>, vector<16xf32>,
        %add3A_182 = arith.addf %get3A_178, %get3A_181 : vector<16xf32>
        %swap3A_183 = arith.index_cast %add3A_165 : i32 to index
        %swap3A_184 = arith.constant 16 : index
        %swap3A_185 = tpu.vector_load %arg9[%swap3A_183, %swap3A_184] {strides = array<i32>} : memref<128x128xf32, #tpu.memory_space<vmem>>, vector<16xf32>,
        tpu.vector_store %arg9[%swap3A_183, %swap3A_184], %add3A_182 {strides = array<i32>} : memref<128x128xf32, #tpu.memory_space<vmem>>, vector<16xf32>,
        %get3A_186 = arith.index_cast %add3A_165 : i32 to index
        %get3A_187 = arith.constant 32 : index
        %get3A_188 = tpu.vector_load %arg9[%get3A_186, %get3A_187] {strides = array<i32>} : memref<128x128xf32, #tpu.memory_space<vmem>>, vector<16xf32>,
        %get3A_189 = arith.index_cast %add3A_165 : i32 to index
        %get3A_190 = arith.constant 32 : index
        %get3A_191 = tpu.vector_load %arg10[%get3A_189, %get3A_190] {strides = array<i32>} : memref<128x128xf32, #tpu.memory_space<vmem>>, vector<16xf32>,
        %add3A_192 = arith.addf %get3A_188, %get3A_191 : vector<16xf32>
        %swap3A_193 = arith.index_cast %add3A_165 : i32 to index
        %swap3A_194 = arith.constant 32 : index
        %swap3A_195 = tpu.vector_load %arg9[%swap3A_193, %swap3A_194] {strides = array<i32>} : memref<128x128xf32, #tpu.memory_space<vmem>>, vector<16xf32>,
        tpu.vector_store %arg9[%swap3A_193, %swap3A_194], %add3A_192 {strides = array<i32>} : memref<128x128xf32, #tpu.memory_space<vmem>>, vector<16xf32>,
        %get3A_196 = arith.index_cast %add3A_165 : i32 to index
        %get3A_197 = arith.constant 48 : index
        %get3A_198 = tpu.vector_load %arg9[%get3A_196, %get3A_197] {strides = array<i32>} : memref<128x128xf32, #tpu.memory_space<vmem>>, vector<16xf32>,
        %get3A_199 = arith.index_cast %add3A_165 : i32 to index
        %get3A_200 = arith.constant 48 : index
        %get3A_201 = tpu.vector_load %arg10[%get3A_199, %get3A_200] {strides = array<i32>} : memref<128x128xf32, #tpu.memory_space<vmem>>, vector<16xf32>,
        %add3A_202 = arith.addf %get3A_198, %get3A_201 : vector<16xf32>
        %swap3A_203 = arith.index_cast %add3A_165 : i32 to index
        %swap3A_204 = arith.constant 48 : index
        %swap3A_205 = tpu.vector_load %arg9[%swap3A_203, %swap3A_204] {strides = array<i32>} : memref<128x128xf32, #tpu.memory_space<vmem>>, vector<16xf32>,
        tpu.vector_store %arg9[%swap3A_203, %swap3A_204], %add3A_202 {strides = array<i32>} : memref<128x128xf32, #tpu.memory_space<vmem>>, vector<16xf32>,
        %get3A_206 = arith.index_cast %add3A_165 : i32 to index
        %get3A_207 = arith.constant 64 : index
        %get3A_208 = tpu.vector_load %arg9[%get3A_206, %get3A_207] {strides = array<i32>} : memref<128x128xf32, #tpu.memory_space<vmem>>, vector<16xf32>,
        %get3A_209 = arith.index_cast %add3A_165 : i32 to index
        %get3A_210 = arith.constant 64 : index
        %get3A_211 = tpu.vector_load %arg10[%get3A_209, %get3A_210] {strides = array<i32>} : memref<128x128xf32, #tpu.memory_space<vmem>>, vector<16xf32>,
        %add3A_212 = arith.addf %get3A_208, %get3A_211 : vector<16xf32>
        %swap3A_213 = arith.index_cast %add3A_165 : i32 to index
        %swap3A_214 = arith.constant 64 : index
        %swap3A_215 = tpu.vector_load %arg9[%swap3A_213, %swap3A_214] {strides = array<i32>} : memref<128x128xf32, #tpu.memory_space<vmem>>, vector<16xf32>,
        tpu.vector_store %arg9[%swap3A_213, %swap3A_214], %add3A_212 {strides = array<i32>} : memref<128x128xf32, #tpu.memory_space<vmem>>, vector<16xf32>,
        %get3A_216 = arith.index_cast %add3A_165 : i32 to index
        %get3A_217 = arith.constant 80 : index
        %get3A_218 = tpu.vector_load %arg9[%get3A_216, %get3A_217] {strides = array<i32>} : memref<128x128xf32, #tpu.memory_space<vmem>>, vector<16xf32>,
        %get3A_219 = arith.index_cast %add3A_165 : i32 to index
        %get3A_220 = arith.constant 80 : index
        %get3A_221 = tpu.vector_load %arg10[%get3A_219, %get3A_220] {strides = array<i32>} : memref<128x128xf32, #tpu.memory_space<vmem>>, vector<16xf32>,
        %add3A_222 = arith.addf %get3A_218, %get3A_221 : vector<16xf32>
        %swap3A_223 = arith.index_cast %add3A_165 : i32 to index
        %swap3A_224 = arith.constant 80 : index
        %swap3A_225 = tpu.vector_load %arg9[%swap3A_223, %swap3A_224] {strides = array<i32>} : memref<128x128xf32, #tpu.memory_space<vmem>>, vector<16xf32>,
        tpu.vector_store %arg9[%swap3A_223, %swap3A_224], %add3A_222 {strides = array<i32>} : memref<128x128xf32, #tpu.memory_space<vmem>>, vector<16xf32>,
        %get3A_226 = arith.index_cast %add3A_165 : i32 to index
        %get3A_227 = arith.constant 96 : index
        %get3A_228 = tpu.vector_load %arg9[%get3A_226, %get3A_227] {strides = array<i32>} : memref<128x128xf32, #tpu.memory_space<vmem>>, vector<16xf32>,
        %get3A_229 = arith.index_cast %add3A_165 : i32 to index
        %get3A_230 = arith.constant 96 : index
        %get3A_231 = tpu.vector_load %arg10[%get3A_229, %get3A_230] {strides = array<i32>} : memref<128x128xf32, #tpu.memory_space<vmem>>, vector<16xf32>,
        %add3A_232 = arith.addf %get3A_228, %get3A_231 : vector<16xf32>
        %swap3A_233 = arith.index_cast %add3A_165 : i32 to index
        %swap3A_234 = arith.constant 96 : index
        %swap3A_235 = tpu.vector_load %arg9[%swap3A_233, %swap3A_234] {strides = array<i32>} : memref<128x128xf32, #tpu.memory_space<vmem>>, vector<16xf32>,
        tpu.vector_store %arg9[%swap3A_233, %swap3A_234], %add3A_232 {strides = array<i32>} : memref<128x128xf32, #tpu.memory_space<vmem>>, vector<16xf32>,
        %get3A_236 = arith.index_cast %add3A_165 : i32 to index
        %get3A_237 = arith.constant 112 : index
        %get3A_238 = tpu.vector_load %arg9[%get3A_236, %get3A_237] {strides = array<i32>} : memref<128x128xf32, #tpu.memory_space<vmem>>, vector<16xf32>,
        %get3A_239 = arith.index_cast %add3A_165 : i32 to index
        %get3A_240 = arith.constant 112 : index
        %get3A_241 = tpu.vector_load %arg10[%get3A_239, %get3A_240] {strides = array<i32>} : memref<128x128xf32, #tpu.memory_space<vmem>>, vector<16xf32>,
        %add3A_242 = arith.addf %get3A_238, %get3A_241 : vector<16xf32>
        %swap3A_243 = arith.index_cast %add3A_165 : i32 to index
        %swap3A_244 = arith.constant 112 : index
        %swap3A_245 = tpu.vector_load %arg9[%swap3A_243, %swap3A_244] {strides = array<i32>} : memref<128x128xf32, #tpu.memory_space<vmem>>, vector<16xf32>,
        tpu.vector_store %arg9[%swap3A_243, %swap3A_244], %add3A_242 {strides = array<i32>} : memref<128x128xf32, #tpu.memory_space<vmem>>, vector<16xf32>,
      }
      %scan3A_76 = arith.constant 28 : i32
      %add3A_77 = arith.constant 3072 : i32
      %add3A_78 = arith.addi %select_n3A, %add3A_77 : i32
      "tpu.region"() ({
        %run_scoped3A = tpu.sem_alloc : memref<!tpu.dma_semaphore, #tpu.memory_space<semaphore_mem>>
        %dma_start3A_79 = arith.constant 0 : i32
        %dma_start3A_80 = arith.constant 0 : i32
        %dma_start3A_81 = tpu.memref_slice %arg9[%dma_start3A_79, %dma_start3A_80] : memref<128x128xf32, #tpu.memory_space<vmem>> -> memref<56x128xf32, #tpu.memory_space<vmem>>
        %dma_start3A_82 = arith.constant 0 : i32
        %dma_start3A_83 = tpu.memref_slice %arg6[%add3A_78, %dma_start3A_82] : memref<100000x128xf32, #tpu.memory_space<hbm>> -> memref<56x128xf32, #tpu.memory_space<hbm>>
        %dma_start3A_84 = arith.constant 0 : i32
        %dma_start3A_85 = tpu.memref_slice %arg6[%add3A_78, %dma_start3A_84] : memref<100000x128xf32, #tpu.memory_space<hbm>> -> memref<56x128xf32, #tpu.memory_space<hbm>>
        %dma_start3A_86 = arith.constant 0 : i32
        %dma_start3A_87 = arith.constant 0 : i32
        %dma_start3A_88 = tpu.memref_slice %arg9[%dma_start3A_86, %dma_start3A_87] : memref<128x128xf32, #tpu.memory_space<vmem>> -> memref<56x128xf32, #tpu.memory_space<vmem>>
        tpu.enqueue_dma source(%dma_start3A_88 : memref<56x128xf32, #tpu.memory_space<vmem>>) target(%dma_start3A_85 : memref<56x128xf32, #tpu.memory_space<hbm>>) target_semaphore(%run_scoped3A : memref<!tpu.dma_semaphore, #tpu.memory_space<semaphore_mem>>)
        %dma_wait3A_89 = arith.constant 0 : i32
        %dma_wait3A_90 = arith.constant 0 : i32
        %dma_wait3A_91 = tpu.memref_slice %arg9[%dma_wait3A_89, %dma_wait3A_90] : memref<128x128xf32, #tpu.memory_space<vmem>> -> memref<56x128xf32, #tpu.memory_space<vmem>>
        %dma_wait3A_92 = arith.constant 0 : i32
        %dma_wait3A_93 = tpu.memref_slice %arg6[%add3A_78, %dma_wait3A_92] : memref<100000x128xf32, #tpu.memory_space<hbm>> -> memref<56x128xf32, #tpu.memory_space<hbm>>
        %dma_wait3A_94 = arith.constant 0 : i32
        %dma_wait3A_95 = tpu.memref_slice %arg6[%add3A_78, %dma_wait3A_94] : memref<100000x128xf32, #tpu.memory_space<hbm>> -> memref<56x128xf32, #tpu.memory_space<hbm>>
        %dma_wait3A_96 = arith.constant 0 : i32
        %dma_wait3A_97 = arith.constant 0 : i32
        %dma_wait3A_98 = tpu.memref_slice %arg9[%dma_wait3A_96, %dma_wait3A_97] : memref<128x128xf32, #tpu.memory_space<vmem>> -> memref<56x128xf32, #tpu.memory_space<vmem>>
        tpu.wait_dma2 semaphore(%run_scoped3A : memref<!tpu.dma_semaphore, #tpu.memory_space<semaphore_mem>>) src(%dma_wait3A_98 : memref<56x128xf32, #tpu.memory_space<vmem>>) dst(%dma_wait3A_95 : memref<56x128xf32, #tpu.memory_space<hbm>>)
        tpu.yield
      }) : () -> ()
    } else {
    }
    %ge3A_35 = arith.constant 20 : i32
    %ge3A_36 = arith.cmpi sge, %add3A, %ge3A_35 : i32
    %convert_element_type3A_37 = arith.extui %ge3A_36 : i1 to i32
    %cond3A_38 = arith.constant 0 : i32
    %cond3A_39 = arith.cmpi ne, %convert_element_type3A_37, %cond3A_38 : i32
    scf.if %cond3A_39 {
      %dma_start3A_40 = arith.constant 0 : i32
      %dma_start3A_41 = arith.constant 0 : i32
      %dma_start3A_42 = tpu.memref_slice %arg9[%dma_start3A_40, %dma_start3A_41] : memref<128x128xf32, #tpu.memory_space<vmem>> -> memref<48x128xf32, #tpu.memory_space<vmem>>
      %dma_start3A_43 = arith.constant 3072 : i32
      %dma_start3A_44 = tpu.memref_slice %arg7[%dma_start3A_43] : memref<3136xi32, #tpu.memory_space<vmem>> -> memref<48xi32, #tpu.memory_space<vmem>>
      %dma_start3A_45 = arith.constant 0 : i32
      %dma_start3A_46 = arith.constant 0 : i32
      %dma_start3A_47 = tpu.memref_slice %arg4[%dma_start3A_45, %dma_start3A_46] : memref<10240x128xf32, #tpu.memory_space<hbm>> -> memref<10240x128xf32, #tpu.memory_space<hbm>>
      tpu.enqueue_indirect_dma source(%dma_start3A_47 : memref<10240x128xf32, #tpu.memory_space<hbm>>) target(%dma_start3A_42 : memref<48x128xf32, #tpu.memory_space<vmem>>) offsets(%dma_start3A_44 : memref<48xi32, #tpu.memory_space<vmem>>) semaphore(%arg13 : memref<!tpu.dma_semaphore, #tpu.memory_space<semaphore_mem>>)
      %dma_start3A_48 = arith.constant 0 : i32
      %dma_start3A_49 = arith.constant 0 : i32
      %dma_start3A_50 = tpu.memref_slice %arg10[%dma_start3A_48, %dma_start3A_49] : memref<128x128xf32, #tpu.memory_space<vmem>> -> memref<48x128xf32, #tpu.memory_space<vmem>>
      %dma_start3A_51 = arith.constant 3072 : i32
      %dma_start3A_52 = tpu.memref_slice %arg8[%dma_start3A_51] : memref<3136xi32, #tpu.memory_space<vmem>> -> memref<48xi32, #tpu.memory_space<vmem>>
      %dma_start3A_53 = arith.constant 0 : i32
      %dma_start3A_54 = arith.constant 0 : i32
      %dma_start3A_55 = tpu.memref_slice %arg5[%dma_start3A_53, %dma_start3A_54] : memref<10240x128xf32, #tpu.memory_space<hbm>> -> memref<10240x128xf32, #tpu.memory_space<hbm>>
      tpu.enqueue_indirect_dma source(%dma_start3A_55 : memref<10240x128xf32, #tpu.memory_space<hbm>>) target(%dma_start3A_50 : memref<48x128xf32, #tpu.memory_space<vmem>>) offsets(%dma_start3A_52 : memref<48xi32, #tpu.memory_space<vmem>>) semaphore(%arg14 : memref<!tpu.dma_semaphore, #tpu.memory_space<semaphore_mem>>)
      %dma_wait3A = arith.constant 0 : i32
      %dma_wait3A_56 = arith.constant 0 : i32
      %dma_wait3A_57 = tpu.memref_slice %arg9[%dma_wait3A, %dma_wait3A_56] : memref<128x128xf32, #tpu.memory_space<vmem>> -> memref<48x128xf32, #tpu.memory_space<vmem>>
      %dma_wait3A_58 = arith.constant 3072 : i32
      %dma_wait3A_59 = tpu.memref_slice %arg7[%dma_wait3A_58] : memref<3136xi32, #tpu.memory_space<vmem>> -> memref<48xi32, #tpu.memory_space<vmem>>
      %dma_wait3A_60 = arith.constant 0 : i32
      %dma_wait3A_61 = arith.constant 0 : i32
      %dma_wait3A_62 = tpu.memref_slice %arg4[%dma_wait3A_60, %dma_wait3A_61] : memref<10240x128xf32, #tpu.memory_space<hbm>> -> memref<10240x128xf32, #tpu.memory_space<hbm>>
      tpu.wait_indirect_dma semaphore(%arg13 : memref<!tpu.dma_semaphore, #tpu.memory_space<semaphore_mem>>) src(%dma_wait3A_62 : memref<10240x128xf32, #tpu.memory_space<hbm>>) dst(%dma_wait3A_57 : memref<48x128xf32, #tpu.memory_space<vmem>>)
      %dma_wait3A_63 = arith.constant 0 : i32
      %dma_wait3A_64 = arith.constant 0 : i32
      %dma_wait3A_65 = tpu.memref_slice %arg10[%dma_wait3A_63, %dma_wait3A_64] : memref<128x128xf32, #tpu.memory_space<vmem>> -> memref<48x128xf32, #tpu.memory_space<vmem>>
      %dma_wait3A_66 = arith.constant 3072 : i32
      %dma_wait3A_67 = tpu.memref_slice %arg8[%dma_wait3A_66] : memref<3136xi32, #tpu.memory_space<vmem>> -> memref<48xi32, #tpu.memory_space<vmem>>
      %dma_wait3A_68 = arith.constant 0 : i32
      %dma_wait3A_69 = arith.constant 0 : i32
      %dma_wait3A_70 = tpu.memref_slice %arg5[%dma_wait3A_68, %dma_wait3A_69] : memref<10240x128xf32, #tpu.memory_space<hbm>> -> memref<10240x128xf32, #tpu.memory_space<hbm>>
      tpu.wait_indirect_dma semaphore(%arg14 : memref<!tpu.dma_semaphore, #tpu.memory_space<semaphore_mem>>) src(%dma_wait3A_70 : memref<10240x128xf32, #tpu.memory_space<hbm>>) dst(%dma_wait3A_65 : memref<48x128xf32, #tpu.memory_space<vmem>>)
      %scan3A_71 = arith.constant 0 : i32
      %scan3A_72 = arith.constant 0 : i32
      %scan3A_73 = arith.constant 24 : i32
      %scan3A_74 = arith.addi %scan3A_72, %scan3A_73 : i32
      %scan3A_75 = arith.constant 1 : i32
      scf.for %scan3A_79 = %scan3A_72 to %scan3A_74 step %scan3A_75  : i32 {
        %mul3A_80 = arith.constant 2 : i32
        %mul3A_81 = arith.muli %scan3A_79, %mul3A_80 : i32
        %add3A_82 = arith.constant 0 : i32
        %add3A_83 = arith.addi %mul3A_81, %add3A_82 : i32
        %get3A = arith.index_cast %add3A_83 : i32 to index
        %get3A_84 = arith.constant 0 : index
        %get3A_85 = tpu.vector_load %arg9[%get3A, %get3A_84] {strides = array<i32>} : memref<128x128xf32, #tpu.memory_space<vmem>>, vector<16xf32>,
        %get3A_86 = arith.index_cast %add3A_83 : i32 to index
        %get3A_87 = arith.constant 0 : index
        %get3A_88 = tpu.vector_load %arg10[%get3A_86, %get3A_87] {strides = array<i32>} : memref<128x128xf32, #tpu.memory_space<vmem>>, vector<16xf32>,
        %add3A_89 = arith.addf %get3A_85, %get3A_88 : vector<16xf32>
        %swap3A = arith.index_cast %add3A_83 : i32 to index
        %swap3A_90 = arith.constant 0 : index
        %swap3A_91 = tpu.vector_load %arg9[%swap3A, %swap3A_90] {strides = array<i32>} : memref<128x128xf32, #tpu.memory_space<vmem>>, vector<16xf32>,
        tpu.vector_store %arg9[%swap3A, %swap3A_90], %add3A_89 {strides = array<i32>} : memref<128x128xf32, #tpu.memory_space<vmem>>, vector<16xf32>,
        %get3A_92 = arith.index_cast %add3A_83 : i32 to index
        %get3A_93 = arith.constant 16 : index
        %get3A_94 = tpu.vector_load %arg9[%get3A_92, %get3A_93] {strides = array<i32>} : memref<128x128xf32, #tpu.memory_space<vmem>>, vector<16xf32>,
        %get3A_95 = arith.index_cast %add3A_83 : i32 to index
        %get3A_96 = arith.constant 16 : index
        %get3A_97 = tpu.vector_load %arg10[%get3A_95, %get3A_96] {strides = array<i32>} : memref<128x128xf32, #tpu.memory_space<vmem>>, vector<16xf32>,
        %add3A_98 = arith.addf %get3A_94, %get3A_97 : vector<16xf32>
        %swap3A_99 = arith.index_cast %add3A_83 : i32 to index
        %swap3A_100 = arith.constant 16 : index
        %swap3A_101 = tpu.vector_load %arg9[%swap3A_99, %swap3A_100] {strides = array<i32>} : memref<128x128xf32, #tpu.memory_space<vmem>>, vector<16xf32>,
        tpu.vector_store %arg9[%swap3A_99, %swap3A_100], %add3A_98 {strides = array<i32>} : memref<128x128xf32, #tpu.memory_space<vmem>>, vector<16xf32>,
        %get3A_102 = arith.index_cast %add3A_83 : i32 to index
        %get3A_103 = arith.constant 32 : index
        %get3A_104 = tpu.vector_load %arg9[%get3A_102, %get3A_103] {strides = array<i32>} : memref<128x128xf32, #tpu.memory_space<vmem>>, vector<16xf32>,
        %get3A_105 = arith.index_cast %add3A_83 : i32 to index
        %get3A_106 = arith.constant 32 : index
        %get3A_107 = tpu.vector_load %arg10[%get3A_105, %get3A_106] {strides = array<i32>} : memref<128x128xf32, #tpu.memory_space<vmem>>, vector<16xf32>,
        %add3A_108 = arith.addf %get3A_104, %get3A_107 : vector<16xf32>
        %swap3A_109 = arith.index_cast %add3A_83 : i32 to index
        %swap3A_110 = arith.constant 32 : index
        %swap3A_111 = tpu.vector_load %arg9[%swap3A_109, %swap3A_110] {strides = array<i32>} : memref<128x128xf32, #tpu.memory_space<vmem>>, vector<16xf32>,
        tpu.vector_store %arg9[%swap3A_109, %swap3A_110], %add3A_108 {strides = array<i32>} : memref<128x128xf32, #tpu.memory_space<vmem>>, vector<16xf32>,
        %get3A_112 = arith.index_cast %add3A_83 : i32 to index
        %get3A_113 = arith.constant 48 : index
        %get3A_114 = tpu.vector_load %arg9[%get3A_112, %get3A_113] {strides = array<i32>} : memref<128x128xf32, #tpu.memory_space<vmem>>, vector<16xf32>,
        %get3A_115 = arith.index_cast %add3A_83 : i32 to index
        %get3A_116 = arith.constant 48 : index
        %get3A_117 = tpu.vector_load %arg10[%get3A_115, %get3A_116] {strides = array<i32>} : memref<128x128xf32, #tpu.memory_space<vmem>>, vector<16xf32>,
        %add3A_118 = arith.addf %get3A_114, %get3A_117 : vector<16xf32>
        %swap3A_119 = arith.index_cast %add3A_83 : i32 to index
        %swap3A_120 = arith.constant 48 : index
        %swap3A_121 = tpu.vector_load %arg9[%swap3A_119, %swap3A_120] {strides = array<i32>} : memref<128x128xf32, #tpu.memory_space<vmem>>, vector<16xf32>,
        tpu.vector_store %arg9[%swap3A_119, %swap3A_120], %add3A_118 {strides = array<i32>} : memref<128x128xf32, #tpu.memory_space<vmem>>, vector<16xf32>,
        %get3A_122 = arith.index_cast %add3A_83 : i32 to index
        %get3A_123 = arith.constant 64 : index
        %get3A_124 = tpu.vector_load %arg9[%get3A_122, %get3A_123] {strides = array<i32>} : memref<128x128xf32, #tpu.memory_space<vmem>>, vector<16xf32>,
        %get3A_125 = arith.index_cast %add3A_83 : i32 to index
        %get3A_126 = arith.constant 64 : index
        %get3A_127 = tpu.vector_load %arg10[%get3A_125, %get3A_126] {strides = array<i32>} : memref<128x128xf32, #tpu.memory_space<vmem>>, vector<16xf32>,
        %add3A_128 = arith.addf %get3A_124, %get3A_127 : vector<16xf32>
        %swap3A_129 = arith.index_cast %add3A_83 : i32 to index
        %swap3A_130 = arith.constant 64 : index
        %swap3A_131 = tpu.vector_load %arg9[%swap3A_129, %swap3A_130] {strides = array<i32>} : memref<128x128xf32, #tpu.memory_space<vmem>>, vector<16xf32>,
        tpu.vector_store %arg9[%swap3A_129, %swap3A_130], %add3A_128 {strides = array<i32>} : memref<128x128xf32, #tpu.memory_space<vmem>>, vector<16xf32>,
        %get3A_132 = arith.index_cast %add3A_83 : i32 to index
        %get3A_133 = arith.constant 80 : index
        %get3A_134 = tpu.vector_load %arg9[%get3A_132, %get3A_133] {strides = array<i32>} : memref<128x128xf32, #tpu.memory_space<vmem>>, vector<16xf32>,
        %get3A_135 = arith.index_cast %add3A_83 : i32 to index
        %get3A_136 = arith.constant 80 : index
        %get3A_137 = tpu.vector_load %arg10[%get3A_135, %get3A_136] {strides = array<i32>} : memref<128x128xf32, #tpu.memory_space<vmem>>, vector<16xf32>,
        %add3A_138 = arith.addf %get3A_134, %get3A_137 : vector<16xf32>
        %swap3A_139 = arith.index_cast %add3A_83 : i32 to index
        %swap3A_140 = arith.constant 80 : index
        %swap3A_141 = tpu.vector_load %arg9[%swap3A_139, %swap3A_140] {strides = array<i32>} : memref<128x128xf32, #tpu.memory_space<vmem>>, vector<16xf32>,
        tpu.vector_store %arg9[%swap3A_139, %swap3A_140], %add3A_138 {strides = array<i32>} : memref<128x128xf32, #tpu.memory_space<vmem>>, vector<16xf32>,
        %get3A_142 = arith.index_cast %add3A_83 : i32 to index
        %get3A_143 = arith.constant 96 : index
        %get3A_144 = tpu.vector_load %arg9[%get3A_142, %get3A_143] {strides = array<i32>} : memref<128x128xf32, #tpu.memory_space<vmem>>, vector<16xf32>,
        %get3A_145 = arith.index_cast %add3A_83 : i32 to index
        %get3A_146 = arith.constant 96 : index
        %get3A_147 = tpu.vector_load %arg10[%get3A_145, %get3A_146] {strides = array<i32>} : memref<128x128xf32, #tpu.memory_space<vmem>>, vector<16xf32>,
        %add3A_148 = arith.addf %get3A_144, %get3A_147 : vector<16xf32>
        %swap3A_149 = arith.index_cast %add3A_83 : i32 to index
        %swap3A_150 = arith.constant 96 : index
        %swap3A_151 = tpu.vector_load %arg9[%swap3A_149, %swap3A_150] {strides = array<i32>} : memref<128x128xf32, #tpu.memory_space<vmem>>, vector<16xf32>,
        tpu.vector_store %arg9[%swap3A_149, %swap3A_150], %add3A_148 {strides = array<i32>} : memref<128x128xf32, #tpu.memory_space<vmem>>, vector<16xf32>,
        %get3A_152 = arith.index_cast %add3A_83 : i32 to index
        %get3A_153 = arith.constant 112 : index
        %get3A_154 = tpu.vector_load %arg9[%get3A_152, %get3A_153] {strides = array<i32>} : memref<128x128xf32, #tpu.memory_space<vmem>>, vector<16xf32>,
        %get3A_155 = arith.index_cast %add3A_83 : i32 to index
        %get3A_156 = arith.constant 112 : index
        %get3A_157 = tpu.vector_load %arg10[%get3A_155, %get3A_156] {strides = array<i32>} : memref<128x128xf32, #tpu.memory_space<vmem>>, vector<16xf32>,
        %add3A_158 = arith.addf %get3A_154, %get3A_157 : vector<16xf32>
        %swap3A_159 = arith.index_cast %add3A_83 : i32 to index
        %swap3A_160 = arith.constant 112 : index
        %swap3A_161 = tpu.vector_load %arg9[%swap3A_159, %swap3A_160] {strides = array<i32>} : memref<128x128xf32, #tpu.memory_space<vmem>>, vector<16xf32>,
        tpu.vector_store %arg9[%swap3A_159, %swap3A_160], %add3A_158 {strides = array<i32>} : memref<128x128xf32, #tpu.memory_space<vmem>>, vector<16xf32>,
        %mul3A_162 = arith.constant 2 : i32
        %mul3A_163 = arith.muli %scan3A_79, %mul3A_162 : i32
        %add3A_164 = arith.constant 1 : i32
        %add3A_165 = arith.addi %mul3A_163, %add3A_164 : i32
        %get3A_166 = arith.index_cast %add3A_165 : i32 to index
        %get3A_167 = arith.constant 0 : index
        %get3A_168 = tpu.vector_load %arg9[%get3A_166, %get3A_167] {strides = array<i32>} : memref<128x128xf32, #tpu.memory_space<vmem>>, vector<16xf32>,
        %get3A_169 = arith.index_cast %add3A_165 : i32 to index
        %get3A_170 = arith.constant 0 : index
        %get3A_171 = tpu.vector_load %arg10[%get3A_169, %get3A_170] {strides = array<i32>} : memref<128x128xf32, #tpu.memory_space<vmem>>, vector<16xf32>,
        %add3A_172 = arith.addf %get3A_168, %get3A_171 : vector<16xf32>
        %swap3A_173 = arith.index_cast %add3A_165 : i32 to index
        %swap3A_174 = arith.constant 0 : index
        %swap3A_175 = tpu.vector_load %arg9[%swap3A_173, %swap3A_174] {strides = array<i32>} : memref<128x128xf32, #tpu.memory_space<vmem>>, vector<16xf32>,
        tpu.vector_store %arg9[%swap3A_173, %swap3A_174], %add3A_172 {strides = array<i32>} : memref<128x128xf32, #tpu.memory_space<vmem>>, vector<16xf32>,
        %get3A_176 = arith.index_cast %add3A_165 : i32 to index
        %get3A_177 = arith.constant 16 : index
        %get3A_178 = tpu.vector_load %arg9[%get3A_176, %get3A_177] {strides = array<i32>} : memref<128x128xf32, #tpu.memory_space<vmem>>, vector<16xf32>,
        %get3A_179 = arith.index_cast %add3A_165 : i32 to index
        %get3A_180 = arith.constant 16 : index
        %get3A_181 = tpu.vector_load %arg10[%get3A_179, %get3A_180] {strides = array<i32>} : memref<128x128xf32, #tpu.memory_space<vmem>>, vector<16xf32>,
        %add3A_182 = arith.addf %get3A_178, %get3A_181 : vector<16xf32>
        %swap3A_183 = arith.index_cast %add3A_165 : i32 to index
        %swap3A_184 = arith.constant 16 : index
        %swap3A_185 = tpu.vector_load %arg9[%swap3A_183, %swap3A_184] {strides = array<i32>} : memref<128x128xf32, #tpu.memory_space<vmem>>, vector<16xf32>,
        tpu.vector_store %arg9[%swap3A_183, %swap3A_184], %add3A_182 {strides = array<i32>} : memref<128x128xf32, #tpu.memory_space<vmem>>, vector<16xf32>,
        %get3A_186 = arith.index_cast %add3A_165 : i32 to index
        %get3A_187 = arith.constant 32 : index
        %get3A_188 = tpu.vector_load %arg9[%get3A_186, %get3A_187] {strides = array<i32>} : memref<128x128xf32, #tpu.memory_space<vmem>>, vector<16xf32>,
        %get3A_189 = arith.index_cast %add3A_165 : i32 to index
        %get3A_190 = arith.constant 32 : index
        %get3A_191 = tpu.vector_load %arg10[%get3A_189, %get3A_190] {strides = array<i32>} : memref<128x128xf32, #tpu.memory_space<vmem>>, vector<16xf32>,
        %add3A_192 = arith.addf %get3A_188, %get3A_191 : vector<16xf32>
        %swap3A_193 = arith.index_cast %add3A_165 : i32 to index
        %swap3A_194 = arith.constant 32 : index
        %swap3A_195 = tpu.vector_load %arg9[%swap3A_193, %swap3A_194] {strides = array<i32>} : memref<128x128xf32, #tpu.memory_space<vmem>>, vector<16xf32>,
        tpu.vector_store %arg9[%swap3A_193, %swap3A_194], %add3A_192 {strides = array<i32>} : memref<128x128xf32, #tpu.memory_space<vmem>>, vector<16xf32>,
        %get3A_196 = arith.index_cast %add3A_165 : i32 to index
        %get3A_197 = arith.constant 48 : index
        %get3A_198 = tpu.vector_load %arg9[%get3A_196, %get3A_197] {strides = array<i32>} : memref<128x128xf32, #tpu.memory_space<vmem>>, vector<16xf32>,
        %get3A_199 = arith.index_cast %add3A_165 : i32 to index
        %get3A_200 = arith.constant 48 : index
        %get3A_201 = tpu.vector_load %arg10[%get3A_199, %get3A_200] {strides = array<i32>} : memref<128x128xf32, #tpu.memory_space<vmem>>, vector<16xf32>,
        %add3A_202 = arith.addf %get3A_198, %get3A_201 : vector<16xf32>
        %swap3A_203 = arith.index_cast %add3A_165 : i32 to index
        %swap3A_204 = arith.constant 48 : index
        %swap3A_205 = tpu.vector_load %arg9[%swap3A_203, %swap3A_204] {strides = array<i32>} : memref<128x128xf32, #tpu.memory_space<vmem>>, vector<16xf32>,
        tpu.vector_store %arg9[%swap3A_203, %swap3A_204], %add3A_202 {strides = array<i32>} : memref<128x128xf32, #tpu.memory_space<vmem>>, vector<16xf32>,
        %get3A_206 = arith.index_cast %add3A_165 : i32 to index
        %get3A_207 = arith.constant 64 : index
        %get3A_208 = tpu.vector_load %arg9[%get3A_206, %get3A_207] {strides = array<i32>} : memref<128x128xf32, #tpu.memory_space<vmem>>, vector<16xf32>,
        %get3A_209 = arith.index_cast %add3A_165 : i32 to index
        %get3A_210 = arith.constant 64 : index
        %get3A_211 = tpu.vector_load %arg10[%get3A_209, %get3A_210] {strides = array<i32>} : memref<128x128xf32, #tpu.memory_space<vmem>>, vector<16xf32>,
        %add3A_212 = arith.addf %get3A_208, %get3A_211 : vector<16xf32>
        %swap3A_213 = arith.index_cast %add3A_165 : i32 to index
        %swap3A_214 = arith.constant 64 : index
        %swap3A_215 = tpu.vector_load %arg9[%swap3A_213, %swap3A_214] {strides = array<i32>} : memref<128x128xf32, #tpu.memory_space<vmem>>, vector<16xf32>,
        tpu.vector_store %arg9[%swap3A_213, %swap3A_214], %add3A_212 {strides = array<i32>} : memref<128x128xf32, #tpu.memory_space<vmem>>, vector<16xf32>,
        %get3A_216 = arith.index_cast %add3A_165 : i32 to index
        %get3A_217 = arith.constant 80 : index
        %get3A_218 = tpu.vector_load %arg9[%get3A_216, %get3A_217] {strides = array<i32>} : memref<128x128xf32, #tpu.memory_space<vmem>>, vector<16xf32>,
        %get3A_219 = arith.index_cast %add3A_165 : i32 to index
        %get3A_220 = arith.constant 80 : index
        %get3A_221 = tpu.vector_load %arg10[%get3A_219, %get3A_220] {strides = array<i32>} : memref<128x128xf32, #tpu.memory_space<vmem>>, vector<16xf32>,
        %add3A_222 = arith.addf %get3A_218, %get3A_221 : vector<16xf32>
        %swap3A_223 = arith.index_cast %add3A_165 : i32 to index
        %swap3A_224 = arith.constant 80 : index
        %swap3A_225 = tpu.vector_load %arg9[%swap3A_223, %swap3A_224] {strides = array<i32>} : memref<128x128xf32, #tpu.memory_space<vmem>>, vector<16xf32>,
        tpu.vector_store %arg9[%swap3A_223, %swap3A_224], %add3A_222 {strides = array<i32>} : memref<128x128xf32, #tpu.memory_space<vmem>>, vector<16xf32>,
        %get3A_226 = arith.index_cast %add3A_165 : i32 to index
        %get3A_227 = arith.constant 96 : index
        %get3A_228 = tpu.vector_load %arg9[%get3A_226, %get3A_227] {strides = array<i32>} : memref<128x128xf32, #tpu.memory_space<vmem>>, vector<16xf32>,
        %get3A_229 = arith.index_cast %add3A_165 : i32 to index
        %get3A_230 = arith.constant 96 : index
        %get3A_231 = tpu.vector_load %arg10[%get3A_229, %get3A_230] {strides = array<i32>} : memref<128x128xf32, #tpu.memory_space<vmem>>, vector<16xf32>,
        %add3A_232 = arith.addf %get3A_228, %get3A_231 : vector<16xf32>
        %swap3A_233 = arith.index_cast %add3A_165 : i32 to index
        %swap3A_234 = arith.constant 96 : index
        %swap3A_235 = tpu.vector_load %arg9[%swap3A_233, %swap3A_234] {strides = array<i32>} : memref<128x128xf32, #tpu.memory_space<vmem>>, vector<16xf32>,
        tpu.vector_store %arg9[%swap3A_233, %swap3A_234], %add3A_232 {strides = array<i32>} : memref<128x128xf32, #tpu.memory_space<vmem>>, vector<16xf32>,
        %get3A_236 = arith.index_cast %add3A_165 : i32 to index
        %get3A_237 = arith.constant 112 : index
        %get3A_238 = tpu.vector_load %arg9[%get3A_236, %get3A_237] {strides = array<i32>} : memref<128x128xf32, #tpu.memory_space<vmem>>, vector<16xf32>,
        %get3A_239 = arith.index_cast %add3A_165 : i32 to index
        %get3A_240 = arith.constant 112 : index
        %get3A_241 = tpu.vector_load %arg10[%get3A_239, %get3A_240] {strides = array<i32>} : memref<128x128xf32, #tpu.memory_space<vmem>>, vector<16xf32>,
        %add3A_242 = arith.addf %get3A_238, %get3A_241 : vector<16xf32>
        %swap3A_243 = arith.index_cast %add3A_165 : i32 to index
        %swap3A_244 = arith.constant 112 : index
        %swap3A_245 = tpu.vector_load %arg9[%swap3A_243, %swap3A_244] {strides = array<i32>} : memref<128x128xf32, #tpu.memory_space<vmem>>, vector<16xf32>,
        tpu.vector_store %arg9[%swap3A_243, %swap3A_244], %add3A_242 {strides = array<i32>} : memref<128x128xf32, #tpu.memory_space<vmem>>, vector<16xf32>,
      }
      %scan3A_76 = arith.constant 24 : i32
      %add3A_77 = arith.constant 3072 : i32
      %add3A_78 = arith.addi %select_n3A, %add3A_77 : i32
      "tpu.region"() ({
        %run_scoped3A = tpu.sem_alloc : memref<!tpu.dma_semaphore, #tpu.memory_space<semaphore_mem>>
        %dma_start3A_79 = arith.constant 0 : i32
        %dma_start3A_80 = arith.constant 0 : i32
        %dma_start3A_81 = tpu.memref_slice %arg9[%dma_start3A_79, %dma_start3A_80] : memref<128x128xf32, #tpu.memory_space<vmem>> -> memref<48x128xf32, #tpu.memory_space<vmem>>
        %dma_start3A_82 = arith.constant 0 : i32
        %dma_start3A_83 = tpu.memref_slice %arg6[%add3A_78, %dma_start3A_82] : memref<100000x128xf32, #tpu.memory_space<hbm>> -> memref<48x128xf32, #tpu.memory_space<hbm>>
        %dma_start3A_84 = arith.constant 0 : i32
        %dma_start3A_85 = tpu.memref_slice %arg6[%add3A_78, %dma_start3A_84] : memref<100000x128xf32, #tpu.memory_space<hbm>> -> memref<48x128xf32, #tpu.memory_space<hbm>>
        %dma_start3A_86 = arith.constant 0 : i32
        %dma_start3A_87 = arith.constant 0 : i32
        %dma_start3A_88 = tpu.memref_slice %arg9[%dma_start3A_86, %dma_start3A_87] : memref<128x128xf32, #tpu.memory_space<vmem>> -> memref<48x128xf32, #tpu.memory_space<vmem>>
        tpu.enqueue_dma source(%dma_start3A_88 : memref<48x128xf32, #tpu.memory_space<vmem>>) target(%dma_start3A_85 : memref<48x128xf32, #tpu.memory_space<hbm>>) target_semaphore(%run_scoped3A : memref<!tpu.dma_semaphore, #tpu.memory_space<semaphore_mem>>)
        %dma_wait3A_89 = arith.constant 0 : i32
        %dma_wait3A_90 = arith.constant 0 : i32
        %dma_wait3A_91 = tpu.memref_slice %arg9[%dma_wait3A_89, %dma_wait3A_90] : memref<128x128xf32, #tpu.memory_space<vmem>> -> memref<48x128xf32, #tpu.memory_space<vmem>>
        %dma_wait3A_92 = arith.constant 0 : i32
        %dma_wait3A_93 = tpu.memref_slice %arg6[%add3A_78, %dma_wait3A_92] : memref<100000x128xf32, #tpu.memory_space<hbm>> -> memref<48x128xf32, #tpu.memory_space<hbm>>
        %dma_wait3A_94 = arith.constant 0 : i32
        %dma_wait3A_95 = tpu.memref_slice %arg6[%add3A_78, %dma_wait3A_94] : memref<100000x128xf32, #tpu.memory_space<hbm>> -> memref<48x128xf32, #tpu.memory_space<hbm>>
        %dma_wait3A_96 = arith.constant 0 : i32
        %dma_wait3A_97 = arith.constant 0 : i32
        %dma_wait3A_98 = tpu.memref_slice %arg9[%dma_wait3A_96, %dma_wait3A_97] : memref<128x128xf32, #tpu.memory_space<vmem>> -> memref<48x128xf32, #tpu.memory_space<vmem>>
        tpu.wait_dma2 semaphore(%run_scoped3A : memref<!tpu.dma_semaphore, #tpu.memory_space<semaphore_mem>>) src(%dma_wait3A_98 : memref<48x128xf32, #tpu.memory_space<vmem>>) dst(%dma_wait3A_95 : memref<48x128xf32, #tpu.memory_space<hbm>>)
        tpu.yield
      }) : () -> ()
    } else {
    }
    return
  }
}

#map = affine_map<(d0, d1) -> (0)>
#map1 = affine_map<(d0, d1) -> (0, 0)>
module attributes {stable_mosaic.version = 14 : i64} {
  func.func @_seg_body(%arg0: i32, %arg1: i32, %arg2: memref<320000xi32, #tpu.memory_space<hbm>>, %arg3: memref<800x6400xf32, #tpu.memory_space<hbm>>, %arg4: memref<81920xf32, #tpu.memory_space<hbm>>, %arg5: memref<32x81920xf32, #tpu.memory_space<hbm>>, %arg6: memref<16x10240xf32, #tpu.memory_space<hbm>>, %arg7: memref<400xi32, #tpu.memory_space<vmem>>, %arg8: memref<400xi32, #tpu.memory_space<vmem>>, %arg9: memref<6400xf32, #tpu.memory_space<vmem>>, %arg10: memref<6400xf32, #tpu.memory_space<vmem>>, %arg11: memref<81920xf32, #tpu.memory_space<vmem>>, %arg12: memref<10240xf32, #tpu.memory_space<vmem>>, %arg13: memref<!tpu.dma_semaphore, #tpu.memory_space<semaphore_mem>>, %arg14: memref<!tpu.dma_semaphore, #tpu.memory_space<semaphore_mem>>, %arg15: memref<!tpu.dma_semaphore, #tpu.memory_space<semaphore_mem>>, %arg16: memref<!tpu.dma_semaphore, #tpu.memory_space<semaphore_mem>>) attributes {dimension_semantics = [#tpu.dimension_semantics<core_parallel>, #tpu.dimension_semantics<subcore_parallel>], iteration_bounds = array<i64: 2, 16>, scalar_prefetch = 0 : i64, scratch_operands = 10 : i64, tpu.core_type = #tpu.core_type<sc_vector_subcore>, window_params = [{transform_indices = #map}, {transform_indices = #map1}, {transform_indices = #map}, {transform_indices = #map1}, {transform_indices = #map1}]} {
    "tpu.region"() ({
      %run_scoped3A = tpu.sem_alloc : memref<!tpu.dma_semaphore, #tpu.memory_space<semaphore_mem>>
      %dma_start3A_76 = arith.constant 0 : i32
      %dma_start3A_77 = tpu.memref_slice %arg11[%dma_start3A_76] : memref<81920xf32, #tpu.memory_space<vmem>> -> memref<8192xf32, #tpu.memory_space<vmem>>
      %dma_start3A_78 = arith.constant 0 : i32
      %dma_start3A_79 = tpu.memref_slice %arg4[%dma_start3A_78] : memref<81920xf32, #tpu.memory_space<hbm>> -> memref<8192xf32, #tpu.memory_space<hbm>>
      %dma_start3A_80 = arith.constant 0 : i32
      %dma_start3A_81 = tpu.memref_slice %arg11[%dma_start3A_80] : memref<81920xf32, #tpu.memory_space<vmem>> -> memref<8192xf32, #tpu.memory_space<vmem>>
      %dma_start3A_82 = arith.constant 0 : i32
      %dma_start3A_83 = tpu.memref_slice %arg4[%dma_start3A_82] : memref<81920xf32, #tpu.memory_space<hbm>> -> memref<8192xf32, #tpu.memory_space<hbm>>
      tpu.enqueue_dma source(%dma_start3A_83 : memref<8192xf32, #tpu.memory_space<hbm>>) target(%dma_start3A_81 : memref<8192xf32, #tpu.memory_space<vmem>>) target_semaphore(%run_scoped3A : memref<!tpu.dma_semaphore, #tpu.memory_space<semaphore_mem>>)
      %dma_wait3A = arith.constant 0 : i32
      %dma_wait3A_84 = tpu.memref_slice %arg11[%dma_wait3A] : memref<81920xf32, #tpu.memory_space<vmem>> -> memref<8192xf32, #tpu.memory_space<vmem>>
      %dma_wait3A_85 = arith.constant 0 : i32
      %dma_wait3A_86 = tpu.memref_slice %arg4[%dma_wait3A_85] : memref<81920xf32, #tpu.memory_space<hbm>> -> memref<8192xf32, #tpu.memory_space<hbm>>
      %dma_wait3A_87 = arith.constant 0 : i32
      %dma_wait3A_88 = tpu.memref_slice %arg11[%dma_wait3A_87] : memref<81920xf32, #tpu.memory_space<vmem>> -> memref<8192xf32, #tpu.memory_space<vmem>>
      %dma_wait3A_89 = arith.constant 0 : i32
      %dma_wait3A_90 = tpu.memref_slice %arg4[%dma_wait3A_89] : memref<81920xf32, #tpu.memory_space<hbm>> -> memref<8192xf32, #tpu.memory_space<hbm>>
      tpu.wait_dma2 semaphore(%run_scoped3A : memref<!tpu.dma_semaphore, #tpu.memory_space<semaphore_mem>>) src(%dma_wait3A_90 : memref<8192xf32, #tpu.memory_space<hbm>>) dst(%dma_wait3A_88 : memref<8192xf32, #tpu.memory_space<vmem>>)
      tpu.yield
    }) : () -> ()
    "tpu.region"() ({
      %run_scoped3A = tpu.sem_alloc : memref<!tpu.dma_semaphore, #tpu.memory_space<semaphore_mem>>
      %dma_start3A_76 = arith.constant 8192 : i32
      %dma_start3A_77 = tpu.memref_slice %arg11[%dma_start3A_76] : memref<81920xf32, #tpu.memory_space<vmem>> -> memref<8192xf32, #tpu.memory_space<vmem>>
      %dma_start3A_78 = arith.constant 8192 : i32
      %dma_start3A_79 = tpu.memref_slice %arg4[%dma_start3A_78] : memref<81920xf32, #tpu.memory_space<hbm>> -> memref<8192xf32, #tpu.memory_space<hbm>>
      %dma_start3A_80 = arith.constant 8192 : i32
      %dma_start3A_81 = tpu.memref_slice %arg11[%dma_start3A_80] : memref<81920xf32, #tpu.memory_space<vmem>> -> memref<8192xf32, #tpu.memory_space<vmem>>
      %dma_start3A_82 = arith.constant 8192 : i32
      %dma_start3A_83 = tpu.memref_slice %arg4[%dma_start3A_82] : memref<81920xf32, #tpu.memory_space<hbm>> -> memref<8192xf32, #tpu.memory_space<hbm>>
      tpu.enqueue_dma source(%dma_start3A_83 : memref<8192xf32, #tpu.memory_space<hbm>>) target(%dma_start3A_81 : memref<8192xf32, #tpu.memory_space<vmem>>) target_semaphore(%run_scoped3A : memref<!tpu.dma_semaphore, #tpu.memory_space<semaphore_mem>>)
      %dma_wait3A = arith.constant 8192 : i32
      %dma_wait3A_84 = tpu.memref_slice %arg11[%dma_wait3A] : memref<81920xf32, #tpu.memory_space<vmem>> -> memref<8192xf32, #tpu.memory_space<vmem>>
      %dma_wait3A_85 = arith.constant 8192 : i32
      %dma_wait3A_86 = tpu.memref_slice %arg4[%dma_wait3A_85] : memref<81920xf32, #tpu.memory_space<hbm>> -> memref<8192xf32, #tpu.memory_space<hbm>>
      %dma_wait3A_87 = arith.constant 8192 : i32
      %dma_wait3A_88 = tpu.memref_slice %arg11[%dma_wait3A_87] : memref<81920xf32, #tpu.memory_space<vmem>> -> memref<8192xf32, #tpu.memory_space<vmem>>
      %dma_wait3A_89 = arith.constant 8192 : i32
      %dma_wait3A_90 = tpu.memref_slice %arg4[%dma_wait3A_89] : memref<81920xf32, #tpu.memory_space<hbm>> -> memref<8192xf32, #tpu.memory_space<hbm>>
      tpu.wait_dma2 semaphore(%run_scoped3A : memref<!tpu.dma_semaphore, #tpu.memory_space<semaphore_mem>>) src(%dma_wait3A_90 : memref<8192xf32, #tpu.memory_space<hbm>>) dst(%dma_wait3A_88 : memref<8192xf32, #tpu.memory_space<vmem>>)
      tpu.yield
    }) : () -> ()
    "tpu.region"() ({
      %run_scoped3A = tpu.sem_alloc : memref<!tpu.dma_semaphore, #tpu.memory_space<semaphore_mem>>
      %dma_start3A_76 = arith.constant 16384 : i32
      %dma_start3A_77 = tpu.memref_slice %arg11[%dma_start3A_76] : memref<81920xf32, #tpu.memory_space<vmem>> -> memref<8192xf32, #tpu.memory_space<vmem>>
      %dma_start3A_78 = arith.constant 16384 : i32
      %dma_start3A_79 = tpu.memref_slice %arg4[%dma_start3A_78] : memref<81920xf32, #tpu.memory_space<hbm>> -> memref<8192xf32, #tpu.memory_space<hbm>>
      %dma_start3A_80 = arith.constant 16384 : i32
      %dma_start3A_81 = tpu.memref_slice %arg11[%dma_start3A_80] : memref<81920xf32, #tpu.memory_space<vmem>> -> memref<8192xf32, #tpu.memory_space<vmem>>
      %dma_start3A_82 = arith.constant 16384 : i32
      %dma_start3A_83 = tpu.memref_slice %arg4[%dma_start3A_82] : memref<81920xf32, #tpu.memory_space<hbm>> -> memref<8192xf32, #tpu.memory_space<hbm>>
      tpu.enqueue_dma source(%dma_start3A_83 : memref<8192xf32, #tpu.memory_space<hbm>>) target(%dma_start3A_81 : memref<8192xf32, #tpu.memory_space<vmem>>) target_semaphore(%run_scoped3A : memref<!tpu.dma_semaphore, #tpu.memory_space<semaphore_mem>>)
      %dma_wait3A = arith.constant 16384 : i32
      %dma_wait3A_84 = tpu.memref_slice %arg11[%dma_wait3A] : memref<81920xf32, #tpu.memory_space<vmem>> -> memref<8192xf32, #tpu.memory_space<vmem>>
      %dma_wait3A_85 = arith.constant 16384 : i32
      %dma_wait3A_86 = tpu.memref_slice %arg4[%dma_wait3A_85] : memref<81920xf32, #tpu.memory_space<hbm>> -> memref<8192xf32, #tpu.memory_space<hbm>>
      %dma_wait3A_87 = arith.constant 16384 : i32
      %dma_wait3A_88 = tpu.memref_slice %arg11[%dma_wait3A_87] : memref<81920xf32, #tpu.memory_space<vmem>> -> memref<8192xf32, #tpu.memory_space<vmem>>
      %dma_wait3A_89 = arith.constant 16384 : i32
      %dma_wait3A_90 = tpu.memref_slice %arg4[%dma_wait3A_89] : memref<81920xf32, #tpu.memory_space<hbm>> -> memref<8192xf32, #tpu.memory_space<hbm>>
      tpu.wait_dma2 semaphore(%run_scoped3A : memref<!tpu.dma_semaphore, #tpu.memory_space<semaphore_mem>>) src(%dma_wait3A_90 : memref<8192xf32, #tpu.memory_space<hbm>>) dst(%dma_wait3A_88 : memref<8192xf32, #tpu.memory_space<vmem>>)
      tpu.yield
    }) : () -> ()
    "tpu.region"() ({
      %run_scoped3A = tpu.sem_alloc : memref<!tpu.dma_semaphore, #tpu.memory_space<semaphore_mem>>
      %dma_start3A_76 = arith.constant 24576 : i32
      %dma_start3A_77 = tpu.memref_slice %arg11[%dma_start3A_76] : memref<81920xf32, #tpu.memory_space<vmem>> -> memref<8192xf32, #tpu.memory_space<vmem>>
      %dma_start3A_78 = arith.constant 24576 : i32
      %dma_start3A_79 = tpu.memref_slice %arg4[%dma_start3A_78] : memref<81920xf32, #tpu.memory_space<hbm>> -> memref<8192xf32, #tpu.memory_space<hbm>>
      %dma_start3A_80 = arith.constant 24576 : i32
      %dma_start3A_81 = tpu.memref_slice %arg11[%dma_start3A_80] : memref<81920xf32, #tpu.memory_space<vmem>> -> memref<8192xf32, #tpu.memory_space<vmem>>
      %dma_start3A_82 = arith.constant 24576 : i32
      %dma_start3A_83 = tpu.memref_slice %arg4[%dma_start3A_82] : memref<81920xf32, #tpu.memory_space<hbm>> -> memref<8192xf32, #tpu.memory_space<hbm>>
      tpu.enqueue_dma source(%dma_start3A_83 : memref<8192xf32, #tpu.memory_space<hbm>>) target(%dma_start3A_81 : memref<8192xf32, #tpu.memory_space<vmem>>) target_semaphore(%run_scoped3A : memref<!tpu.dma_semaphore, #tpu.memory_space<semaphore_mem>>)
      %dma_wait3A = arith.constant 24576 : i32
      %dma_wait3A_84 = tpu.memref_slice %arg11[%dma_wait3A] : memref<81920xf32, #tpu.memory_space<vmem>> -> memref<8192xf32, #tpu.memory_space<vmem>>
      %dma_wait3A_85 = arith.constant 24576 : i32
      %dma_wait3A_86 = tpu.memref_slice %arg4[%dma_wait3A_85] : memref<81920xf32, #tpu.memory_space<hbm>> -> memref<8192xf32, #tpu.memory_space<hbm>>
      %dma_wait3A_87 = arith.constant 24576 : i32
      %dma_wait3A_88 = tpu.memref_slice %arg11[%dma_wait3A_87] : memref<81920xf32, #tpu.memory_space<vmem>> -> memref<8192xf32, #tpu.memory_space<vmem>>
      %dma_wait3A_89 = arith.constant 24576 : i32
      %dma_wait3A_90 = tpu.memref_slice %arg4[%dma_wait3A_89] : memref<81920xf32, #tpu.memory_space<hbm>> -> memref<8192xf32, #tpu.memory_space<hbm>>
      tpu.wait_dma2 semaphore(%run_scoped3A : memref<!tpu.dma_semaphore, #tpu.memory_space<semaphore_mem>>) src(%dma_wait3A_90 : memref<8192xf32, #tpu.memory_space<hbm>>) dst(%dma_wait3A_88 : memref<8192xf32, #tpu.memory_space<vmem>>)
      tpu.yield
    }) : () -> ()
    "tpu.region"() ({
      %run_scoped3A = tpu.sem_alloc : memref<!tpu.dma_semaphore, #tpu.memory_space<semaphore_mem>>
      %dma_start3A_76 = arith.constant 32768 : i32
      %dma_start3A_77 = tpu.memref_slice %arg11[%dma_start3A_76] : memref<81920xf32, #tpu.memory_space<vmem>> -> memref<8192xf32, #tpu.memory_space<vmem>>
      %dma_start3A_78 = arith.constant 32768 : i32
      %dma_start3A_79 = tpu.memref_slice %arg4[%dma_start3A_78] : memref<81920xf32, #tpu.memory_space<hbm>> -> memref<8192xf32, #tpu.memory_space<hbm>>
      %dma_start3A_80 = arith.constant 32768 : i32
      %dma_start3A_81 = tpu.memref_slice %arg11[%dma_start3A_80] : memref<81920xf32, #tpu.memory_space<vmem>> -> memref<8192xf32, #tpu.memory_space<vmem>>
      %dma_start3A_82 = arith.constant 32768 : i32
      %dma_start3A_83 = tpu.memref_slice %arg4[%dma_start3A_82] : memref<81920xf32, #tpu.memory_space<hbm>> -> memref<8192xf32, #tpu.memory_space<hbm>>
      tpu.enqueue_dma source(%dma_start3A_83 : memref<8192xf32, #tpu.memory_space<hbm>>) target(%dma_start3A_81 : memref<8192xf32, #tpu.memory_space<vmem>>) target_semaphore(%run_scoped3A : memref<!tpu.dma_semaphore, #tpu.memory_space<semaphore_mem>>)
      %dma_wait3A = arith.constant 32768 : i32
      %dma_wait3A_84 = tpu.memref_slice %arg11[%dma_wait3A] : memref<81920xf32, #tpu.memory_space<vmem>> -> memref<8192xf32, #tpu.memory_space<vmem>>
      %dma_wait3A_85 = arith.constant 32768 : i32
      %dma_wait3A_86 = tpu.memref_slice %arg4[%dma_wait3A_85] : memref<81920xf32, #tpu.memory_space<hbm>> -> memref<8192xf32, #tpu.memory_space<hbm>>
      %dma_wait3A_87 = arith.constant 32768 : i32
      %dma_wait3A_88 = tpu.memref_slice %arg11[%dma_wait3A_87] : memref<81920xf32, #tpu.memory_space<vmem>> -> memref<8192xf32, #tpu.memory_space<vmem>>
      %dma_wait3A_89 = arith.constant 32768 : i32
      %dma_wait3A_90 = tpu.memref_slice %arg4[%dma_wait3A_89] : memref<81920xf32, #tpu.memory_space<hbm>> -> memref<8192xf32, #tpu.memory_space<hbm>>
      tpu.wait_dma2 semaphore(%run_scoped3A : memref<!tpu.dma_semaphore, #tpu.memory_space<semaphore_mem>>) src(%dma_wait3A_90 : memref<8192xf32, #tpu.memory_space<hbm>>) dst(%dma_wait3A_88 : memref<8192xf32, #tpu.memory_space<vmem>>)
      tpu.yield
    }) : () -> ()
    "tpu.region"() ({
      %run_scoped3A = tpu.sem_alloc : memref<!tpu.dma_semaphore, #tpu.memory_space<semaphore_mem>>
      %dma_start3A_76 = arith.constant 40960 : i32
      %dma_start3A_77 = tpu.memref_slice %arg11[%dma_start3A_76] : memref<81920xf32, #tpu.memory_space<vmem>> -> memref<8192xf32, #tpu.memory_space<vmem>>
      %dma_start3A_78 = arith.constant 40960 : i32
      %dma_start3A_79 = tpu.memref_slice %arg4[%dma_start3A_78] : memref<81920xf32, #tpu.memory_space<hbm>> -> memref<8192xf32, #tpu.memory_space<hbm>>
      %dma_start3A_80 = arith.constant 40960 : i32
      %dma_start3A_81 = tpu.memref_slice %arg11[%dma_start3A_80] : memref<81920xf32, #tpu.memory_space<vmem>> -> memref<8192xf32, #tpu.memory_space<vmem>>
      %dma_start3A_82 = arith.constant 40960 : i32
      %dma_start3A_83 = tpu.memref_slice %arg4[%dma_start3A_82] : memref<81920xf32, #tpu.memory_space<hbm>> -> memref<8192xf32, #tpu.memory_space<hbm>>
      tpu.enqueue_dma source(%dma_start3A_83 : memref<8192xf32, #tpu.memory_space<hbm>>) target(%dma_start3A_81 : memref<8192xf32, #tpu.memory_space<vmem>>) target_semaphore(%run_scoped3A : memref<!tpu.dma_semaphore, #tpu.memory_space<semaphore_mem>>)
      %dma_wait3A = arith.constant 40960 : i32
      %dma_wait3A_84 = tpu.memref_slice %arg11[%dma_wait3A] : memref<81920xf32, #tpu.memory_space<vmem>> -> memref<8192xf32, #tpu.memory_space<vmem>>
      %dma_wait3A_85 = arith.constant 40960 : i32
      %dma_wait3A_86 = tpu.memref_slice %arg4[%dma_wait3A_85] : memref<81920xf32, #tpu.memory_space<hbm>> -> memref<8192xf32, #tpu.memory_space<hbm>>
      %dma_wait3A_87 = arith.constant 40960 : i32
      %dma_wait3A_88 = tpu.memref_slice %arg11[%dma_wait3A_87] : memref<81920xf32, #tpu.memory_space<vmem>> -> memref<8192xf32, #tpu.memory_space<vmem>>
      %dma_wait3A_89 = arith.constant 40960 : i32
      %dma_wait3A_90 = tpu.memref_slice %arg4[%dma_wait3A_89] : memref<81920xf32, #tpu.memory_space<hbm>> -> memref<8192xf32, #tpu.memory_space<hbm>>
      tpu.wait_dma2 semaphore(%run_scoped3A : memref<!tpu.dma_semaphore, #tpu.memory_space<semaphore_mem>>) src(%dma_wait3A_90 : memref<8192xf32, #tpu.memory_space<hbm>>) dst(%dma_wait3A_88 : memref<8192xf32, #tpu.memory_space<vmem>>)
      tpu.yield
    }) : () -> ()
    "tpu.region"() ({
      %run_scoped3A = tpu.sem_alloc : memref<!tpu.dma_semaphore, #tpu.memory_space<semaphore_mem>>
      %dma_start3A_76 = arith.constant 49152 : i32
      %dma_start3A_77 = tpu.memref_slice %arg11[%dma_start3A_76] : memref<81920xf32, #tpu.memory_space<vmem>> -> memref<8192xf32, #tpu.memory_space<vmem>>
      %dma_start3A_78 = arith.constant 49152 : i32
      %dma_start3A_79 = tpu.memref_slice %arg4[%dma_start3A_78] : memref<81920xf32, #tpu.memory_space<hbm>> -> memref<8192xf32, #tpu.memory_space<hbm>>
      %dma_start3A_80 = arith.constant 49152 : i32
      %dma_start3A_81 = tpu.memref_slice %arg11[%dma_start3A_80] : memref<81920xf32, #tpu.memory_space<vmem>> -> memref<8192xf32, #tpu.memory_space<vmem>>
      %dma_start3A_82 = arith.constant 49152 : i32
      %dma_start3A_83 = tpu.memref_slice %arg4[%dma_start3A_82] : memref<81920xf32, #tpu.memory_space<hbm>> -> memref<8192xf32, #tpu.memory_space<hbm>>
      tpu.enqueue_dma source(%dma_start3A_83 : memref<8192xf32, #tpu.memory_space<hbm>>) target(%dma_start3A_81 : memref<8192xf32, #tpu.memory_space<vmem>>) target_semaphore(%run_scoped3A : memref<!tpu.dma_semaphore, #tpu.memory_space<semaphore_mem>>)
      %dma_wait3A = arith.constant 49152 : i32
      %dma_wait3A_84 = tpu.memref_slice %arg11[%dma_wait3A] : memref<81920xf32, #tpu.memory_space<vmem>> -> memref<8192xf32, #tpu.memory_space<vmem>>
      %dma_wait3A_85 = arith.constant 49152 : i32
      %dma_wait3A_86 = tpu.memref_slice %arg4[%dma_wait3A_85] : memref<81920xf32, #tpu.memory_space<hbm>> -> memref<8192xf32, #tpu.memory_space<hbm>>
      %dma_wait3A_87 = arith.constant 49152 : i32
      %dma_wait3A_88 = tpu.memref_slice %arg11[%dma_wait3A_87] : memref<81920xf32, #tpu.memory_space<vmem>> -> memref<8192xf32, #tpu.memory_space<vmem>>
      %dma_wait3A_89 = arith.constant 49152 : i32
      %dma_wait3A_90 = tpu.memref_slice %arg4[%dma_wait3A_89] : memref<81920xf32, #tpu.memory_space<hbm>> -> memref<8192xf32, #tpu.memory_space<hbm>>
      tpu.wait_dma2 semaphore(%run_scoped3A : memref<!tpu.dma_semaphore, #tpu.memory_space<semaphore_mem>>) src(%dma_wait3A_90 : memref<8192xf32, #tpu.memory_space<hbm>>) dst(%dma_wait3A_88 : memref<8192xf32, #tpu.memory_space<vmem>>)
      tpu.yield
    }) : () -> ()
    "tpu.region"() ({
      %run_scoped3A = tpu.sem_alloc : memref<!tpu.dma_semaphore, #tpu.memory_space<semaphore_mem>>
      %dma_start3A_76 = arith.constant 57344 : i32
      %dma_start3A_77 = tpu.memref_slice %arg11[%dma_start3A_76] : memref<81920xf32, #tpu.memory_space<vmem>> -> memref<8192xf32, #tpu.memory_space<vmem>>
      %dma_start3A_78 = arith.constant 57344 : i32
      %dma_start3A_79 = tpu.memref_slice %arg4[%dma_start3A_78] : memref<81920xf32, #tpu.memory_space<hbm>> -> memref<8192xf32, #tpu.memory_space<hbm>>
      %dma_start3A_80 = arith.constant 57344 : i32
      %dma_start3A_81 = tpu.memref_slice %arg11[%dma_start3A_80] : memref<81920xf32, #tpu.memory_space<vmem>> -> memref<8192xf32, #tpu.memory_space<vmem>>
      %dma_start3A_82 = arith.constant 57344 : i32
      %dma_start3A_83 = tpu.memref_slice %arg4[%dma_start3A_82] : memref<81920xf32, #tpu.memory_space<hbm>> -> memref<8192xf32, #tpu.memory_space<hbm>>
      tpu.enqueue_dma source(%dma_start3A_83 : memref<8192xf32, #tpu.memory_space<hbm>>) target(%dma_start3A_81 : memref<8192xf32, #tpu.memory_space<vmem>>) target_semaphore(%run_scoped3A : memref<!tpu.dma_semaphore, #tpu.memory_space<semaphore_mem>>)
      %dma_wait3A = arith.constant 57344 : i32
      %dma_wait3A_84 = tpu.memref_slice %arg11[%dma_wait3A] : memref<81920xf32, #tpu.memory_space<vmem>> -> memref<8192xf32, #tpu.memory_space<vmem>>
      %dma_wait3A_85 = arith.constant 57344 : i32
      %dma_wait3A_86 = tpu.memref_slice %arg4[%dma_wait3A_85] : memref<81920xf32, #tpu.memory_space<hbm>> -> memref<8192xf32, #tpu.memory_space<hbm>>
      %dma_wait3A_87 = arith.constant 57344 : i32
      %dma_wait3A_88 = tpu.memref_slice %arg11[%dma_wait3A_87] : memref<81920xf32, #tpu.memory_space<vmem>> -> memref<8192xf32, #tpu.memory_space<vmem>>
      %dma_wait3A_89 = arith.constant 57344 : i32
      %dma_wait3A_90 = tpu.memref_slice %arg4[%dma_wait3A_89] : memref<81920xf32, #tpu.memory_space<hbm>> -> memref<8192xf32, #tpu.memory_space<hbm>>
      tpu.wait_dma2 semaphore(%run_scoped3A : memref<!tpu.dma_semaphore, #tpu.memory_space<semaphore_mem>>) src(%dma_wait3A_90 : memref<8192xf32, #tpu.memory_space<hbm>>) dst(%dma_wait3A_88 : memref<8192xf32, #tpu.memory_space<vmem>>)
      tpu.yield
    }) : () -> ()
    "tpu.region"() ({
      %run_scoped3A = tpu.sem_alloc : memref<!tpu.dma_semaphore, #tpu.memory_space<semaphore_mem>>
      %dma_start3A_76 = arith.constant 65536 : i32
      %dma_start3A_77 = tpu.memref_slice %arg11[%dma_start3A_76] : memref<81920xf32, #tpu.memory_space<vmem>> -> memref<8192xf32, #tpu.memory_space<vmem>>
      %dma_start3A_78 = arith.constant 65536 : i32
      %dma_start3A_79 = tpu.memref_slice %arg4[%dma_start3A_78] : memref<81920xf32, #tpu.memory_space<hbm>> -> memref<8192xf32, #tpu.memory_space<hbm>>
      %dma_start3A_80 = arith.constant 65536 : i32
      %dma_start3A_81 = tpu.memref_slice %arg11[%dma_start3A_80] : memref<81920xf32, #tpu.memory_space<vmem>> -> memref<8192xf32, #tpu.memory_space<vmem>>
      %dma_start3A_82 = arith.constant 65536 : i32
      %dma_start3A_83 = tpu.memref_slice %arg4[%dma_start3A_82] : memref<81920xf32, #tpu.memory_space<hbm>> -> memref<8192xf32, #tpu.memory_space<hbm>>
      tpu.enqueue_dma source(%dma_start3A_83 : memref<8192xf32, #tpu.memory_space<hbm>>) target(%dma_start3A_81 : memref<8192xf32, #tpu.memory_space<vmem>>) target_semaphore(%run_scoped3A : memref<!tpu.dma_semaphore, #tpu.memory_space<semaphore_mem>>)
      %dma_wait3A = arith.constant 65536 : i32
      %dma_wait3A_84 = tpu.memref_slice %arg11[%dma_wait3A] : memref<81920xf32, #tpu.memory_space<vmem>> -> memref<8192xf32, #tpu.memory_space<vmem>>
      %dma_wait3A_85 = arith.constant 65536 : i32
      %dma_wait3A_86 = tpu.memref_slice %arg4[%dma_wait3A_85] : memref<81920xf32, #tpu.memory_space<hbm>> -> memref<8192xf32, #tpu.memory_space<hbm>>
      %dma_wait3A_87 = arith.constant 65536 : i32
      %dma_wait3A_88 = tpu.memref_slice %arg11[%dma_wait3A_87] : memref<81920xf32, #tpu.memory_space<vmem>> -> memref<8192xf32, #tpu.memory_space<vmem>>
      %dma_wait3A_89 = arith.constant 65536 : i32
      %dma_wait3A_90 = tpu.memref_slice %arg4[%dma_wait3A_89] : memref<81920xf32, #tpu.memory_space<hbm>> -> memref<8192xf32, #tpu.memory_space<hbm>>
      tpu.wait_dma2 semaphore(%run_scoped3A : memref<!tpu.dma_semaphore, #tpu.memory_space<semaphore_mem>>) src(%dma_wait3A_90 : memref<8192xf32, #tpu.memory_space<hbm>>) dst(%dma_wait3A_88 : memref<8192xf32, #tpu.memory_space<vmem>>)
      tpu.yield
    }) : () -> ()
    "tpu.region"() ({
      %run_scoped3A = tpu.sem_alloc : memref<!tpu.dma_semaphore, #tpu.memory_space<semaphore_mem>>
      %dma_start3A_76 = arith.constant 73728 : i32
      %dma_start3A_77 = tpu.memref_slice %arg11[%dma_start3A_76] : memref<81920xf32, #tpu.memory_space<vmem>> -> memref<8192xf32, #tpu.memory_space<vmem>>
      %dma_start3A_78 = arith.constant 73728 : i32
      %dma_start3A_79 = tpu.memref_slice %arg4[%dma_start3A_78] : memref<81920xf32, #tpu.memory_space<hbm>> -> memref<8192xf32, #tpu.memory_space<hbm>>
      %dma_start3A_80 = arith.constant 73728 : i32
      %dma_start3A_81 = tpu.memref_slice %arg11[%dma_start3A_80] : memref<81920xf32, #tpu.memory_space<vmem>> -> memref<8192xf32, #tpu.memory_space<vmem>>
      %dma_start3A_82 = arith.constant 73728 : i32
      %dma_start3A_83 = tpu.memref_slice %arg4[%dma_start3A_82] : memref<81920xf32, #tpu.memory_space<hbm>> -> memref<8192xf32, #tpu.memory_space<hbm>>
      tpu.enqueue_dma source(%dma_start3A_83 : memref<8192xf32, #tpu.memory_space<hbm>>) target(%dma_start3A_81 : memref<8192xf32, #tpu.memory_space<vmem>>) target_semaphore(%run_scoped3A : memref<!tpu.dma_semaphore, #tpu.memory_space<semaphore_mem>>)
      %dma_wait3A = arith.constant 73728 : i32
      %dma_wait3A_84 = tpu.memref_slice %arg11[%dma_wait3A] : memref<81920xf32, #tpu.memory_space<vmem>> -> memref<8192xf32, #tpu.memory_space<vmem>>
      %dma_wait3A_85 = arith.constant 73728 : i32
      %dma_wait3A_86 = tpu.memref_slice %arg4[%dma_wait3A_85] : memref<81920xf32, #tpu.memory_space<hbm>> -> memref<8192xf32, #tpu.memory_space<hbm>>
      %dma_wait3A_87 = arith.constant 73728 : i32
      %dma_wait3A_88 = tpu.memref_slice %arg11[%dma_wait3A_87] : memref<81920xf32, #tpu.memory_space<vmem>> -> memref<8192xf32, #tpu.memory_space<vmem>>
      %dma_wait3A_89 = arith.constant 73728 : i32
      %dma_wait3A_90 = tpu.memref_slice %arg4[%dma_wait3A_89] : memref<81920xf32, #tpu.memory_space<hbm>> -> memref<8192xf32, #tpu.memory_space<hbm>>
      tpu.wait_dma2 semaphore(%run_scoped3A : memref<!tpu.dma_semaphore, #tpu.memory_space<semaphore_mem>>) src(%dma_wait3A_90 : memref<8192xf32, #tpu.memory_space<hbm>>) dst(%dma_wait3A_88 : memref<8192xf32, #tpu.memory_space<vmem>>)
      tpu.yield
    }) : () -> ()
    "tpu.region"() ({
      %run_scoped3A = tpu.sem_alloc : memref<!tpu.dma_semaphore, #tpu.memory_space<semaphore_mem>>
      %dma_start3A_76 = arith.constant 0 : i32
      %dma_start3A_77 = tpu.memref_slice %arg4[%dma_start3A_76] : memref<81920xf32, #tpu.memory_space<hbm>> -> memref<10240xf32, #tpu.memory_space<hbm>>
      %dma_start3A_78 = arith.constant 0 : i32
      %dma_start3A_79 = tpu.memref_slice %arg4[%dma_start3A_78] : memref<81920xf32, #tpu.memory_space<hbm>> -> memref<10240xf32, #tpu.memory_space<hbm>>
      tpu.enqueue_dma source(%dma_start3A_79 : memref<10240xf32, #tpu.memory_space<hbm>>) target(%arg12 : memref<10240xf32, #tpu.memory_space<vmem>>) target_semaphore(%run_scoped3A : memref<!tpu.dma_semaphore, #tpu.memory_space<semaphore_mem>>)
      %dma_wait3A = arith.constant 0 : i32
      %dma_wait3A_80 = tpu.memref_slice %arg4[%dma_wait3A] : memref<81920xf32, #tpu.memory_space<hbm>> -> memref<10240xf32, #tpu.memory_space<hbm>>
      %dma_wait3A_81 = arith.constant 0 : i32
      %dma_wait3A_82 = tpu.memref_slice %arg4[%dma_wait3A_81] : memref<81920xf32, #tpu.memory_space<hbm>> -> memref<10240xf32, #tpu.memory_space<hbm>>
      tpu.wait_dma2 semaphore(%run_scoped3A : memref<!tpu.dma_semaphore, #tpu.memory_space<semaphore_mem>>) src(%dma_wait3A_82 : memref<10240xf32, #tpu.memory_space<hbm>>) dst(%arg12 : memref<10240xf32, #tpu.memory_space<vmem>>)
      tpu.yield
    }) : () -> ()
    %iota3A = tpu.iota {dimensions = array<i32: 0>} : vector<16xi32>
    %jit3A = arith.constant 8 : i32
    %div3A = vector.broadcast %jit3A : i32 to vector<16xi32>
    %div3A_0 = arith.divsi %iota3A, %div3A : vector<16xi32>
    %sign3A = arith.constant 0 : i32
    %sign3A_1 = vector.broadcast %sign3A : i32 to vector<16xi32>
    %sign3A_2 = arith.cmpi sgt, %iota3A, %sign3A_1 : vector<16xi32>
    %sign3A_3 = arith.extui %sign3A_2 : vector<16xi1> to vector<16xi32>
    %sign3A_4 = arith.constant 0 : i32
    %sign3A_5 = vector.broadcast %sign3A_4 : i32 to vector<16xi32>
    %sign3A_6 = arith.cmpi slt, %iota3A, %sign3A_5 : vector<16xi32>
    %sign3A_7 = arith.extui %sign3A_6 : vector<16xi1> to vector<16xi32>
    %sign3A_8 = arith.subi %sign3A_3, %sign3A_7 : vector<16xi32>
    %sign3A_9 = arith.constant 0 : i32
    %sign3A_10 = arith.cmpi sgt, %jit3A, %sign3A_9 : i32
    %sign3A_11 = arith.extui %sign3A_10 : i1 to i32
    %sign3A_12 = arith.constant 0 : i32
    %sign3A_13 = arith.cmpi slt, %jit3A, %sign3A_12 : i32
    %sign3A_14 = arith.extui %sign3A_13 : i1 to i32
    %sign3A_15 = arith.subi %sign3A_11, %sign3A_14 : i32
    %ne3A = vector.broadcast %sign3A_15 : i32 to vector<16xi32>
    %ne3A_16 = arith.cmpi ne, %sign3A_8, %ne3A : vector<16xi32>
    %rem3A = vector.broadcast %jit3A : i32 to vector<16xi32>
    %rem3A_17 = arith.remsi %iota3A, %rem3A : vector<16xi32>
    %ne3A_18 = arith.constant 0 : i32
    %ne3A_19 = vector.broadcast %ne3A_18 : i32 to vector<16xi32>
    %ne3A_20 = arith.cmpi ne, %rem3A_17, %ne3A_19 : vector<16xi32>
    %and3A = arith.andi %ne3A_16, %ne3A_20 : vector<16xi1>
    %sub3A = arith.constant 1 : i32
    %sub3A_21 = vector.broadcast %sub3A : i32 to vector<16xi32>
    %sub3A_22 = arith.subi %div3A_0, %sub3A_21 : vector<16xi32>
    %select_n3A = arith.select %and3A, %sub3A_22, %div3A_0 : vector<16xi1>, vector<16xi32>
    %jit3A_23 = arith.constant 8 : i32
    %eq3A = arith.constant 0 : i32
    %eq3A_24 = arith.cmpi eq, %jit3A_23, %eq3A : i32
    %jit3A_25 = arith.constant 1 : i32
    %select_n3A_26 = arith.select %eq3A_24, %jit3A_25, %jit3A_23 : i32
    %rem3A_27 = vector.broadcast %select_n3A_26 : i32 to vector<16xi32>
    %rem3A_28 = arith.remsi %iota3A, %rem3A_27 : vector<16xi32>
    %ne3A_29 = arith.constant 0 : i32
    %ne3A_30 = vector.broadcast %ne3A_29 : i32 to vector<16xi32>
    %ne3A_31 = arith.cmpi ne, %rem3A_28, %ne3A_30 : vector<16xi32>
    %lt3A = arith.constant 0 : i32
    %lt3A_32 = vector.broadcast %lt3A : i32 to vector<16xi32>
    %lt3A_33 = arith.cmpi slt, %rem3A_28, %lt3A_32 : vector<16xi32>
    %lt3A_34 = arith.constant 0 : i32
    %lt3A_35 = arith.cmpi slt, %select_n3A_26, %lt3A_34 : i32
    %ne3A_36 = vector.broadcast %lt3A_35 : i1 to vector<16xi1>
    %ne3A_37 = vector.broadcast %ne3A_36 : vector<16xi1> to vector<16xi1>
    %ne3A_38 = arith.xori %lt3A_33, %ne3A_37 : vector<16xi1>
    %and3A_39 = arith.andi %ne3A_38, %ne3A_31 : vector<16xi1>
    %add3A = vector.broadcast %select_n3A_26 : i32 to vector<16xi32>
    %add3A_40 = arith.addi %rem3A_28, %add3A : vector<16xi32>
    %select_n3A_41 = arith.select %and3A_39, %add3A_40, %rem3A_28 : vector<16xi1>, vector<16xi32>
    %broadcast_in_dim3A = arith.constant 1.000000e+00 : f32
    %broadcast_in_dim3A_42 = vector.broadcast %broadcast_in_dim3A : f32 to vector<16xf32>
    %mul3A = arith.constant 16 : i32
    %mul3A_43 = vector.broadcast %mul3A : i32 to vector<16xi32>
    %mul3A_44 = arith.muli %select_n3A, %mul3A_43 : vector<16xi32>
    %add3A_45 = arith.addi %mul3A_44, %select_n3A_41 : vector<16xi32>
    %mul3A_46 = arith.constant 8 : i32
    %mul3A_47 = arith.muli %arg0, %mul3A_46 : i32
    %add3A_48 = vector.broadcast %mul3A_47 : i32 to vector<16xi32>
    %add3A_49 = arith.addi %add3A_45, %add3A_48 : vector<16xi32>
    %mul3A_50 = arith.constant 20000 : i32
    %mul3A_51 = arith.muli %arg1, %mul3A_50 : i32
    %add3A_52 = arith.constant 0 : i32
    %add3A_53 = arith.addi %mul3A_51, %add3A_52 : i32
    %dma_start3A = tpu.memref_slice %arg2[%add3A_53] : memref<320000xi32, #tpu.memory_space<hbm>> -> memref<400xi32, #tpu.memory_space<hbm>>
    %dma_start3A_54 = tpu.memref_slice %arg2[%add3A_53] : memref<320000xi32, #tpu.memory_space<hbm>> -> memref<400xi32, #tpu.memory_space<hbm>>
    tpu.enqueue_dma source(%dma_start3A_54 : memref<400xi32, #tpu.memory_space<hbm>>) target(%arg7 : memref<400xi32, #tpu.memory_space<vmem>>) target_semaphore(%arg13 : memref<!tpu.dma_semaphore, #tpu.memory_space<semaphore_mem>>)
    %mul3A_55 = arith.constant 50 : i32
    %mul3A_56 = arith.muli %arg1, %mul3A_55 : i32
    %add3A_57 = arith.constant 0 : i32
    %add3A_58 = arith.addi %mul3A_56, %add3A_57 : i32
    %dma_start3A_59 = arith.constant 0 : i32
    %dma_start3A_60 = tpu.memref_slice %arg3[%add3A_58, %dma_start3A_59] : memref<800x6400xf32, #tpu.memory_space<hbm>> -> memref<1x6400xf32, #tpu.memory_space<hbm>>
    %dma_start3A_61 = tpu.memref_squeeze %dma_start3A_60 : memref<1x6400xf32, #tpu.memory_space<hbm>> -> memref<6400xf32, #tpu.memory_space<hbm>>
    %dma_start3A_62 = arith.constant 0 : i32
    %dma_start3A_63 = tpu.memref_slice %arg3[%add3A_58, %dma_start3A_62] : memref<800x6400xf32, #tpu.memory_space<hbm>> -> memref<1x6400xf32, #tpu.memory_space<hbm>>
    %dma_start3A_64 = tpu.memref_squeeze %dma_start3A_63 : memref<1x6400xf32, #tpu.memory_space<hbm>> -> memref<6400xf32, #tpu.memory_space<hbm>>
    tpu.enqueue_dma source(%dma_start3A_64 : memref<6400xf32, #tpu.memory_space<hbm>>) target(%arg9 : memref<6400xf32, #tpu.memory_space<vmem>>) target_semaphore(%arg15 : memref<!tpu.dma_semaphore, #tpu.memory_space<semaphore_mem>>)
    %scan3A = arith.constant 0 : i32
    %scan3A_65 = arith.constant 0 : i32
    %scan3A_66 = arith.constant 25 : i32
    %scan3A_67 = arith.addi %scan3A_65, %scan3A_66 : i32
    %scan3A_68 = arith.constant 1 : i32
    scf.for %scan3A_76 = %scan3A_65 to %scan3A_67 step %scan3A_68  : i32 {
      %mul3A_77 = arith.constant 2 : i32
      %mul3A_78 = arith.muli %mul3A_77, %scan3A_76 : i32
      %add3A_79 = arith.constant 1 : i32
      %add3A_80 = arith.addi %mul3A_78, %add3A_79 : i32
      %mul3A_81 = arith.constant 20000 : i32
      %mul3A_82 = arith.muli %arg1, %mul3A_81 : i32
      %mul3A_83 = arith.constant 400 : i32
      %mul3A_84 = arith.muli %add3A_80, %mul3A_83 : i32
      %add3A_85 = arith.addi %mul3A_82, %mul3A_84 : i32
      %dma_start3A_86 = tpu.memref_slice %arg2[%add3A_85] : memref<320000xi32, #tpu.memory_space<hbm>> -> memref<400xi32, #tpu.memory_space<hbm>>
      %dma_start3A_87 = tpu.memref_slice %arg2[%add3A_85] : memref<320000xi32, #tpu.memory_space<hbm>> -> memref<400xi32, #tpu.memory_space<hbm>>
      tpu.enqueue_dma source(%dma_start3A_87 : memref<400xi32, #tpu.memory_space<hbm>>) target(%arg8 : memref<400xi32, #tpu.memory_space<vmem>>) target_semaphore(%arg14 : memref<!tpu.dma_semaphore, #tpu.memory_space<semaphore_mem>>)
      %mul3A_88 = arith.constant 50 : i32
      %mul3A_89 = arith.muli %arg1, %mul3A_88 : i32
      %add3A_90 = arith.addi %mul3A_89, %add3A_80 : i32
      %dma_start3A_91 = arith.constant 0 : i32
      %dma_start3A_92 = tpu.memref_slice %arg3[%add3A_90, %dma_start3A_91] : memref<800x6400xf32, #tpu.memory_space<hbm>> -> memref<1x6400xf32, #tpu.memory_space<hbm>>
      %dma_start3A_93 = tpu.memref_squeeze %dma_start3A_92 : memref<1x6400xf32, #tpu.memory_space<hbm>> -> memref<6400xf32, #tpu.memory_space<hbm>>
      %dma_start3A_94 = arith.constant 0 : i32
      %dma_start3A_95 = tpu.memref_slice %arg3[%add3A_90, %dma_start3A_94] : memref<800x6400xf32, #tpu.memory_space<hbm>> -> memref<1x6400xf32, #tpu.memory_space<hbm>>
      %dma_start3A_96 = tpu.memref_squeeze %dma_start3A_95 : memref<1x6400xf32, #tpu.memory_space<hbm>> -> memref<6400xf32, #tpu.memory_space<hbm>>
      tpu.enqueue_dma source(%dma_start3A_96 : memref<6400xf32, #tpu.memory_space<hbm>>) target(%arg10 : memref<6400xf32, #tpu.memory_space<vmem>>) target_semaphore(%arg16 : memref<!tpu.dma_semaphore, #tpu.memory_space<semaphore_mem>>)
      %mul3A_97 = arith.constant 20000 : i32
      %mul3A_98 = arith.muli %arg1, %mul3A_97 : i32
      %mul3A_99 = arith.constant 400 : i32
      %mul3A_100 = arith.muli %mul3A_78, %mul3A_99 : i32
      %add3A_101 = arith.addi %mul3A_98, %mul3A_100 : i32
      %dma_wait3A = tpu.memref_slice %arg2[%add3A_101] : memref<320000xi32, #tpu.memory_space<hbm>> -> memref<400xi32, #tpu.memory_space<hbm>>
      %dma_wait3A_102 = tpu.memref_slice %arg2[%add3A_101] : memref<320000xi32, #tpu.memory_space<hbm>> -> memref<400xi32, #tpu.memory_space<hbm>>
      tpu.wait_dma2 semaphore(%arg13 : memref<!tpu.dma_semaphore, #tpu.memory_space<semaphore_mem>>) src(%dma_wait3A_102 : memref<400xi32, #tpu.memory_space<hbm>>) dst(%arg7 : memref<400xi32, #tpu.memory_space<vmem>>)
      %mul3A_103 = arith.constant 50 : i32
      %mul3A_104 = arith.muli %arg1, %mul3A_103 : i32
      %add3A_105 = arith.addi %mul3A_104, %mul3A_78 : i32
      %dma_wait3A_106 = arith.constant 0 : i32
      %dma_wait3A_107 = tpu.memref_slice %arg3[%add3A_105, %dma_wait3A_106] : memref<800x6400xf32, #tpu.memory_space<hbm>> -> memref<1x6400xf32, #tpu.memory_space<hbm>>
      %dma_wait3A_108 = tpu.memref_squeeze %dma_wait3A_107 : memref<1x6400xf32, #tpu.memory_space<hbm>> -> memref<6400xf32, #tpu.memory_space<hbm>>
      %dma_wait3A_109 = arith.constant 0 : i32
      %dma_wait3A_110 = tpu.memref_slice %arg3[%add3A_105, %dma_wait3A_109] : memref<800x6400xf32, #tpu.memory_space<hbm>> -> memref<1x6400xf32, #tpu.memory_space<hbm>>
      %dma_wait3A_111 = tpu.memref_squeeze %dma_wait3A_110 : memref<1x6400xf32, #tpu.memory_space<hbm>> -> memref<6400xf32, #tpu.memory_space<hbm>>
      tpu.wait_dma2 semaphore(%arg15 : memref<!tpu.dma_semaphore, #tpu.memory_space<semaphore_mem>>) src(%dma_wait3A_111 : memref<6400xf32, #tpu.memory_space<hbm>>) dst(%arg9 : memref<6400xf32, #tpu.memory_space<vmem>>)
      %scan3A_112 = arith.constant 0 : i32
      %scan3A_113 = arith.constant 0 : i32
      %scan3A_114 = arith.constant 25 : i32
      %scan3A_115 = arith.addi %scan3A_113, %scan3A_114 : i32
      %scan3A_116 = arith.constant 1 : i32
      scf.for %scan3A_149 = %scan3A_113 to %scan3A_115 step %scan3A_116  : i32 {
        %mul3A_150 = arith.constant 16 : i32
        %mul3A_151 = arith.muli %scan3A_149, %mul3A_150 : i32
        %get3A = arith.index_cast %mul3A_151 : i32 to index
        %get3A_152 = tpu.vector_load %arg7[%get3A] {strides = array<i32>} : memref<400xi32, #tpu.memory_space<vmem>>, vector<16xi32>,
        %eq3A_153 = arith.constant 0 : i32
        %eq3A_154 = arith.cmpi eq, %arg0, %eq3A_153 : i32
        %convert_element_type3A_155 = arith.extui %eq3A_154 : i1 to i32
        %cond3A_156 = arith.constant 0 : i32
        %cond3A_157 = arith.cmpi ne, %convert_element_type3A_155, %cond3A_156 : i32
        scf.if %cond3A_157 {
          tpu.vector_store_idx %arg12[%get3A_152], %broadcast_in_dim3A_42 {add = true} : memref<10240xf32, #tpu.memory_space<vmem>>[vector<16xi32>], vector<16xf32>,
        } else {
        }
        %mul3A_158 = arith.constant 16 : i32
        %mul3A_159 = arith.muli %scan3A_149, %mul3A_158 : i32
        %add3A_160 = arith.constant 0 : i32
        %add3A_161 = arith.addi %mul3A_159, %add3A_160 : i32
        %add3A_162 = vector.broadcast %add3A_161 : i32 to vector<16xi32>
        %add3A_163 = arith.addi %select_n3A, %add3A_162 : vector<16xi32>
        %gather3A = tpu.vector_load_idx %arg7[%add3A_163] : memref<400xi32, #tpu.memory_space<vmem>>[vector<16xi32>], vector<16xi32>,
        %mul3A_164 = arith.constant 8 : i32
        %mul3A_165 = vector.broadcast %mul3A_164 : i32 to vector<16xi32>
        %mul3A_166 = arith.muli %gather3A, %mul3A_165 : vector<16xi32>
        %add3A_167 = arith.addi %mul3A_166, %select_n3A_41 : vector<16xi32>
        %mul3A_168 = arith.constant 16 : i32
        %mul3A_169 = arith.muli %add3A_161, %mul3A_168 : i32
        %add3A_170 = vector.broadcast %mul3A_169 : i32 to vector<16xi32>
        %add3A_171 = arith.addi %add3A_49, %add3A_170 : vector<16xi32>
        %gather3A_172 = tpu.vector_load_idx %arg9[%add3A_171] : memref<6400xf32, #tpu.memory_space<vmem>>[vector<16xi32>], vector<16xf32>,
        tpu.vector_store_idx %arg11[%add3A_167], %gather3A_172 {add = true} : memref<81920xf32, #tpu.memory_space<vmem>>[vector<16xi32>], vector<16xf32>,
        %mul3A_173 = arith.constant 16 : i32
        %mul3A_174 = arith.muli %scan3A_149, %mul3A_173 : i32
        %add3A_175 = arith.constant 2 : i32
        %add3A_176 = arith.addi %mul3A_174, %add3A_175 : i32
        %add3A_177 = vector.broadcast %add3A_176 : i32 to vector<16xi32>
        %add3A_178 = arith.addi %select_n3A, %add3A_177 : vector<16xi32>
        %gather3A_179 = tpu.vector_load_idx %arg7[%add3A_178] : memref<400xi32, #tpu.memory_space<vmem>>[vector<16xi32>], vector<16xi32>,
        %mul3A_180 = arith.constant 8 : i32
        %mul3A_181 = vector.broadcast %mul3A_180 : i32 to vector<16xi32>
        %mul3A_182 = arith.muli %gather3A_179, %mul3A_181 : vector<16xi32>
        %add3A_183 = arith.addi %mul3A_182, %select_n3A_41 : vector<16xi32>
        %mul3A_184 = arith.constant 16 : i32
        %mul3A_185 = arith.muli %add3A_176, %mul3A_184 : i32
        %add3A_186 = vector.broadcast %mul3A_185 : i32 to vector<16xi32>
        %add3A_187 = arith.addi %add3A_49, %add3A_186 : vector<16xi32>
        %gather3A_188 = tpu.vector_load_idx %arg9[%add3A_187] : memref<6400xf32, #tpu.memory_space<vmem>>[vector<16xi32>], vector<16xf32>,
        tpu.vector_store_idx %arg11[%add3A_183], %gather3A_188 {add = true} : memref<81920xf32, #tpu.memory_space<vmem>>[vector<16xi32>], vector<16xf32>,
        %mul3A_189 = arith.constant 16 : i32
        %mul3A_190 = arith.muli %scan3A_149, %mul3A_189 : i32
        %add3A_191 = arith.constant 4 : i32
        %add3A_192 = arith.addi %mul3A_190, %add3A_191 : i32
        %add3A_193 = vector.broadcast %add3A_192 : i32 to vector<16xi32>
        %add3A_194 = arith.addi %select_n3A, %add3A_193 : vector<16xi32>
        %gather3A_195 = tpu.vector_load_idx %arg7[%add3A_194] : memref<400xi32, #tpu.memory_space<vmem>>[vector<16xi32>], vector<16xi32>,
        %mul3A_196 = arith.constant 8 : i32
        %mul3A_197 = vector.broadcast %mul3A_196 : i32 to vector<16xi32>
        %mul3A_198 = arith.muli %gather3A_195, %mul3A_197 : vector<16xi32>
        %add3A_199 = arith.addi %mul3A_198, %select_n3A_41 : vector<16xi32>
        %mul3A_200 = arith.constant 16 : i32
        %mul3A_201 = arith.muli %add3A_192, %mul3A_200 : i32
        %add3A_202 = vector.broadcast %mul3A_201 : i32 to vector<16xi32>
        %add3A_203 = arith.addi %add3A_49, %add3A_202 : vector<16xi32>
        %gather3A_204 = tpu.vector_load_idx %arg9[%add3A_203] : memref<6400xf32, #tpu.memory_space<vmem>>[vector<16xi32>], vector<16xf32>,
        tpu.vector_store_idx %arg11[%add3A_199], %gather3A_204 {add = true} : memref<81920xf32, #tpu.memory_space<vmem>>[vector<16xi32>], vector<16xf32>,
        %mul3A_205 = arith.constant 16 : i32
        %mul3A_206 = arith.muli %scan3A_149, %mul3A_205 : i32
        %add3A_207 = arith.constant 6 : i32
        %add3A_208 = arith.addi %mul3A_206, %add3A_207 : i32
        %add3A_209 = vector.broadcast %add3A_208 : i32 to vector<16xi32>
        %add3A_210 = arith.addi %select_n3A, %add3A_209 : vector<16xi32>
        %gather3A_211 = tpu.vector_load_idx %arg7[%add3A_210] : memref<400xi32, #tpu.memory_space<vmem>>[vector<16xi32>], vector<16xi32>,
        %mul3A_212 = arith.constant 8 : i32
        %mul3A_213 = vector.broadcast %mul3A_212 : i32 to vector<16xi32>
        %mul3A_214 = arith.muli %gather3A_211, %mul3A_213 : vector<16xi32>
        %add3A_215 = arith.addi %mul3A_214, %select_n3A_41 : vector<16xi32>
        %mul3A_216 = arith.constant 16 : i32
        %mul3A_217 = arith.muli %add3A_208, %mul3A_216 : i32
        %add3A_218 = vector.broadcast %mul3A_217 : i32 to vector<16xi32>
        %add3A_219 = arith.addi %add3A_49, %add3A_218 : vector<16xi32>
        %gather3A_220 = tpu.vector_load_idx %arg9[%add3A_219] : memref<6400xf32, #tpu.memory_space<vmem>>[vector<16xi32>], vector<16xf32>,
        tpu.vector_store_idx %arg11[%add3A_215], %gather3A_220 {add = true} : memref<81920xf32, #tpu.memory_space<vmem>>[vector<16xi32>], vector<16xf32>,
        %mul3A_221 = arith.constant 16 : i32
        %mul3A_222 = arith.muli %scan3A_149, %mul3A_221 : i32
        %add3A_223 = arith.constant 8 : i32
        %add3A_224 = arith.addi %mul3A_222, %add3A_223 : i32
        %add3A_225 = vector.broadcast %add3A_224 : i32 to vector<16xi32>
        %add3A_226 = arith.addi %select_n3A, %add3A_225 : vector<16xi32>
        %gather3A_227 = tpu.vector_load_idx %arg7[%add3A_226] : memref<400xi32, #tpu.memory_space<vmem>>[vector<16xi32>], vector<16xi32>,
        %mul3A_228 = arith.constant 8 : i32
        %mul3A_229 = vector.broadcast %mul3A_228 : i32 to vector<16xi32>
        %mul3A_230 = arith.muli %gather3A_227, %mul3A_229 : vector<16xi32>
        %add3A_231 = arith.addi %mul3A_230, %select_n3A_41 : vector<16xi32>
        %mul3A_232 = arith.constant 16 : i32
        %mul3A_233 = arith.muli %add3A_224, %mul3A_232 : i32
        %add3A_234 = vector.broadcast %mul3A_233 : i32 to vector<16xi32>
        %add3A_235 = arith.addi %add3A_49, %add3A_234 : vector<16xi32>
        %gather3A_236 = tpu.vector_load_idx %arg9[%add3A_235] : memref<6400xf32, #tpu.memory_space<vmem>>[vector<16xi32>], vector<16xf32>,
        tpu.vector_store_idx %arg11[%add3A_231], %gather3A_236 {add = true} : memref<81920xf32, #tpu.memory_space<vmem>>[vector<16xi32>], vector<16xf32>,
        %mul3A_237 = arith.constant 16 : i32
        %mul3A_238 = arith.muli %scan3A_149, %mul3A_237 : i32
        %add3A_239 = arith.constant 10 : i32
        %add3A_240 = arith.addi %mul3A_238, %add3A_239 : i32
        %add3A_241 = vector.broadcast %add3A_240 : i32 to vector<16xi32>
        %add3A_242 = arith.addi %select_n3A, %add3A_241 : vector<16xi32>
        %gather3A_243 = tpu.vector_load_idx %arg7[%add3A_242] : memref<400xi32, #tpu.memory_space<vmem>>[vector<16xi32>], vector<16xi32>,
        %mul3A_244 = arith.constant 8 : i32
        %mul3A_245 = vector.broadcast %mul3A_244 : i32 to vector<16xi32>
        %mul3A_246 = arith.muli %gather3A_243, %mul3A_245 : vector<16xi32>
        %add3A_247 = arith.addi %mul3A_246, %select_n3A_41 : vector<16xi32>
        %mul3A_248 = arith.constant 16 : i32
        %mul3A_249 = arith.muli %add3A_240, %mul3A_248 : i32
        %add3A_250 = vector.broadcast %mul3A_249 : i32 to vector<16xi32>
        %add3A_251 = arith.addi %add3A_49, %add3A_250 : vector<16xi32>
        %gather3A_252 = tpu.vector_load_idx %arg9[%add3A_251] : memref<6400xf32, #tpu.memory_space<vmem>>[vector<16xi32>], vector<16xf32>,
        tpu.vector_store_idx %arg11[%add3A_247], %gather3A_252 {add = true} : memref<81920xf32, #tpu.memory_space<vmem>>[vector<16xi32>], vector<16xf32>,
        %mul3A_253 = arith.constant 16 : i32
        %mul3A_254 = arith.muli %scan3A_149, %mul3A_253 : i32
        %add3A_255 = arith.constant 12 : i32
        %add3A_256 = arith.addi %mul3A_254, %add3A_255 : i32
        %add3A_257 = vector.broadcast %add3A_256 : i32 to vector<16xi32>
        %add3A_258 = arith.addi %select_n3A, %add3A_257 : vector<16xi32>
        %gather3A_259 = tpu.vector_load_idx %arg7[%add3A_258] : memref<400xi32, #tpu.memory_space<vmem>>[vector<16xi32>], vector<16xi32>,
        %mul3A_260 = arith.constant 8 : i32
        %mul3A_261 = vector.broadcast %mul3A_260 : i32 to vector<16xi32>
        %mul3A_262 = arith.muli %gather3A_259, %mul3A_261 : vector<16xi32>
        %add3A_263 = arith.addi %mul3A_262, %select_n3A_41 : vector<16xi32>
        %mul3A_264 = arith.constant 16 : i32
        %mul3A_265 = arith.muli %add3A_256, %mul3A_264 : i32
        %add3A_266 = vector.broadcast %mul3A_265 : i32 to vector<16xi32>
        %add3A_267 = arith.addi %add3A_49, %add3A_266 : vector<16xi32>
        %gather3A_268 = tpu.vector_load_idx %arg9[%add3A_267] : memref<6400xf32, #tpu.memory_space<vmem>>[vector<16xi32>], vector<16xf32>,
        tpu.vector_store_idx %arg11[%add3A_263], %gather3A_268 {add = true} : memref<81920xf32, #tpu.memory_space<vmem>>[vector<16xi32>], vector<16xf32>,
        %mul3A_269 = arith.constant 16 : i32
        %mul3A_270 = arith.muli %scan3A_149, %mul3A_269 : i32
        %add3A_271 = arith.constant 14 : i32
        %add3A_272 = arith.addi %mul3A_270, %add3A_271 : i32
        %add3A_273 = vector.broadcast %add3A_272 : i32 to vector<16xi32>
        %add3A_274 = arith.addi %select_n3A, %add3A_273 : vector<16xi32>
        %gather3A_275 = tpu.vector_load_idx %arg7[%add3A_274] : memref<400xi32, #tpu.memory_space<vmem>>[vector<16xi32>], vector<16xi32>,
        %mul3A_276 = arith.constant 8 : i32
        %mul3A_277 = vector.broadcast %mul3A_276 : i32 to vector<16xi32>
        %mul3A_278 = arith.muli %gather3A_275, %mul3A_277 : vector<16xi32>
        %add3A_279 = arith.addi %mul3A_278, %select_n3A_41 : vector<16xi32>
        %mul3A_280 = arith.constant 16 : i32
        %mul3A_281 = arith.muli %add3A_272, %mul3A_280 : i32
        %add3A_282 = vector.broadcast %mul3A_281 : i32 to vector<16xi32>
        %add3A_283 = arith.addi %add3A_49, %add3A_282 : vector<16xi32>
        %gather3A_284 = tpu.vector_load_idx %arg9[%add3A_283] : memref<6400xf32, #tpu.memory_space<vmem>>[vector<16xi32>], vector<16xf32>,
        tpu.vector_store_idx %arg11[%add3A_279], %gather3A_284 {add = true} : memref<81920xf32, #tpu.memory_space<vmem>>[vector<16xi32>], vector<16xf32>,
      }
      %scan3A_117 = arith.constant 25 : i32
      %add3A_118 = arith.constant 2 : i32
      %add3A_119 = arith.addi %mul3A_78, %add3A_118 : i32
      %lt3A_120 = arith.constant 50 : i32
      %lt3A_121 = arith.cmpi slt, %add3A_119, %lt3A_120 : i32
      %convert_element_type3A_122 = arith.extui %lt3A_121 : i1 to i32
      %cond3A_123 = arith.constant 0 : i32
      %cond3A_124 = arith.cmpi ne, %convert_element_type3A_122, %cond3A_123 : i32
      scf.if %cond3A_124 {
        %add3A_149 = arith.constant 2 : i32
        %add3A_150 = arith.addi %mul3A_78, %add3A_149 : i32
        %mul3A_151 = arith.constant 20000 : i32
        %mul3A_152 = arith.muli %arg1, %mul3A_151 : i32
        %mul3A_153 = arith.constant 400 : i32
        %mul3A_154 = arith.muli %add3A_150, %mul3A_153 : i32
        %add3A_155 = arith.addi %mul3A_152, %mul3A_154 : i32
        %dma_start3A_156 = tpu.memref_slice %arg2[%add3A_155] : memref<320000xi32, #tpu.memory_space<hbm>> -> memref<400xi32, #tpu.memory_space<hbm>>
        %dma_start3A_157 = tpu.memref_slice %arg2[%add3A_155] : memref<320000xi32, #tpu.memory_space<hbm>> -> memref<400xi32, #tpu.memory_space<hbm>>
        tpu.enqueue_dma source(%dma_start3A_157 : memref<400xi32, #tpu.memory_space<hbm>>) target(%arg7 : memref<400xi32, #tpu.memory_space<vmem>>) target_semaphore(%arg13 : memref<!tpu.dma_semaphore, #tpu.memory_space<semaphore_mem>>)
        %mul3A_158 = arith.constant 50 : i32
        %mul3A_159 = arith.muli %arg1, %mul3A_158 : i32
        %add3A_160 = arith.addi %mul3A_159, %add3A_150 : i32
        %dma_start3A_161 = arith.constant 0 : i32
        %dma_start3A_162 = tpu.memref_slice %arg3[%add3A_160, %dma_start3A_161] : memref<800x6400xf32, #tpu.memory_space<hbm>> -> memref<1x6400xf32, #tpu.memory_space<hbm>>
        %dma_start3A_163 = tpu.memref_squeeze %dma_start3A_162 : memref<1x6400xf32, #tpu.memory_space<hbm>> -> memref<6400xf32, #tpu.memory_space<hbm>>
        %dma_start3A_164 = arith.constant 0 : i32
        %dma_start3A_165 = tpu.memref_slice %arg3[%add3A_160, %dma_start3A_164] : memref<800x6400xf32, #tpu.memory_space<hbm>> -> memref<1x6400xf32, #tpu.memory_space<hbm>>
        %dma_start3A_166 = tpu.memref_squeeze %dma_start3A_165 : memref<1x6400xf32, #tpu.memory_space<hbm>> -> memref<6400xf32, #tpu.memory_space<hbm>>
        tpu.enqueue_dma source(%dma_start3A_166 : memref<6400xf32, #tpu.memory_space<hbm>>) target(%arg9 : memref<6400xf32, #tpu.memory_space<vmem>>) target_semaphore(%arg15 : memref<!tpu.dma_semaphore, #tpu.memory_space<semaphore_mem>>)
      } else {
      }
      %add3A_125 = arith.constant 1 : i32
      %add3A_126 = arith.addi %mul3A_78, %add3A_125 : i32
      %mul3A_127 = arith.constant 20000 : i32
      %mul3A_128 = arith.muli %arg1, %mul3A_127 : i32
      %mul3A_129 = arith.constant 400 : i32
      %mul3A_130 = arith.muli %add3A_126, %mul3A_129 : i32
      %add3A_131 = arith.addi %mul3A_128, %mul3A_130 : i32
      %dma_wait3A_132 = tpu.memref_slice %arg2[%add3A_131] : memref<320000xi32, #tpu.memory_space<hbm>> -> memref<400xi32, #tpu.memory_space<hbm>>
      %dma_wait3A_133 = tpu.memref_slice %arg2[%add3A_131] : memref<320000xi32, #tpu.memory_space<hbm>> -> memref<400xi32, #tpu.memory_space<hbm>>
      tpu.wait_dma2 semaphore(%arg14 : memref<!tpu.dma_semaphore, #tpu.memory_space<semaphore_mem>>) src(%dma_wait3A_133 : memref<400xi32, #tpu.memory_space<hbm>>) dst(%arg8 : memref<400xi32, #tpu.memory_space<vmem>>)
      %mul3A_134 = arith.constant 50 : i32
      %mul3A_135 = arith.muli %arg1, %mul3A_134 : i32
      %add3A_136 = arith.addi %mul3A_135, %add3A_126 : i32
      %dma_wait3A_137 = arith.constant 0 : i32
      %dma_wait3A_138 = tpu.memref_slice %arg3[%add3A_136, %dma_wait3A_137] : memref<800x6400xf32, #tpu.memory_space<hbm>> -> memref<1x6400xf32, #tpu.memory_space<hbm>>
      %dma_wait3A_139 = tpu.memref_squeeze %dma_wait3A_138 : memref<1x6400xf32, #tpu.memory_space<hbm>> -> memref<6400xf32, #tpu.memory_space<hbm>>
      %dma_wait3A_140 = arith.constant 0 : i32
      %dma_wait3A_141 = tpu.memref_slice %arg3[%add3A_136, %dma_wait3A_140] : memref<800x6400xf32, #tpu.memory_space<hbm>> -> memref<1x6400xf32, #tpu.memory_space<hbm>>
      %dma_wait3A_142 = tpu.memref_squeeze %dma_wait3A_141 : memref<1x6400xf32, #tpu.memory_space<hbm>> -> memref<6400xf32, #tpu.memory_space<hbm>>
      tpu.wait_dma2 semaphore(%arg16 : memref<!tpu.dma_semaphore, #tpu.memory_space<semaphore_mem>>) src(%dma_wait3A_142 : memref<6400xf32, #tpu.memory_space<hbm>>) dst(%arg10 : memref<6400xf32, #tpu.memory_space<vmem>>)
      %scan3A_143 = arith.constant 0 : i32
      %scan3A_144 = arith.constant 0 : i32
      %scan3A_145 = arith.constant 25 : i32
      %scan3A_146 = arith.addi %scan3A_144, %scan3A_145 : i32
      %scan3A_147 = arith.constant 1 : i32
      scf.for %scan3A_149 = %scan3A_144 to %scan3A_146 step %scan3A_147  : i32 {
        %mul3A_150 = arith.constant 16 : i32
        %mul3A_151 = arith.muli %scan3A_149, %mul3A_150 : i32
        %get3A = arith.index_cast %mul3A_151 : i32 to index
        %get3A_152 = tpu.vector_load %arg8[%get3A] {strides = array<i32>} : memref<400xi32, #tpu.memory_space<vmem>>, vector<16xi32>,
        %eq3A_153 = arith.constant 0 : i32
        %eq3A_154 = arith.cmpi eq, %arg0, %eq3A_153 : i32
        %convert_element_type3A_155 = arith.extui %eq3A_154 : i1 to i32
        %cond3A_156 = arith.constant 0 : i32
        %cond3A_157 = arith.cmpi ne, %convert_element_type3A_155, %cond3A_156 : i32
        scf.if %cond3A_157 {
          tpu.vector_store_idx %arg12[%get3A_152], %broadcast_in_dim3A_42 {add = true} : memref<10240xf32, #tpu.memory_space<vmem>>[vector<16xi32>], vector<16xf32>,
        } else {
        }
        %mul3A_158 = arith.constant 16 : i32
        %mul3A_159 = arith.muli %scan3A_149, %mul3A_158 : i32
        %add3A_160 = arith.constant 0 : i32
        %add3A_161 = arith.addi %mul3A_159, %add3A_160 : i32
        %add3A_162 = vector.broadcast %add3A_161 : i32 to vector<16xi32>
        %add3A_163 = arith.addi %select_n3A, %add3A_162 : vector<16xi32>
        %gather3A = tpu.vector_load_idx %arg8[%add3A_163] : memref<400xi32, #tpu.memory_space<vmem>>[vector<16xi32>], vector<16xi32>,
        %mul3A_164 = arith.constant 8 : i32
        %mul3A_165 = vector.broadcast %mul3A_164 : i32 to vector<16xi32>
        %mul3A_166 = arith.muli %gather3A, %mul3A_165 : vector<16xi32>
        %add3A_167 = arith.addi %mul3A_166, %select_n3A_41 : vector<16xi32>
        %mul3A_168 = arith.constant 16 : i32
        %mul3A_169 = arith.muli %add3A_161, %mul3A_168 : i32
        %add3A_170 = vector.broadcast %mul3A_169 : i32 to vector<16xi32>
        %add3A_171 = arith.addi %add3A_49, %add3A_170 : vector<16xi32>
        %gather3A_172 = tpu.vector_load_idx %arg10[%add3A_171] : memref<6400xf32, #tpu.memory_space<vmem>>[vector<16xi32>], vector<16xf32>,
        tpu.vector_store_idx %arg11[%add3A_167], %gather3A_172 {add = true} : memref<81920xf32, #tpu.memory_space<vmem>>[vector<16xi32>], vector<16xf32>,
        %mul3A_173 = arith.constant 16 : i32
        %mul3A_174 = arith.muli %scan3A_149, %mul3A_173 : i32
        %add3A_175 = arith.constant 2 : i32
        %add3A_176 = arith.addi %mul3A_174, %add3A_175 : i32
        %add3A_177 = vector.broadcast %add3A_176 : i32 to vector<16xi32>
        %add3A_178 = arith.addi %select_n3A, %add3A_177 : vector<16xi32>
        %gather3A_179 = tpu.vector_load_idx %arg8[%add3A_178] : memref<400xi32, #tpu.memory_space<vmem>>[vector<16xi32>], vector<16xi32>,
        %mul3A_180 = arith.constant 8 : i32
        %mul3A_181 = vector.broadcast %mul3A_180 : i32 to vector<16xi32>
        %mul3A_182 = arith.muli %gather3A_179, %mul3A_181 : vector<16xi32>
        %add3A_183 = arith.addi %mul3A_182, %select_n3A_41 : vector<16xi32>
        %mul3A_184 = arith.constant 16 : i32
        %mul3A_185 = arith.muli %add3A_176, %mul3A_184 : i32
        %add3A_186 = vector.broadcast %mul3A_185 : i32 to vector<16xi32>
        %add3A_187 = arith.addi %add3A_49, %add3A_186 : vector<16xi32>
        %gather3A_188 = tpu.vector_load_idx %arg10[%add3A_187] : memref<6400xf32, #tpu.memory_space<vmem>>[vector<16xi32>], vector<16xf32>,
        tpu.vector_store_idx %arg11[%add3A_183], %gather3A_188 {add = true} : memref<81920xf32, #tpu.memory_space<vmem>>[vector<16xi32>], vector<16xf32>,
        %mul3A_189 = arith.constant 16 : i32
        %mul3A_190 = arith.muli %scan3A_149, %mul3A_189 : i32
        %add3A_191 = arith.constant 4 : i32
        %add3A_192 = arith.addi %mul3A_190, %add3A_191 : i32
        %add3A_193 = vector.broadcast %add3A_192 : i32 to vector<16xi32>
        %add3A_194 = arith.addi %select_n3A, %add3A_193 : vector<16xi32>
        %gather3A_195 = tpu.vector_load_idx %arg8[%add3A_194] : memref<400xi32, #tpu.memory_space<vmem>>[vector<16xi32>], vector<16xi32>,
        %mul3A_196 = arith.constant 8 : i32
        %mul3A_197 = vector.broadcast %mul3A_196 : i32 to vector<16xi32>
        %mul3A_198 = arith.muli %gather3A_195, %mul3A_197 : vector<16xi32>
        %add3A_199 = arith.addi %mul3A_198, %select_n3A_41 : vector<16xi32>
        %mul3A_200 = arith.constant 16 : i32
        %mul3A_201 = arith.muli %add3A_192, %mul3A_200 : i32
        %add3A_202 = vector.broadcast %mul3A_201 : i32 to vector<16xi32>
        %add3A_203 = arith.addi %add3A_49, %add3A_202 : vector<16xi32>
        %gather3A_204 = tpu.vector_load_idx %arg10[%add3A_203] : memref<6400xf32, #tpu.memory_space<vmem>>[vector<16xi32>], vector<16xf32>,
        tpu.vector_store_idx %arg11[%add3A_199], %gather3A_204 {add = true} : memref<81920xf32, #tpu.memory_space<vmem>>[vector<16xi32>], vector<16xf32>,
        %mul3A_205 = arith.constant 16 : i32
        %mul3A_206 = arith.muli %scan3A_149, %mul3A_205 : i32
        %add3A_207 = arith.constant 6 : i32
        %add3A_208 = arith.addi %mul3A_206, %add3A_207 : i32
        %add3A_209 = vector.broadcast %add3A_208 : i32 to vector<16xi32>
        %add3A_210 = arith.addi %select_n3A, %add3A_209 : vector<16xi32>
        %gather3A_211 = tpu.vector_load_idx %arg8[%add3A_210] : memref<400xi32, #tpu.memory_space<vmem>>[vector<16xi32>], vector<16xi32>,
        %mul3A_212 = arith.constant 8 : i32
        %mul3A_213 = vector.broadcast %mul3A_212 : i32 to vector<16xi32>
        %mul3A_214 = arith.muli %gather3A_211, %mul3A_213 : vector<16xi32>
        %add3A_215 = arith.addi %mul3A_214, %select_n3A_41 : vector<16xi32>
        %mul3A_216 = arith.constant 16 : i32
        %mul3A_217 = arith.muli %add3A_208, %mul3A_216 : i32
        %add3A_218 = vector.broadcast %mul3A_217 : i32 to vector<16xi32>
        %add3A_219 = arith.addi %add3A_49, %add3A_218 : vector<16xi32>
        %gather3A_220 = tpu.vector_load_idx %arg10[%add3A_219] : memref<6400xf32, #tpu.memory_space<vmem>>[vector<16xi32>], vector<16xf32>,
        tpu.vector_store_idx %arg11[%add3A_215], %gather3A_220 {add = true} : memref<81920xf32, #tpu.memory_space<vmem>>[vector<16xi32>], vector<16xf32>,
        %mul3A_221 = arith.constant 16 : i32
        %mul3A_222 = arith.muli %scan3A_149, %mul3A_221 : i32
        %add3A_223 = arith.constant 8 : i32
        %add3A_224 = arith.addi %mul3A_222, %add3A_223 : i32
        %add3A_225 = vector.broadcast %add3A_224 : i32 to vector<16xi32>
        %add3A_226 = arith.addi %select_n3A, %add3A_225 : vector<16xi32>
        %gather3A_227 = tpu.vector_load_idx %arg8[%add3A_226] : memref<400xi32, #tpu.memory_space<vmem>>[vector<16xi32>], vector<16xi32>,
        %mul3A_228 = arith.constant 8 : i32
        %mul3A_229 = vector.broadcast %mul3A_228 : i32 to vector<16xi32>
        %mul3A_230 = arith.muli %gather3A_227, %mul3A_229 : vector<16xi32>
        %add3A_231 = arith.addi %mul3A_230, %select_n3A_41 : vector<16xi32>
        %mul3A_232 = arith.constant 16 : i32
        %mul3A_233 = arith.muli %add3A_224, %mul3A_232 : i32
        %add3A_234 = vector.broadcast %mul3A_233 : i32 to vector<16xi32>
        %add3A_235 = arith.addi %add3A_49, %add3A_234 : vector<16xi32>
        %gather3A_236 = tpu.vector_load_idx %arg10[%add3A_235] : memref<6400xf32, #tpu.memory_space<vmem>>[vector<16xi32>], vector<16xf32>,
        tpu.vector_store_idx %arg11[%add3A_231], %gather3A_236 {add = true} : memref<81920xf32, #tpu.memory_space<vmem>>[vector<16xi32>], vector<16xf32>,
        %mul3A_237 = arith.constant 16 : i32
        %mul3A_238 = arith.muli %scan3A_149, %mul3A_237 : i32
        %add3A_239 = arith.constant 10 : i32
        %add3A_240 = arith.addi %mul3A_238, %add3A_239 : i32
        %add3A_241 = vector.broadcast %add3A_240 : i32 to vector<16xi32>
        %add3A_242 = arith.addi %select_n3A, %add3A_241 : vector<16xi32>
        %gather3A_243 = tpu.vector_load_idx %arg8[%add3A_242] : memref<400xi32, #tpu.memory_space<vmem>>[vector<16xi32>], vector<16xi32>,
        %mul3A_244 = arith.constant 8 : i32
        %mul3A_245 = vector.broadcast %mul3A_244 : i32 to vector<16xi32>
        %mul3A_246 = arith.muli %gather3A_243, %mul3A_245 : vector<16xi32>
        %add3A_247 = arith.addi %mul3A_246, %select_n3A_41 : vector<16xi32>
        %mul3A_248 = arith.constant 16 : i32
        %mul3A_249 = arith.muli %add3A_240, %mul3A_248 : i32
        %add3A_250 = vector.broadcast %mul3A_249 : i32 to vector<16xi32>
        %add3A_251 = arith.addi %add3A_49, %add3A_250 : vector<16xi32>
        %gather3A_252 = tpu.vector_load_idx %arg10[%add3A_251] : memref<6400xf32, #tpu.memory_space<vmem>>[vector<16xi32>], vector<16xf32>,
        tpu.vector_store_idx %arg11[%add3A_247], %gather3A_252 {add = true} : memref<81920xf32, #tpu.memory_space<vmem>>[vector<16xi32>], vector<16xf32>,
        %mul3A_253 = arith.constant 16 : i32
        %mul3A_254 = arith.muli %scan3A_149, %mul3A_253 : i32
        %add3A_255 = arith.constant 12 : i32
        %add3A_256 = arith.addi %mul3A_254, %add3A_255 : i32
        %add3A_257 = vector.broadcast %add3A_256 : i32 to vector<16xi32>
        %add3A_258 = arith.addi %select_n3A, %add3A_257 : vector<16xi32>
        %gather3A_259 = tpu.vector_load_idx %arg8[%add3A_258] : memref<400xi32, #tpu.memory_space<vmem>>[vector<16xi32>], vector<16xi32>,
        %mul3A_260 = arith.constant 8 : i32
        %mul3A_261 = vector.broadcast %mul3A_260 : i32 to vector<16xi32>
        %mul3A_262 = arith.muli %gather3A_259, %mul3A_261 : vector<16xi32>
        %add3A_263 = arith.addi %mul3A_262, %select_n3A_41 : vector<16xi32>
        %mul3A_264 = arith.constant 16 : i32
        %mul3A_265 = arith.muli %add3A_256, %mul3A_264 : i32
        %add3A_266 = vector.broadcast %mul3A_265 : i32 to vector<16xi32>
        %add3A_267 = arith.addi %add3A_49, %add3A_266 : vector<16xi32>
        %gather3A_268 = tpu.vector_load_idx %arg10[%add3A_267] : memref<6400xf32, #tpu.memory_space<vmem>>[vector<16xi32>], vector<16xf32>,
        tpu.vector_store_idx %arg11[%add3A_263], %gather3A_268 {add = true} : memref<81920xf32, #tpu.memory_space<vmem>>[vector<16xi32>], vector<16xf32>,
        %mul3A_269 = arith.constant 16 : i32
        %mul3A_270 = arith.muli %scan3A_149, %mul3A_269 : i32
        %add3A_271 = arith.constant 14 : i32
        %add3A_272 = arith.addi %mul3A_270, %add3A_271 : i32
        %add3A_273 = vector.broadcast %add3A_272 : i32 to vector<16xi32>
        %add3A_274 = arith.addi %select_n3A, %add3A_273 : vector<16xi32>
        %gather3A_275 = tpu.vector_load_idx %arg8[%add3A_274] : memref<400xi32, #tpu.memory_space<vmem>>[vector<16xi32>], vector<16xi32>,
        %mul3A_276 = arith.constant 8 : i32
        %mul3A_277 = vector.broadcast %mul3A_276 : i32 to vector<16xi32>
        %mul3A_278 = arith.muli %gather3A_275, %mul3A_277 : vector<16xi32>
        %add3A_279 = arith.addi %mul3A_278, %select_n3A_41 : vector<16xi32>
        %mul3A_280 = arith.constant 16 : i32
        %mul3A_281 = arith.muli %add3A_272, %mul3A_280 : i32
        %add3A_282 = vector.broadcast %mul3A_281 : i32 to vector<16xi32>
        %add3A_283 = arith.addi %add3A_49, %add3A_282 : vector<16xi32>
        %gather3A_284 = tpu.vector_load_idx %arg10[%add3A_283] : memref<6400xf32, #tpu.memory_space<vmem>>[vector<16xi32>], vector<16xf32>,
        tpu.vector_store_idx %arg11[%add3A_279], %gather3A_284 {add = true} : memref<81920xf32, #tpu.memory_space<vmem>>[vector<16xi32>], vector<16xf32>,
      }
      %scan3A_148 = arith.constant 25 : i32
    }
    %scan3A_69 = arith.constant 25 : i32
    %mul3A_70 = arith.constant 16 : i32
    %mul3A_71 = arith.muli %arg0, %mul3A_70 : i32
    %add3A_72 = arith.addi %mul3A_71, %arg1 : i32
    "tpu.region"() ({
      %run_scoped3A = tpu.sem_alloc : memref<!tpu.dma_semaphore, #tpu.memory_space<semaphore_mem>>
      %dma_start3A_76 = arith.constant 0 : i32
      %dma_start3A_77 = tpu.memref_slice %arg5[%add3A_72, %dma_start3A_76] : memref<32x81920xf32, #tpu.memory_space<hbm>> -> memref<1x81920xf32, #tpu.memory_space<hbm>>
      %dma_start3A_78 = tpu.memref_squeeze %dma_start3A_77 : memref<1x81920xf32, #tpu.memory_space<hbm>> -> memref<81920xf32, #tpu.memory_space<hbm>>
      %dma_start3A_79 = arith.constant 0 : i32
      %dma_start3A_80 = tpu.memref_slice %arg5[%add3A_72, %dma_start3A_79] : memref<32x81920xf32, #tpu.memory_space<hbm>> -> memref<1x81920xf32, #tpu.memory_space<hbm>>
      %dma_start3A_81 = tpu.memref_squeeze %dma_start3A_80 : memref<1x81920xf32, #tpu.memory_space<hbm>> -> memref<81920xf32, #tpu.memory_space<hbm>>
      tpu.enqueue_dma source(%arg11 : memref<81920xf32, #tpu.memory_space<vmem>>) target(%dma_start3A_81 : memref<81920xf32, #tpu.memory_space<hbm>>) target_semaphore(%run_scoped3A : memref<!tpu.dma_semaphore, #tpu.memory_space<semaphore_mem>>)
      %dma_wait3A = arith.constant 0 : i32
      %dma_wait3A_82 = tpu.memref_slice %arg5[%add3A_72, %dma_wait3A] : memref<32x81920xf32, #tpu.memory_space<hbm>> -> memref<1x81920xf32, #tpu.memory_space<hbm>>
      %dma_wait3A_83 = tpu.memref_squeeze %dma_wait3A_82 : memref<1x81920xf32, #tpu.memory_space<hbm>> -> memref<81920xf32, #tpu.memory_space<hbm>>
      %dma_wait3A_84 = arith.constant 0 : i32
      %dma_wait3A_85 = tpu.memref_slice %arg5[%add3A_72, %dma_wait3A_84] : memref<32x81920xf32, #tpu.memory_space<hbm>> -> memref<1x81920xf32, #tpu.memory_space<hbm>>
      %dma_wait3A_86 = tpu.memref_squeeze %dma_wait3A_85 : memref<1x81920xf32, #tpu.memory_space<hbm>> -> memref<81920xf32, #tpu.memory_space<hbm>>
      tpu.wait_dma2 semaphore(%run_scoped3A : memref<!tpu.dma_semaphore, #tpu.memory_space<semaphore_mem>>) src(%arg11 : memref<81920xf32, #tpu.memory_space<vmem>>) dst(%dma_wait3A_86 : memref<81920xf32, #tpu.memory_space<hbm>>)
      tpu.yield
    }) : () -> ()
    %eq3A_73 = arith.constant 0 : i32
    %eq3A_74 = arith.cmpi eq, %arg0, %eq3A_73 : i32
    %convert_element_type3A = arith.extui %eq3A_74 : i1 to i32
    %cond3A = arith.constant 0 : i32
    %cond3A_75 = arith.cmpi ne, %convert_element_type3A, %cond3A : i32
    scf.if %cond3A_75 {
      "tpu.region"() ({
        %run_scoped3A = tpu.sem_alloc : memref<!tpu.dma_semaphore, #tpu.memory_space<semaphore_mem>>
        %dma_start3A_76 = arith.constant 0 : i32
        %dma_start3A_77 = tpu.memref_slice %arg6[%arg1, %dma_start3A_76] : memref<16x10240xf32, #tpu.memory_space<hbm>> -> memref<1x10240xf32, #tpu.memory_space<hbm>>
        %dma_start3A_78 = tpu.memref_squeeze %dma_start3A_77 : memref<1x10240xf32, #tpu.memory_space<hbm>> -> memref<10240xf32, #tpu.memory_space<hbm>>
        %dma_start3A_79 = arith.constant 0 : i32
        %dma_start3A_80 = tpu.memref_slice %arg6[%arg1, %dma_start3A_79] : memref<16x10240xf32, #tpu.memory_space<hbm>> -> memref<1x10240xf32, #tpu.memory_space<hbm>>
        %dma_start3A_81 = tpu.memref_squeeze %dma_start3A_80 : memref<1x10240xf32, #tpu.memory_space<hbm>> -> memref<10240xf32, #tpu.memory_space<hbm>>
        tpu.enqueue_dma source(%arg12 : memref<10240xf32, #tpu.memory_space<vmem>>) target(%dma_start3A_81 : memref<10240xf32, #tpu.memory_space<hbm>>) target_semaphore(%run_scoped3A : memref<!tpu.dma_semaphore, #tpu.memory_space<semaphore_mem>>)
        %dma_wait3A = arith.constant 0 : i32
        %dma_wait3A_82 = tpu.memref_slice %arg6[%arg1, %dma_wait3A] : memref<16x10240xf32, #tpu.memory_space<hbm>> -> memref<1x10240xf32, #tpu.memory_space<hbm>>
        %dma_wait3A_83 = tpu.memref_squeeze %dma_wait3A_82 : memref<1x10240xf32, #tpu.memory_space<hbm>> -> memref<10240xf32, #tpu.memory_space<hbm>>
        %dma_wait3A_84 = arith.constant 0 : i32
        %dma_wait3A_85 = tpu.memref_slice %arg6[%arg1, %dma_wait3A_84] : memref<16x10240xf32, #tpu.memory_space<hbm>> -> memref<1x10240xf32, #tpu.memory_space<hbm>>
        %dma_wait3A_86 = tpu.memref_squeeze %dma_wait3A_85 : memref<1x10240xf32, #tpu.memory_space<hbm>> -> memref<10240xf32, #tpu.memory_space<hbm>>
        tpu.wait_dma2 semaphore(%run_scoped3A : memref<!tpu.dma_semaphore, #tpu.memory_space<semaphore_mem>>) src(%arg12 : memref<10240xf32, #tpu.memory_space<vmem>>) dst(%dma_wait3A_86 : memref<10240xf32, #tpu.memory_space<hbm>>)
        tpu.yield
      }) : () -> ()
    } else {
    }
    return
  }
}

module attributes {stable_mosaic.version = 14 : i64} {
  func.func @_proj_body(%arg0: i32, %arg1: memref<32x16384xf32, #tpu.memory_space<vmem>>, %arg2: memref<16x2048xf32, #tpu.memory_space<vmem>>, %arg3: memref<128x16xf32, #tpu.memory_space<vmem>>, %arg4: memref<1x128xf32, #tpu.memory_space<vmem>>, %arg5: memref<128x128xf32, #tpu.memory_space<vmem>>, %arg6: memref<128x128xf32, #tpu.memory_space<vmem>>, %arg7: memref<1x128xf32, #tpu.memory_space<vmem>>, %arg8: memref<2048x128xf32, #tpu.memory_space<vmem>>, %arg9: memref<2048x128xf32, #tpu.memory_space<vmem>>, %arg10: memref<2048x128xf32, #tpu.memory_space<vmem>>) attributes {dimension_semantics = [#tpu.dimension_semantics<arbitrary>], iteration_bounds = array<i64: 5>, scalar_prefetch = 0 : i64, scratch_operands = 0 : i64, tpu.core_type = #tpu.core_type<tc>, window_params = [{transform_indices = @transform_0, window_bounds = array<i64: 32, 16384>}, {transform_indices = @transform_1, window_bounds = array<i64: 16, 2048>}, {pipeline_mode = #tpu.pipeline_mode<synchronous>, transform_indices = @transform_2, window_bounds = array<i64: 128, 16>}, {pipeline_mode = #tpu.pipeline_mode<synchronous>, transform_indices = @transform_3, window_bounds = array<i64: 1, 128>}, {pipeline_mode = #tpu.pipeline_mode<synchronous>, transform_indices = @transform_4, window_bounds = array<i64: 128, 128>}, {pipeline_mode = #tpu.pipeline_mode<synchronous>, transform_indices = @transform_5, window_bounds = array<i64: 128, 128>}, {pipeline_mode = #tpu.pipeline_mode<synchronous>, transform_indices = @transform_6, window_bounds = array<i64: 1, 128>}, {transform_indices = @transform_7, window_bounds = array<i64: 2048, 128>}, {transform_indices = @transform_8, window_bounds = array<i64: 2048, 128>}, {transform_indices = @transform_9, window_bounds = array<i64: 2048, 128>}]} {
    %get3A = arith.constant 0 : index
    %get3A_0 = arith.constant 0 : index
    %get3A_1 = vector.load %arg1[%get3A, %get3A_0] : memref<32x16384xf32, #tpu.memory_space<vmem>>, vector<32x16384xf32>
    %slice3A = vector.extract_strided_slice %get3A_1 {offsets = [0, 0], sizes = [16, 16384], strides = [1, 1]} : vector<32x16384xf32> to vector<16x16384xf32>
    %reshape3A = vector.shape_cast %slice3A : vector<16x16384xf32> to vector<16x2048x8xf32>
    %reduce_sum3A = arith.constant dense<0.000000e+00> : vector<2048x8xf32>
    %reduce_sum3A_2 = vector.multi_reduction <add>, %reshape3A, %reduce_sum3A [0] : vector<16x2048x8xf32> to vector<2048x8xf32>
    %slice3A_3 = vector.extract_strided_slice %get3A_1 {offsets = [16, 0], sizes = [16, 16384], strides = [1, 1]} : vector<32x16384xf32> to vector<16x16384xf32>
    %reshape3A_4 = vector.shape_cast %slice3A_3 : vector<16x16384xf32> to vector<16x2048x8xf32>
    %reduce_sum3A_5 = arith.constant dense<0.000000e+00> : vector<2048x8xf32>
    %reduce_sum3A_6 = vector.multi_reduction <add>, %reshape3A_4, %reduce_sum3A_5 [0] : vector<16x2048x8xf32> to vector<2048x8xf32>
    %concatenate3A = tpu.concatenate %reduce_sum3A_2, %reduce_sum3A_6 in 1 : vector<2048x8xf32>, vector<2048x8xf32> -> vector<2048x16xf32>
    %get3A_7 = arith.constant 0 : index
    %get3A_8 = arith.constant 0 : index
    %get3A_9 = vector.load %arg2[%get3A_7, %get3A_8] : memref<16x2048xf32, #tpu.memory_space<vmem>>, vector<16x2048xf32>
    %reduce_sum3A_10 = arith.constant dense<0.000000e+00> : vector<2048xf32>
    %reduce_sum3A_11 = vector.multi_reduction <add>, %get3A_9, %reduce_sum3A_10 [0] : vector<16x2048xf32> to vector<2048xf32>
    %max3A = arith.constant 1.000000e+00 : f32
    %max3A_12 = vector.broadcast %max3A : f32 to vector<2048xf32>
    %max3A_13 = arith.maximumf %reduce_sum3A_11, %max3A_12 : vector<2048xf32>
    %broadcast_in_dim3A = vector.shape_cast %max3A_13 : vector<2048xf32> to vector<2048x1xf32>
    %div3A = vector.broadcast %broadcast_in_dim3A : vector<2048x1xf32> to vector<2048x16xf32>
    %div3A_14 = arith.divf %concatenate3A, %div3A : vector<2048x16xf32>
    %get3A_15 = arith.constant 0 : index
    %get3A_16 = arith.constant 0 : index
    %get3A_17 = vector.load %arg3[%get3A_15, %get3A_16] : memref<128x16xf32, #tpu.memory_space<vmem>>, vector<128x16xf32>
    %dot_general3A = arith.constant dense<0.000000e+00> : vector<2048x128xf32>
    %dot_general3A_18 = tpu.matmul %div3A_14, %get3A_17, %dot_general3A {dimension_numbers = #tpu.dot_dimension_numbers<[1], [1], [0], [0], [0, 0, 1, 0], [], []>, transpose_lhs_hint = false} : vector<2048x16xf32>, vector<128x16xf32>, vector<2048x128xf32> -> vector<2048x128xf32>
    %get3A_19 = arith.constant 0 : index
    %get3A_20 = arith.constant 0 : index
    %get3A_21 = vector.load %arg4[%get3A_19, %get3A_20] : memref<1x128xf32, #tpu.memory_space<vmem>>, vector<1x128xf32>
    %add3A = vector.broadcast %get3A_21 : vector<1x128xf32> to vector<2048x128xf32>
    %add3A_22 = arith.addf %dot_general3A_18, %add3A : vector<2048x128xf32>
    %max3A_23 = arith.constant 0.000000e+00 : f32
    %max3A_24 = vector.broadcast %max3A_23 : f32 to vector<2048x128xf32>
    %max3A_25 = arith.maximumf %add3A_22, %max3A_24 : vector<2048x128xf32>
    %swap3A = arith.constant 0 : index
    %swap3A_26 = arith.constant 0 : index
    %swap3A_27 = vector.load %arg8[%swap3A, %swap3A_26] : memref<2048x128xf32, #tpu.memory_space<vmem>>, vector<2048x128xf32>
    tpu.vector_store %arg8[%swap3A, %swap3A_26], %max3A_25 {strides = array<i32>} : memref<2048x128xf32, #tpu.memory_space<vmem>>, vector<2048x128xf32>,
    %get3A_28 = arith.constant 0 : index
    %get3A_29 = arith.constant 0 : index
    %get3A_30 = vector.load %arg5[%get3A_28, %get3A_29] : memref<128x128xf32, #tpu.memory_space<vmem>>, vector<128x128xf32>
    %dot_general3A_31 = arith.constant dense<0.000000e+00> : vector<2048x128xf32>
    %dot_general3A_32 = tpu.matmul %max3A_25, %get3A_30, %dot_general3A_31 {dimension_numbers = #tpu.dot_dimension_numbers<[1], [1], [0], [0], [0, 0, 1, 0], [], []>, transpose_lhs_hint = false} : vector<2048x128xf32>, vector<128x128xf32>, vector<2048x128xf32> -> vector<2048x128xf32>
    %get3A_33 = arith.constant 0 : index
    %get3A_34 = arith.constant 0 : index
    %get3A_35 = vector.load %arg7[%get3A_33, %get3A_34] : memref<1x128xf32, #tpu.memory_space<vmem>>, vector<1x128xf32>
    %add3A_36 = vector.broadcast %get3A_35 : vector<1x128xf32> to vector<2048x128xf32>
    %add3A_37 = arith.addf %dot_general3A_32, %add3A_36 : vector<2048x128xf32>
    %swap3A_38 = arith.constant 0 : index
    %swap3A_39 = arith.constant 0 : index
    %swap3A_40 = vector.load %arg9[%swap3A_38, %swap3A_39] : memref<2048x128xf32, #tpu.memory_space<vmem>>, vector<2048x128xf32>
    tpu.vector_store %arg9[%swap3A_38, %swap3A_39], %add3A_37 {strides = array<i32>} : memref<2048x128xf32, #tpu.memory_space<vmem>>, vector<2048x128xf32>,
    %get3A_41 = arith.constant 0 : index
    %get3A_42 = arith.constant 0 : index
    %get3A_43 = vector.load %arg6[%get3A_41, %get3A_42] : memref<128x128xf32, #tpu.memory_space<vmem>>, vector<128x128xf32>
    %dot_general3A_44 = arith.constant dense<0.000000e+00> : vector<2048x128xf32>
    %dot_general3A_45 = tpu.matmul %max3A_25, %get3A_43, %dot_general3A_44 {dimension_numbers = #tpu.dot_dimension_numbers<[1], [1], [0], [0], [0, 0, 1, 0], [], []>, transpose_lhs_hint = false} : vector<2048x128xf32>, vector<128x128xf32>, vector<2048x128xf32> -> vector<2048x128xf32>
    %swap3A_46 = arith.constant 0 : index
    %swap3A_47 = arith.constant 0 : index
    %swap3A_48 = vector.load %arg10[%swap3A_46, %swap3A_47] : memref<2048x128xf32, #tpu.memory_space<vmem>>, vector<2048x128xf32>
    tpu.vector_store %arg10[%swap3A_46, %swap3A_47], %dot_general3A_45 {strides = array<i32>} : memref<2048x128xf32, #tpu.memory_space<vmem>>, vector<2048x128xf32>,
    return
  }
  func.func @transform_0(%arg0: i32) -> (i32, i32) {
    %c0_i32 = arith.constant 0 : i32
    %c0_i32_0 = arith.constant 0 : i32
    return %c0_i32, %arg0 : i32, i32
  }
  func.func @transform_1(%arg0: i32) -> (i32, i32) {
    %c0_i32 = arith.constant 0 : i32
    %c0_i32_0 = arith.constant 0 : i32
    return %c0_i32, %arg0 : i32, i32
  }
  func.func @transform_2(%arg0: i32) -> (i32, i32) {
    %c0_i32 = arith.constant 0 : i32
    %c0_i32_0 = arith.constant 0 : i32
    %c0_i32_1 = arith.constant 0 : i32
    return %c0_i32, %c0_i32_0 : i32, i32
  }
  func.func @transform_3(%arg0: i32) -> (i32, i32) {
    %c0_i32 = arith.constant 0 : i32
    %c0_i32_0 = arith.constant 0 : i32
    %c0_i32_1 = arith.constant 0 : i32
    return %c0_i32, %c0_i32_0 : i32, i32
  }
  func.func @transform_4(%arg0: i32) -> (i32, i32) {
    %c0_i32 = arith.constant 0 : i32
    %c0_i32_0 = arith.constant 0 : i32
    %c0_i32_1 = arith.constant 0 : i32
    return %c0_i32, %c0_i32_0 : i32, i32
  }
  func.func @transform_5(%arg0: i32) -> (i32, i32) {
    %c0_i32 = arith.constant 0 : i32
    %c0_i32_0 = arith.constant 0 : i32
    %c0_i32_1 = arith.constant 0 : i32
    return %c0_i32, %c0_i32_0 : i32, i32
  }
  func.func @transform_6(%arg0: i32) -> (i32, i32) {
    %c0_i32 = arith.constant 0 : i32
    %c0_i32_0 = arith.constant 0 : i32
    %c0_i32_1 = arith.constant 0 : i32
    return %c0_i32, %c0_i32_0 : i32, i32
  }
  func.func @transform_7(%arg0: i32) -> (i32, i32) {
    %c0_i32 = arith.constant 0 : i32
    %c0_i32_0 = arith.constant 0 : i32
    return %arg0, %c0_i32 : i32, i32
  }
  func.func @transform_8(%arg0: i32) -> (i32, i32) {
    %c0_i32 = arith.constant 0 : i32
    %c0_i32_0 = arith.constant 0 : i32
    return %arg0, %c0_i32 : i32, i32
  }
  func.func @transform_9(%arg0: i32) -> (i32, i32) {
    %c0_i32 = arith.constant 0 : i32
    %c0_i32_0 = arith.constant 0 : i32
    return %arg0, %c0_i32 : i32, i32
  }
}

</mosaic_0001>

<sc_bundles>
// kernel: kernel.5.cloned.1.call-start
scs
__scs_entry_jumppad:
0x0: {  	(pc) =	sbr.rel $0x88, $3  }
0x1: {  	(tag) =	ssettag $0x0;
	lr =	simm.s32 $0x1  }
0x2: {  	[smem:$0x3F99] =	sst lr;
	_ =	strace $0xD0000000  }
0x3: {  	_ = 	snop  }
0x4: {  	_ = 	snop  }
0x5: {  	_ = 	snop  }
0x6: {  	_ = 	snop  }
0x7: {  	_ = 	snop  }
__scs_overlays_trampoline_lowered:
0x8: {  	[smem:$0x3FA8] =	sst s0  }
0x9: {  	[smem:$0x3FA9] =	sst s1  }
0xa: {  	[smem:$0x3FAA] =	sst s2  }
0xb: {  	[smem:$0x3FAB] =	sst s3  }
0xc: {  	[smem:$0x3FAC] =	sst s4  }
0xd: {  	[smem:$0x3FAD] =	sst s5  }
0xe: {  	[smem:$0x3FAE] =	sst s6  }
0xf: {  	[smem:$0x3FAF] =	sst s7  }
0x10: {  	[smem:$0x3FB0] =	sst s8  }
0x11: {  	[smem:$0x3FB1] =	sst s9;
	s0 =	simm.s32 @!p0 $0x0  }
0x12: {  	s1 =	sld [smem:$0x3F97];
	s0 =	simm.s32 @p0 $0x1  }
0x13: {  	[smem:$0x3FB2] =	sst s0;
	s0 =	simm.s32 @!p1 $0x0  }
0x14: {  	s2 =	sld [smem:$0x3F96];
	s0 =	simm.s32 @p1 $0x1  }
0x15: {  	[smem:$0x3FB3] =	sst s0;
	s0 =	simm.s32 @!p2 $0x0  }
0x16: {  	s3 =	sld [smem:$0x3FDB];
	s0 =	simm.s32 @p2 $0x1  }
0x17: {  	s4 =	simm.s32 $0x1BF5;
	[smem:$0x3FB5] =	sst s0  }
0x18: {  	s0 =	sld [smem:$0x3F98];
	_ =	swait.ge [sflag:s4], $0x0  }
0x19: {  	s7 =	sld [smem:$0x3F99]  }
0x1a: {  	s8 =	sadd.s32 $0xFFFFE003, lr  }
0x1b: {  	s9 =	sadd.s32 $0xFFFFFEF7, lr;
	s5 =	simm.s32 $0xFFFFFFFF;
	p2 =	slt.u32 s8, $0xFFFFF086  }
0x1c: {  	p1 =	slt.u32 s9, $0xF7A;
	s5 =	simm.s32 @!p2 $0x0  }
0x1d: {  	s5 =	simm.s32 @p1 $0x1;
	p0 =	seq.s32 s7, s2  }
0x1e: {  	s7 =	smul.u32 @!p0 $0xF7A, s2;
	p2 =	seq.s32 @!p0 s5, $0x0  }
0x1f: {  	s9 =	smul.u32 $0xF7A, s1;
	s8 =	simm.s32 @!p0 $0x1BF5;
	p2 =	por !p2, p0  }
0x20: {  	[sflag:s8] =	ssyncset.s32 @!p0 $0xFFFFF086;
	s6 =	sadd.s32 @!p0 s3, s7;
	s7 =	simm.s32 @!p0 $0x108  }
0x21: {  	s3 =	sadd.s32 s3, s9;
	s6 =	sadd.s32 @!p0 $0x88, s6;
	s7 =	simm.s32 @p2 $0x1082  }
0x22: {  	[simem:s7], [sflag:s8] =	dma.local @!p0 [hbm:s6], $0xF7A  }
0x23: {  	s9 =	sor.u32 $0xD0000000, s2;
	s6 =	simm.s32 $0x108;
	_ =	swait.ge @!p0 [sflag:s8], $0x0  }
0x24: {  	s3 =	sadd.s32 $0x88, s3;
	s6 =	simm.s32 @!p1 $0x1082;
	[sflag:s4] =	ssyncset.s32 $0xFFFFF086  }
0x25: {  	[simem:s6], [sflag:s4] =	dma.local [hbm:s3], $0xF7A  }
0x26: {  	[smem:$0x3F99] =	sst s1;
	(tag) =	ssettag s2;
	_ =	strace s9  }
0x27: {  	s1 =	sld [smem:$0x3FA9]  }
0x28: {  	s2 =	sld [smem:$0x3FAA]  }
0x29: {  	s4 =	sld [smem:$0x3FAC]  }
0x2a: {  	p0 =	seq.s32 s5, $0x0;
	s5 =	sld [smem:$0x3FAD]  }
0x2b: {  	s6 =	sld [smem:$0x3FAE]  }
0x2c: {  	s7 =	sld [smem:$0x3FAF]  }
0x2d: {  	s3 =	simm.s32 $0x108;
	s8 =	sld [smem:$0x3FB0]  }
0x2e: {  	s3 =	simm.s32 @!p0 $0x1082;
	s9 =	sld [smem:$0x3FB1]  }
0x2f: {  	lr =	sadd.s32 s0, s3;
	s0 =	sld [smem:$0x3FA8]  }
0x30: {  	s3 =	sld [smem:$0x3FAB]  }
0x31: {  	[smem:$0x3FB4] =	sst s10  }
0x32: {  	s10 =	sld [smem:$0x3FB2];
	_ =	sdelay $0x3  }
0x33: {  	p0 =	seq.s32 s10, $0x1;
	s10 =	sld [smem:$0x3FB4];
	_ =	sdelay $0x3  }
0x34: {  	[smem:$0x3FB4] =	sst s10  }
0x35: {  	s10 =	sld [smem:$0x3FB3];
	_ =	sdelay $0x3  }
0x36: {  	p1 =	seq.s32 s10, $0x1;
	s10 =	sld [smem:$0x3FB4];
	_ =	sdelay $0x3  }
0x37: {  	[smem:$0x3FB4] =	sst s10  }
0x38: {  	s10 =	sld [smem:$0x3FB5]  }
0x39: {  	_ = 	snop;
	(pc) =	sbr.ind lr, $3  }
0x3a: {  	_ = 	snop  }
0x3b: {  	_ = 	snop  }
0x3c: {  	p2 =	seq.s32 s10, $0x1;
	s10 =	sld [smem:$0x3FB4]  }
0x3d: {  	_ =	shalt  }
0x3e: {  	_ =	shalt  }
0x3f: {  	_ =	shalt  }
0x40: {  	_ =	shalt  }
0x41: {  	_ =	shalt  }
0x42: {  	_ =	shalt  }
0x43: {  	_ =	shalt  }
0x44: {  	_ =	shalt  }
0x45: {  	_ =	shalt  }
0x46: {  	_ =	shalt  }
0x47: {  	_ =	shalt  }
0x48: {  	_ =	shalt  }
0x49: {  	_ =	shalt  }
0x4a: {  	_ =	shalt  }
0x4b: {  	_ =	shalt  }
0x4c: {  	_ =	shalt  }
0x4d: {  	_ =	shalt  }
0x4e: {  	_ =	shalt  }
0x4f: {  	_ =	shalt  }
0x50: {  	_ =	shalt  }
0x51: {  	_ =	shalt  }
0x52: {  	_ =	shalt  }
0x53: {  	_ =	shalt  }
0x54: {  	_ =	shalt  }
0x55: {  	_ =	shalt  }
0x56: {  	_ =	shalt  }
0x57: {  	_ =	shalt  }
0x58: {  	_ =	shalt  }
0x59: {  	_ =	shalt  }
0x5a: {  	_ =	shalt  }
0x5b: {  	_ =	shalt  }
0x5c: {  	_ =	shalt  }
0x5d: {  	_ =	shalt  }
0x5e: {  	_ =	shalt  }
0x5f: {  	_ =	shalt  }
0x60: {  	_ =	shalt  }
0x61: {  	_ =	shalt  }
0x62: {  	_ =	shalt  }
0x63: {  	_ =	shalt  }
0x64: {  	_ =	shalt  }
0x65: {  	_ =	shalt  }
0x66: {  	_ =	shalt  }
0x67: {  	_ =	shalt  }
0x68: {  	_ =	shalt  }
0x69: {  	_ =	shalt  }
0x6a: {  	_ =	shalt  }
0x6b: {  	_ =	shalt  }
0x6c: {  	_ =	shalt  }
0x6d: {  	_ =	shalt  }
0x6e: {  	_ =	shalt  }
0x6f: {  	_ =	shalt  }
0x70: {  	_ =	shalt  }
0x71: {  	_ =	shalt  }
0x72: {  	_ =	shalt  }
0x73: {  	_ =	shalt  }
0x74: {  	_ =	shalt  }
0x75: {  	_ =	shalt  }
0x76: {  	_ =	shalt  }
0x77: {  	_ =	shalt  }
0x78: {  	_ =	shalt  }
0x79: {  	_ =	shalt  }
0x7a: {  	_ =	shalt  }
0x7b: {  	_ =	shalt  }
0x7c: {  	_ =	shalt  }
0x7d: {  	_ =	shalt  }
0x7e: {  	_ =	shalt  }
0x7f: {  	_ =	shalt  }
0x80: {  	_ =	shalt  }
0x81: {  	_ =	shalt  }
0x82: {  	_ =	shalt  }
0x83: {  	_ =	shalt  }
0x84: {  	_ =	shalt  }
0x85: {  	_ =	shalt  }
0x86: {  	_ =	shalt  }
0x87: {  	_ =	shalt  }
.Lfunc_end0:
.L_simem_size_0:
called_computation_lowered:
.L_overlay_start_0:
0x88: {  	s2 =	sld [smem:$0x3FD9]  }
0x89: {  	s3 =	sld [smem:$0x3FFE];
	_ =	sdelay $0x1  }
0x8a: {  	s1 =	srdreg.scid  }
0x8b: {  	s0 =	sand.u32 $0x1, s1  }
0x8c: {  	s14 =	sshll.u32 s0, $0xA;
	s2 =	sadd.s32 s3, s2  }
0x8d: {  	s2 =	sadd.s32 s2, s14  }
0x8e: {  	[smem:$0x3FC0] =	sst s2  }
0x8f: {  	_ = 	snop  }
0x90: {  	s2 =	sld [smem:$0x3FD0];
	_ =	sdelay $0x2  }
0x91: {  	s15 =	simm.s32 $0xA;
	s4 =	simm.s32 $0x10  }
0x92: {  	[smem:s4], [sflag:s15] =	dma.local [hbm:s2], $0x1  }
0x93: {  	_ =	swait.eq [sflag:s15], $0x1  }
0x94: {  	[sflag:s15] =	ssyncset.done $0x0  }
0x95: {  	s16 =	sld [smem:$0x10];
	[sflag:s15] =	ssyncadd.s32 $0xFFFFFFFF  }
0x96: {  	s17 =	sld [smem:$0x11];
	(tm) =	ssettm $0x1  }
0x97: {  	s18 =	sld [smem:$0x3FFB];
	_ =	sdelay $0x3  }
0x98: {  	_ =	strace s18  }
0x99: {  	s4 =	sld [smem:$0x3FFC];
	_ =	sdelay $0x3  }
0x9a: {  	_ =	strace s4  }
0x9b: {  	s4 =	sld [smem:$0x3FFD];
	_ =	sdelay $0x3  }
0x9c: {  	_ =	strace s4  }
0x9d: {  	_ =	strace $0x8FFFFFFF  }
0x9e: {  	s19 =	sld [smem:$0x3FDB];
	_ =	sdelay $0x1  }
0x9f: {  	s5 =	simm.s32 $_scs_section_size  }
0xa0: {  	s6 =	simm.s32 $_size__tile_overlayer_lowered;
	s7 =	simm.s32 $_tile_overlayer_lowered  }
0xa1: {  	s22 =	simm.s32 $0x1BFF;
	s21 =	sshll.u32 s7, $0x1;
	s4 =	sadd.s32 s5, s19  }
0xa2: {  	s8 =	simm.s32 $0x0;
	s20 =	sshll.u32 s6, $0x1;
	s6 =	sadd.s32 s21, s4  }
0xa3: {  	[timem:s8], [sflag:s22] =	dma.local [hbm:s6], s20  }
0xa4: {  	_ =	swait.ge [sflag:s22], s20  }
0xa5: {  	s5 =	ssub.s32 $0x0, s20;
	[sflag:s22] =	ssyncset.done $0x0  }
0xa6: {  	[sflag:s22] =	ssyncadd.s32 s5;
	_ =	sdelay $0x1  }
0xa7: {  	s23 =	simm.s32 $0x1B8B  }
0xa8: {  	_ =	swait.ge [sflag:s23], $0x1  }
0xa9: {  	[sflag:s23] =	ssyncset.done $0x0  }
0xaa: {  	s25 =	simm.s32 $0x1B8E;
	s24 =	sld [smem:$0x3FFE];
	[sflag:s23] =	ssyncadd.s32 $0xFFFFFFFF  }
0xab: {  	s26 =	simm.s32 $execute0_lowered;
	[smem:$0x3FD2] =	sst s25  }
0xac: {  	s6 =	sshll.u32 s26, $0x1;
	_ =	strace $0x80000046;
	[dreg:$0x1] =	wrdreg $0xFFFFFFFF  }
0xad: {  	s28 =	simm.s32 $_size_execute0_lowered;
	s4 =	sadd.s32 s4, s6;
	[dreg:$0x0] =	wrdreg $0x0  }
0xae: {  	s6 =	sshll.u32 s28, $0x1;
	[dreg:$0x2] =	wrdreg s4  }
0xaf: {  	[dreg:$0x3] =	wrdreg s6  }
0xb0: {  	[dreg:$0x4] =	wrdreg $0xC0  }
0xb1: {  	_ =	task [dreg:s8], $0x5FFFF  }
0xb2: {  	[dreg:$0x1] =	wrdreg $0xFFFFFFFF  }
0xb3: {  	[dreg:$0x0] =	wrdreg $0x60  }
0xb4: {  	[dreg:$0x2] =	wrdreg s16  }
0xb5: {  	[dreg:$0x3] =	wrdreg s17  }
0xb6: {  	[dreg:$0x4] =	wrdreg s24  }
0xb7: {  	[dreg:$0x5] =	wrdreg $0x9  }
0xb8: {  	_ =	task.clear_ibuf [dreg:s8], $0x6FFFF;
	_ =	strace $0x90000046  }
0xb9: {  	s29 =	simm.s32 $0x9;
	_ =	strace $0x80000048  }
0xba: {  	_ =	swait.ge [sflag:s29], $0x1  }
0xbb: {  	[sflag:s29] =	ssyncadd.s32 $0xFFFFFFFF  }
0xbc: {  	_ =	strace $0x90000048  }
0xbd: {  	_ =	sfence  }
0xbe: {  	s30 =	sld [smem:$0x0];
	_ =	sdelay $0x2  }
0xbf: {  	s31 =	sshll.u32 s1, $0xD;
	s1 =	sshrl.u32 s1, $0x2  }
0xc0: {  	s3 =	sand.u32 $0x4000, s31;
	s1 =	sadd.s32 s1, s30  }
0xc1: {  	s0 =	sor.u32 s3, s0;
	s1 =	sshll.u32 s1, $0x11  }
0xc2: {  	s0 =	sor.u32 s1, s0  }
0xc3: {  	s0 =	sadd.s32 $0x8F2B, s0  }
0xc4: {  	[sflag:s0] =	ssyncadd.remote.s32 $0x1  }
0xc5: {  	_ =	sfence.sel $0xFFFF  }
0xc6: {  	[dreg:$0x0] =	wrdreg $0xFFFFFFFF;
	(pc) =	sbr.abs _section_cstart, $3  }
0xc7: {  	[dreg:$0x1] =	wrdreg $0xFFFFFFFF  }
0xc8: {  	_ =	task.clear_ibuf [dreg:s8], $0x2FFFF;
	_ =	strace $0x9FFFFFFF  }
0xc9: {  	(tm) =	ssettm $0x7FFFFFFF  }
tec
execute0_lowered:
.L_overlay_start_1:
0x0: {  	(tag) =	ssettag $0x1  }
0x1: {  	s1 =	rddreg [dreg:$0x0]  }
0x2: {  	s0 =	srdreg.scid;
	s3 =	rddreg [dreg:$0x1]  }
0x3: {  	s12 =	stileid.u32;
	s7 =	rddreg [dreg:$0x2];
	s4 =	simm.s32 $0x0  }
0x4: {  	s25 =	simm.s32 $0x80;
	s28 =	simm.s32 $0x200;
	s29 =	simm.s32 $0x1D00  }
0x5: {  	s30 =	simm.s32 $0x1;
	s31 =	simm.s32 $0x3;
	s0 =	sand.u32 $0x1, s0  }
0x6: {  	s5 =	sshll.u32 s12, $0x7;
	s6 =	sshrl.u32 s12, $0x3;
	[smem:$0x7FF] =	sst s4  }
0x7: {  	s16 =	sadd.s32 $0x2000, s7;
	s17 =	sadd.s32 $0x2400, s7;
	s18 =	sadd.s32 $0x2800, s7  }
0x8: {  	s19 =	sadd.s32 $0x2C00, s7;
	_ =	strace $0x80000047;
	[dreg:$0x4] =	wrdreg s16  }
0x9: {  	s20 =	sadd.s32 $0x3000, s7;
	s11 =	sadd.s32 $0x3400, s7;
	[dreg:$0x5] =	wrdreg s17  }
0xa: {  	s22 =	sshll.u32 s12, $0x8;
	s13 =	sadd.s32 $0x3800, s7;
	[dreg:$0x6] =	wrdreg s18  }
0xb: {  	s14 =	smul.u32 $0x4E20, s12;
	s2 =	sshll.u32 s0, $0x4;
	[dreg:$0x7] =	wrdreg s19  }
0xc: {  	s8 =	sand.u32 $0x380, s5;
	s6 =	smul.u32 $0x14000, s6;
	[dreg:$0x8] =	wrdreg s20  }
0xd: {  	s5 =	sadd.s32 $0x1C00, s7;
	s15 =	ssub.s32 $0x2, s0;
	[dreg:$0x9] =	wrdreg s11  }
0xe: {  	s11 =	sand.u32 $0x300, s22;
	s16 =	sadd.s32 $0x4000, s7;
	s24 =	sshll.u32 s0, $0x3  }
0xf: {  	v0 =	vimm.s32 $0x76543210;
	s22 =	simm.s32 $0x3600;
	p0 =	sne.s32 s0, $0x0;
	s6 =	sor.u32 s8, s6  }
0x10: {  	v1 =	vimm.s32 $0x13121110;
	v2 =	vimm.s32 $0x17161514;
	v0 =	vunpack.c.l.s4.s8 v0;
	s0 =	simm.s32 $0x4;
	s2 =	sor.u32 s12, s2;
	s6 =	sshrl.u32 s6, $0x3  }
0x11: {  	v1 =	vunpack.c.0.s8.s32 v1;
	v2 =	vunpack.c.0.s8.s32 v2;
	s2 =	sshrl.u32 s2, $0x3;
	s10 =	sadd.s32 s6, s7;
	s6 =	smul.u32 $0x32, s12  }
0x12: {  	vm0 =	vcmask $0x1F10;
	s9 =	sshrl.u32 s15, $0x1;
	s26 =	sshrl.u32 s14, $0x3;
	v0 =	vunpack.c.0.s8.s32 v0;
	s2 =	smul.u32 $0xA0000, s2  }
0x13: {  	v1 =	vsel vm0, v2, v1;
	s17 =	sadd.s32 s1, s26;
	s26 =	simm.s32 $0x400;
	s21 =	sshrl.u32 s6, $0x3  }
0x14: {  	v0 =	vcombine.low v0, v1;
	s2 =	sor.u32 s8, s2;
	s8 =	ssub.s32 s15, s9;
	s9 =	smul.u32 $0xC800, s21  }
0x15: {  	s15 =	sadd.s32 $0x3C00, s7;
	s20 =	sadd.s32 $0x4400, s10;
	s2 =	sshrl.u32 s2, $0x3  }
0x16: {  	v0 =	vor.u32 s24, v0;
	s24 =	simm.s32 $0x0;
	s2 =	sadd.s32 s2, s7;
	s23 =	sor.u32 s11, s9  }
0x17: {  	v2 =	vlaneseq.u32;
	s21 =	smax.u32 s8, $0x1;
	s19 =	sadd.s32 $0x9400, s2;
	s7 =	sshrl.u32 s23, $0x3  }
0x18: {  	v1 =	vshrl.u32 v2, $0x3;
	v2 =	vand.u32 $0x7, v2;
	s2 =	simm.s32 $0x2;
	s23 =	simm.s32 $0x5;
	s18 =	sadd.s32 s3, s7  }
.LBB2_1:
0x19: {  	[tilespmem:s22], [sflag:$0x5] =	stream.linear.gather [hbm4b:s5+s4], $0x2000, $0x38;
	[tilespmem:$0x19E00] =	vst v63  }
0x1a: {  	_ =	swait.ge [sflag:s23], $0x2000  }
0x1b: {  	[sflag:s23] =	ssyncset.done $0x0  }
0x1c: {  	s8 =	simm.s32 $0x5600;
	s7 =	rddreg [dreg:$0x4];
	[sflag:s23] =	ssyncadd.s32 $0xFFFFE000  }
0x1d: {  	[tilespmem:s8], [sflag:$0x5] =	stream.linear.gather [hbm4b:s7+s4], $0x2000, $0x38;
	[tilespmem:$0x19E00] =	vst v63  }
0x1e: {  	_ =	swait.ge [sflag:s23], $0x2000  }
0x1f: {  	[sflag:s23] =	ssyncset.done $0x0  }
0x20: {  	s12 =	simm.s32 $0x7600;
	s11 =	rddreg [dreg:$0x5];
	[sflag:s23] =	ssyncadd.s32 $0xFFFFE000  }
0x21: {  	[tilespmem:s12], [sflag:$0x5] =	stream.linear.gather [hbm4b:s11+s4], $0x2000, $0x38;
	[tilespmem:$0x19E00] =	vst v63  }
0x22: {  	_ =	swait.ge [sflag:s23], $0x2000  }
0x23: {  	[sflag:s23] =	ssyncset.done $0x0  }
0x24: {  	s10 =	simm.s32 $0x9600;
	s9 =	rddreg [dreg:$0x6];
	[sflag:s23] =	ssyncadd.s32 $0xFFFFE000  }
0x25: {  	[tilespmem:s10], [sflag:$0x5] =	stream.linear.gather [hbm4b:s9+s4], $0x2000, $0x38;
	[tilespmem:$0x19E00] =	vst v63  }
0x26: {  	_ =	swait.ge [sflag:s23], $0x2000  }
0x27: {  	[sflag:s23] =	ssyncset.done $0x0  }
0x28: {  	s12 =	simm.s32 $0xB600;
	s11 =	rddreg [dreg:$0x7];
	[sflag:s23] =	ssyncadd.s32 $0xFFFFE000  }
0x29: {  	[tilespmem:s12], [sflag:$0x5] =	stream.linear.gather [hbm4b:s11+s4], $0x2000, $0x38;
	[tilespmem:$0x19E00] =	vst v63  }
0x2a: {  	_ =	swait.ge [sflag:s23], $0x2000  }
0x2b: {  	[sflag:s23] =	ssyncset.done $0x0  }
0x2c: {  	s10 =	simm.s32 $0xD600;
	s9 =	rddreg [dreg:$0x8];
	[sflag:s23] =	ssyncadd.s32 $0xFFFFE000  }
0x2d: {  	[tilespmem:s10], [sflag:$0x5] =	stream.linear.gather [hbm4b:s9+s4], $0x2000, $0x38;
	[tilespmem:$0x19E00] =	vst v63  }
0x2e: {  	_ =	swait.ge [sflag:s23], $0x2000  }
0x2f: {  	[sflag:s23] =	ssyncset.done $0x0  }
0x30: {  	s12 =	simm.s32 $0xF600;
	s11 =	rddreg [dreg:$0x9];
	[sflag:s23] =	ssyncadd.s32 $0xFFFFE000  }
0x31: {  	[tilespmem:s12], [sflag:$0x5] =	stream.linear.gather [hbm4b:s11+s4], $0x2000, $0x38;
	[tilespmem:$0x19E00] =	vst v63  }
0x32: {  	_ =	swait.ge [sflag:s23], $0x2000  }
0x33: {  	[sflag:s23] =	ssyncset.done $0x0  }
0x34: {  	s9 =	simm.s32 $0x11600;
	[sflag:s23] =	ssyncadd.s32 $0xFFFFE000  }
0x35: {  	[tilespmem:s9], [sflag:$0x5] =	stream.linear.gather [hbm4b:s13+s4], $0x2000, $0x38;
	[tilespmem:$0x19E00] =	vst v63  }
0x36: {  	_ =	swait.ge [sflag:s23], $0x2000  }
0x37: {  	[sflag:s23] =	ssyncset.done $0x0  }
0x38: {  	s10 =	simm.s32 $0x13600;
	[sflag:s23] =	ssyncadd.s32 $0xFFFFE000  }
0x39: {  	[tilespmem:s10], [sflag:$0x5] =	stream.linear.gather [hbm4b:s15+s4], $0x2000, $0x38;
	[tilespmem:$0x19E00] =	vst v63  }
0x3a: {  	_ =	swait.ge [sflag:s23], $0x2000  }
0x3b: {  	[sflag:s23] =	ssyncset.done $0x0  }
0x3c: {  	s11 =	simm.s32 $0x15600;
	[sflag:s23] =	ssyncadd.s32 $0xFFFFE000  }
0x3d: {  	[tilespmem:s11], [sflag:$0x5] =	stream.linear.gather [hbm4b:s16+s4], $0x2000, $0x38;
	[tilespmem:$0x19E00] =	vst v63  }
0x3e: {  	_ =	swait.ge [sflag:s23], $0x2000  }
0x3f: {  	[sflag:s23] =	ssyncset.done $0x0  }
0x40: {  	s12 =	simm.s32 $0x17600;
	[sflag:s23] =	ssyncadd.s32 $0xFFFFE000  }
0x41: {  	[tilespmem:s12], [sflag:$0x5] =	stream.linear.gather [hbm4b:s5+s4], $0x2800, $0x38;
	[tilespmem:$0x19E00] =	vst v63  }
0x42: {  	_ =	swait.ge [sflag:s23], $0x2800  }
0x43: {  	[sflag:s23] =	ssyncset.done $0x0  }
0x44: {  	[sflag:s23] =	ssyncadd.s32 $0xFFFFD800  }
0x45: {  	[tilespmem:s4], [sflag:$0x1] =	stream.linear.gather [hbm4b:s17+s4], $0x190, $0x38;
	[tilespmem:$0x19E00] =	vst v63  }
0x46: {  	s7 =	simm.s32 $0x0  }
0x47: {  	[tilespmem:s26], [sflag:$0x3] =	stream.strided.gather [hbm4b:s18+s25], $0x1900, s26, s25, $0x38;
	[tilespmem:$0x19E00] =	vst v63  }
.LBB2_2:
0x48: {  	s9 =	sshllo.u32 s7, $0x1  }
0x49: {  	s8 =	smul.u32 $0x190, s9;
	_ =	sdelay $0x1  }
0x4a: {  	s8 =	sadd.s32 s14, s8  }
0x4b: {  	s9 =	sadd.s32 s6, s9;
	s8 =	sshrl.u32 s8, $0x3  }
0x4c: {  	s12 =	sshrl.u32 s9, $0x3;
	s10 =	sadd.s32 s1, s8;
	s8 =	simm.s32 $0x0  }
0x4d: {  	[tilespmem:s28], [sflag:$0x2] =	stream.linear.gather [hbm4b:s10+s8], $0x190, $0x38;
	[tilespmem:$0x19E00] =	vst v63  }
0x4e: {  	s9 =	sshll.u32 s9, $0x7;
	s10 =	smul.u32 $0xC800, s12  }
0x4f: {  	s9 =	sand.u32 $0x380, s9  }
0x50: {  	s9 =	sor.u32 s9, s10  }
0x51: {  	s9 =	sshrl.u32 s9, $0x3  }
0x52: {  	s9 =	sadd.s32 s3, s9  }
0x53: {  	[tilespmem:s29], [sflag:$0x4] =	stream.strided.gather [hbm4b:s9+s25], $0x1900, s26, s25, $0x38;
	[tilespmem:$0x19E00] =	vst v63  }
0x54: {  	_ =	swait.ge [sflag:s30], $0x190  }
0x55: {  	[sflag:s30] =	ssyncset.done $0x0  }
0x56: {  	[sflag:s30] =	ssyncadd.s32 $0xFFFFFE70  }
0x57: {  	_ =	swait.ge [sflag:s31], $0x1900  }
0x58: {  	s11 =	simm.s32 $0x0;
	[sflag:s31] =	ssyncset.done $0x0  }
0x59: {  	s10 =	simm.s32 $0xE;
	s9 =	sshll.u32 s7, $0x1;
	[sflag:s31] =	ssyncadd.s32 $0xFFFFE700  }
.LBB2_3:
0x5a: {  	v3 =	vld @!p0 [tilespmem:s8+$0x0];
	_ =	sdelay $0x2  }
0x5b: {  	s12 =	sadd.s32 $0xFFFFFFF2, s10  }
0x5c: {  	v4 =	vor.u32 s12, v1;
	_ =	sdelay $0x2  }
0x5d: {  	v5 =	vimm.f32 @!p0 $1.000000000e+00;
	s12 =	simm.s32 @!p0 $0x17600  }
0x5e: {  	[tilespmem:v3+s12+$0x0] =	vst.idx.add.f32.msk @!p0 $0xffff, v5  }
0x5f: {  	v3 =	vld.idx.msk [tilespmem:v4+s4+$0x0], $0xffff  }
0x60: {  	v49 =	vor.u32 s11, v0;
	_ =	sdelay $0x3  }
0x61: {  	v3 =	vshll.u32 v3, $0x3  }
0x62: {  	s12 =	sadd.s32 $0xFFFFFFF4, s10;
	v4 =	vld.idx.msk [tilespmem:v49+s26+$0x0], $0xffff;
	v3 =	vor.u32 v2, v3  }
0x63: {  	v50 =	vor.u32 s12, v1;
	_ =	sdelay $0x3  }
0x64: {  	[tilespmem:v3+s22+$0x0] =	vst.idx.add.f32.msk $0xffff, v4  }
0x65: {  	s12 =	sadd.s32 $0x20, s11;
	v3 =	vld.idx.msk [tilespmem:v50+s4+$0x0], $0xffff  }
0x66: {  	v51 =	vor.u32 s12, v0;
	_ =	sdelay $0x3  }
0x67: {  	v3 =	vshll.u32 v3, $0x3  }
0x68: {  	s12 =	sadd.s32 $0xFFFFFFF6, s10;
	v4 =	vld.idx.msk [tilespmem:v51+s26+$0x0], $0xffff;
	v3 =	vor.u32 v2, v3  }
0x69: {  	v52 =	vor.u32 s12, v1;
	_ =	sdelay $0x3  }
0x6a: {  	[tilespmem:v3+s22+$0x0] =	vst.idx.add.f32.msk $0xffff, v4  }
0x6b: {  	s12 =	sadd.s32 $0x40, s11;
	v3 =	vld.idx.msk [tilespmem:v52+s4+$0x0], $0xffff  }
0x6c: {  	v53 =	vor.u32 s12, v0;
	_ =	sdelay $0x3  }
0x6d: {  	v3 =	vshll.u32 v3, $0x3  }
0x6e: {  	s12 =	sadd.s32 $0xFFFFFFF8, s10;
	v4 =	vld.idx.msk [tilespmem:v53+s26+$0x0], $0xffff;
	v3 =	vor.u32 v2, v3  }
0x6f: {  	v54 =	vor.u32 s12, v1;
	_ =	sdelay $0x3  }
0x70: {  	[tilespmem:v3+s22+$0x0] =	vst.idx.add.f32.msk $0xffff, v4  }
0x71: {  	s12 =	sadd.s32 $0x60, s11;
	v3 =	vld.idx.msk [tilespmem:v54+s4+$0x0], $0xffff  }
0x72: {  	v55 =	vor.u32 s12, v0;
	_ =	sdelay $0x3  }
0x73: {  	v3 =	vshll.u32 v3, $0x3  }
0x74: {  	s12 =	sadd.s32 $0xFFFFFFFA, s10;
	v4 =	vld.idx.msk [tilespmem:v55+s26+$0x0], $0xffff;
	v3 =	vor.u32 v2, v3  }
0x75: {  	v56 =	vor.u32 s12, v1;
	_ =	sdelay $0x3  }
0x76: {  	[tilespmem:v3+s22+$0x0] =	vst.idx.add.f32.msk $0xffff, v4  }
0x77: {  	s12 =	sadd.s32 $0x80, s11;
	v3 =	vld.idx.msk [tilespmem:v56+s4+$0x0], $0xffff  }
0x78: {  	v57 =	vor.u32 s12, v0;
	_ =	sdelay $0x3  }
0x79: {  	v3 =	vshll.u32 v3, $0x3  }
0x7a: {  	s12 =	sadd.s32 $0xFFFFFFFC, s10;
	v4 =	vld.idx.msk [tilespmem:v57+s26+$0x0], $0xffff;
	v3 =	vor.u32 v2, v3  }
0x7b: {  	v58 =	vor.u32 s12, v1;
	_ =	sdelay $0x3  }
0x7c: {  	[tilespmem:v3+s22+$0x0] =	vst.idx.add.f32.msk $0xffff, v4  }
0x7d: {  	s12 =	sadd.s32 $0xA0, s11;
	v3 =	vld.idx.msk [tilespmem:v58+s4+$0x0], $0xffff  }
0x7e: {  	v59 =	vor.u32 s12, v0;
	_ =	sdelay $0x3  }
0x7f: {  	v3 =	vshll.u32 v3, $0x3  }
0x80: {  	s12 =	sadd.s32 $0xFFFFFFFE, s10;
	v4 =	vld.idx.msk [tilespmem:v59+s26+$0x0], $0xffff;
	v3 =	vor.u32 v2, v3  }
0x81: {  	v60 =	vor.u32 s12, v1;
	_ =	sdelay $0x3  }
0x82: {  	[tilespmem:v3+s22+$0x0] =	vst.idx.add.f32.msk $0xffff, v4  }
0x83: {  	s12 =	sadd.s32 $0xC0, s11;
	v3 =	vld.idx.msk [tilespmem:v60+s4+$0x0], $0xffff  }
0x84: {  	v61 =	vor.u32 s12, v0;
	_ =	sdelay $0x3  }
0x85: {  	v3 =	vshll.u32 v3, $0x3  }
0x86: {  	v4 =	vld.idx.msk [tilespmem:v61+s26+$0x0], $0xffff;
	v3 =	vor.u32 v2, v3  }
0x87: {  	v62 =	vor.u32 s10, v1;
	_ =	sdelay $0x3  }
0x88: {  	[tilespmem:v3+s22+$0x0] =	vst.idx.add.f32.msk $0xffff, v4  }
0x89: {  	s12 =	sadd.s32 $0xE0, s11;
	v3 =	vld.idx.msk [tilespmem:v62+s4+$0x0], $0xffff  }
0x8a: {  	v63 =	vor.u32 s12, v0;
	_ =	sdelay $0x3  }
0x8b: {  	s11 =	sadd.s32 $0x100, s11;
	v3 =	vshll.u32 v3, $0x3  }
0x8c: {  	p1 =	sne.s32 s11, $0x1900;
	v4 =	vld.idx.msk [tilespmem:v63+s26+$0x0], $0xffff;
	v3 =	vor.u32 v2, v3  }
.Ltmp0:
0x8d: {  	_ = 	snop;
	(pc) =	sbr.rel @p1 .LBB2_3-.Ltmp0, $2  }
0x8e: {  	_ =	sdelay $0x2  }
0x8f: {  	s8 =	sadd.s32 $0x10, s8;
	s10 =	sadd.s32 $0x10, s10;
	[tilespmem:v3+s22+$0x0] =	vst.idx.add.f32.msk $0xffff, v4  }
0x90: {  	p1 =	seq.s32 s7, $0x18  }
0x91: {  	s8 =	sadd.s32 @!p1 $0x2, s9  }
0x92: {  	s9 =	smul.u32 @!p1 $0x190, s8;
	_ =	sdelay $0x1  }
0x93: {  	s9 =	sadd.s32 @!p1 s14, s9  }
0x94: {  	s9 =	sshrl.u32 @!p1 s9, $0x3  }
0x95: {  	s10 =	simm.s32 @!p1 $0x0;
	s8 =	sadd.s32 @!p1 s6, s8;
	s9 =	sadd.s32 @!p1 s1, s9  }
0x96: {  	[tilespmem:s10], [sflag:$0x1] =	stream.linear.gather @!p1 [hbm4b:s9+s10], $0x190, $0x38;
	[tilespmem:$0x19E00] =	vst v63  }
0x97: {  	s9 =	sshrl.u32 @!p1 s8, $0x3  }
0x98: {  	s8 =	sshll.u32 @!p1 s8, $0x7;
	s9 =	smul.u32 @!p1 $0xC800, s9  }
0x99: {  	s8 =	sand.u32 @!p1 $0x300, s8  }
0x9a: {  	s8 =	sor.u32 @!p1 s8, s9  }
0x9b: {  	s8 =	sshrl.u32 @!p1 s8, $0x3  }
0x9c: {  	s10 =	simm.s32 @!p1 $0x400;
	s9 =	simm.s32 @!p1 $0x80;
	s8 =	sadd.s32 @!p1 s3, s8  }
0x9d: {  	[tilespmem:s10], [sflag:$0x3] =	stream.strided.gather @!p1 [hbm4b:s8+s9], $0x1900, s10, s9, $0x38;
	[tilespmem:$0x19E00] =	vst v63  }
0x9e: {  	_ =	swait.ge [sflag:s2], $0x190  }
0x9f: {  	[sflag:s2] =	ssyncset.done $0x0  }
0xa0: {  	[sflag:s2] =	ssyncadd.s32 $0xFFFFFE70  }
0xa1: {  	_ =	swait.ge [sflag:s0], $0x1900  }
0xa2: {  	s8 =	simm.s32 $0x0;
	[sflag:s0] =	ssyncset.done $0x0  }
0xa3: {  	s9 =	simm.s32 $0xE;
	s10 =	simm.s32 $0x200;
	[sflag:s0] =	ssyncadd.s32 $0xFFFFE700  }
.LBB2_5:
0xa4: {  	v3 =	vld @!p0 [tilespmem:s10+$0x0];
	_ =	sdelay $0x2  }
0xa5: {  	s11 =	sadd.s32 $0xFFFFFFF2, s9  }
0xa6: {  	v4 =	vor.u32 s11, v1;
	_ =	sdelay $0x2  }
0xa7: {  	v5 =	vimm.f32 @!p0 $1.000000000e+00;
	s11 =	simm.s32 @!p0 $0x17600  }
0xa8: {  	[tilespmem:v3+s11+$0x0] =	vst.idx.add.f32.msk @!p0 $0xffff, v5  }
0xa9: {  	v3 =	vld.idx.msk [tilespmem:v4+s28+$0x0], $0xffff  }
0xaa: {  	v49 =	vor.u32 s8, v0;
	_ =	sdelay $0x3  }
0xab: {  	v3 =	vshll.u32 v3, $0x3  }
0xac: {  	s12 =	sadd.s32 $0xFFFFFFF4, s9;
	v4 =	vld.idx.msk [tilespmem:v49+s29+$0x0], $0xffff;
	v3 =	vor.u32 v2, v3  }
0xad: {  	v50 =	vor.u32 s12, v1;
	_ =	sdelay $0x3  }
0xae: {  	[tilespmem:v3+s22+$0x0] =	vst.idx.add.f32.msk $0xffff, v4  }
0xaf: {  	s12 =	sadd.s32 $0x20, s8;
	v3 =	vld.idx.msk [tilespmem:v50+s28+$0x0], $0xffff  }
0xb0: {  	v51 =	vor.u32 s12, v0;
	_ =	sdelay $0x3  }
0xb1: {  	v3 =	vshll.u32 v3, $0x3  }
0xb2: {  	s12 =	sadd.s32 $0xFFFFFFF6, s9;
	v4 =	vld.idx.msk [tilespmem:v51+s29+$0x0], $0xffff;
	v3 =	vor.u32 v2, v3  }
0xb3: {  	v52 =	vor.u32 s12, v1;
	_ =	sdelay $0x3  }
0xb4: {  	[tilespmem:v3+s22+$0x0] =	vst.idx.add.f32.msk $0xffff, v4  }
0xb5: {  	s12 =	sadd.s32 $0x40, s8;
	v3 =	vld.idx.msk [tilespmem:v52+s28+$0x0], $0xffff  }
0xb6: {  	v53 =	vor.u32 s12, v0;
	_ =	sdelay $0x3  }
0xb7: {  	v3 =	vshll.u32 v3, $0x3  }
0xb8: {  	s12 =	sadd.s32 $0xFFFFFFF8, s9;
	v4 =	vld.idx.msk [tilespmem:v53+s29+$0x0], $0xffff;
	v3 =	vor.u32 v2, v3  }
0xb9: {  	v54 =	vor.u32 s12, v1;
	_ =	sdelay $0x3  }
0xba: {  	[tilespmem:v3+s22+$0x0] =	vst.idx.add.f32.msk $0xffff, v4  }
0xbb: {  	s12 =	sadd.s32 $0x60, s8;
	v3 =	vld.idx.msk [tilespmem:v54+s28+$0x0], $0xffff  }
0xbc: {  	v55 =	vor.u32 s12, v0;
	_ =	sdelay $0x3  }
0xbd: {  	v3 =	vshll.u32 v3, $0x3  }
0xbe: {  	s12 =	sadd.s32 $0xFFFFFFFA, s9;
	v4 =	vld.idx.msk [tilespmem:v55+s29+$0x0], $0xffff;
	v3 =	vor.u32 v2, v3  }
0xbf: {  	v56 =	vor.u32 s12, v1;
	_ =	sdelay $0x3  }
0xc0: {  	[tilespmem:v3+s22+$0x0] =	vst.idx.add.f32.msk $0xffff, v4  }
0xc1: {  	s12 =	sadd.s32 $0x80, s8;
	v3 =	vld.idx.msk [tilespmem:v56+s28+$0x0], $0xffff  }
0xc2: {  	v57 =	vor.u32 s12, v0;
	_ =	sdelay $0x3  }
0xc3: {  	v3 =	vshll.u32 v3, $0x3  }
0xc4: {  	s12 =	sadd.s32 $0xFFFFFFFC, s9;
	v4 =	vld.idx.msk [tilespmem:v57+s29+$0x0], $0xffff;
	v3 =	vor.u32 v2, v3  }
0xc5: {  	v58 =	vor.u32 s12, v1;
	_ =	sdelay $0x3  }
0xc6: {  	[tilespmem:v3+s22+$0x0] =	vst.idx.add.f32.msk $0xffff, v4  }
0xc7: {  	s12 =	sadd.s32 $0xA0, s8;
	v3 =	vld.idx.msk [tilespmem:v58+s28+$0x0], $0xffff  }
0xc8: {  	v59 =	vor.u32 s12, v0;
	_ =	sdelay $0x3  }
0xc9: {  	v3 =	vshll.u32 v3, $0x3  }
0xca: {  	s12 =	sadd.s32 $0xFFFFFFFE, s9;
	v4 =	vld.idx.msk [tilespmem:v59+s29+$0x0], $0xffff;
	v3 =	vor.u32 v2, v3  }
0xcb: {  	v60 =	vor.u32 s12, v1;
	_ =	sdelay $0x3  }
0xcc: {  	[tilespmem:v3+s22+$0x0] =	vst.idx.add.f32.msk $0xffff, v4  }
0xcd: {  	s12 =	sadd.s32 $0xC0, s8;
	v3 =	vld.idx.msk [tilespmem:v60+s28+$0x0], $0xffff  }
0xce: {  	v61 =	vor.u32 s12, v0;
	_ =	sdelay $0x3  }
0xcf: {  	v3 =	vshll.u32 v3, $0x3  }
0xd0: {  	v4 =	vld.idx.msk [tilespmem:v61+s29+$0x0], $0xffff;
	v3 =	vor.u32 v2, v3  }
0xd1: {  	v62 =	vor.u32 s9, v1;
	_ =	sdelay $0x3  }
0xd2: {  	[tilespmem:v3+s22+$0x0] =	vst.idx.add.f32.msk $0xffff, v4  }
0xd3: {  	s12 =	sadd.s32 $0xE0, s8;
	v3 =	vld.idx.msk [tilespmem:v62+s28+$0x0], $0xffff  }
0xd4: {  	v63 =	vor.u32 s12, v0;
	_ =	sdelay $0x3  }
0xd5: {  	s8 =	sadd.s32 $0x100, s8;
	v3 =	vshll.u32 v3, $0x3  }
0xd6: {  	p1 =	sne.s32 s8, $0x1900;
	v4 =	vld.idx.msk [tilespmem:v63+s29+$0x0], $0xffff;
	v3 =	vor.u32 v2, v3  }
.Ltmp1:
0xd7: {  	_ = 	snop;
	(pc) =	sbr.rel @p1 .LBB2_5-.Ltmp1, $2  }
0xd8: {  	_ =	sdelay $0x2  }
0xd9: {  	s10 =	sadd.s32 $0x10, s10;
	s9 =	sadd.s32 $0x10, s9;
	[tilespmem:v3+s22+$0x0] =	vst.idx.add.f32.msk $0xffff, v4  }
0xda: {  	s7 =	sadd.s32 $0x1, s7  }
0xdb: {  	p1 =	sne.s32 s7, $0x19  }
.Ltmp2:
0xdc: {  	_ = 	snop;
	(pc) =	sbr.rel @p1 .LBB2_2-.Ltmp2, $1  }
0xdd: {  	_ =	sdelay $0x3  }
0xde: {  	[hbm4b:s19+s25] =	stream.strided.scatter [tilespmem:s22], [sflag:$0x5], $0x14000, s26, s25, $0x38;
	[tilespmem:$0x19E00] =	vst v63  }
0xdf: {  	s7 =	simm.s32 @!p0 $0x80;
	_ =	swait.ge [sflag:s23], $0x14000  }
0xe0: {  	s8 =	simm.s32 @!p0 $0x400;
	s24 =	sadd.s32 $0x1, s24;
	[sflag:s23] =	ssyncset.done $0x0  }
0xe1: {  	s9 =	simm.s32 @!p0 $0x17600;
	p1 =	sne.s32 s24, s21;
	[sflag:s23] =	ssyncadd.s32 $0xFFFEC000  }
0xe2: {  	[hbm4b:s20+s7] =	stream.strided.scatter @!p0 [tilespmem:s9], [sflag:$0x5], $0x2800, s8, s7, $0x38;
	[tilespmem:$0x19E00] =	vst v63  }
.Ltmp3:
0xe3: {  	_ = 	snop;
	(pc) =	sbr.rel @p1 .LBB2_1-.Ltmp3, $4  }
0xe4: {  	s7 =	simm.s32 @!p0 $0x5  }
0xe5: {  	_ =	swait.ge @!p0 [sflag:s7], $0x2800  }
0xe6: {  	[sflag:s7] =	ssyncset.done @!p0 $0x0  }
0xe7: {  	[sflag:s7] =	ssyncadd.s32 @!p0 $0xFFFFD800  }
0xe8: {  	_ =	sfence.sel $0x180000  }
0xe9: {  	[bflag:$0x0] =	sbarrier.arrive $0xFFFF  }
0xea: {  	_ =	strace $0x90000047  }
0xeb: {  	s0 =	stileid.u32;
	[bflag:$0x2] =	sbarrier.arrive $0xFFFF  }
0xec: {  	p0 =	sne.s32 s0, $0x0;
	s0 =	rddreg [dreg:$0x3]  }
0xed: {  	s0 =	sadd.s32 @!p0 $0x100000, s0  }
0xee: {  	[sflag:s0] =	ssyncadd.tile.s32 @!p0 $0x1;
	_ =	shalt  }
.Lfunc_end2:
_tile_overlayer_lowered:
.L_overlay_start_2:
0xef: {  	(tag) =	ssettag $0x2  }
0xf0: {  	s0 =	rddreg [dreg:$0x0];
	s2 =	stileid.u32  }
0xf1: {  	s1 =	rddreg [dreg:$0x1];
	p0 =	sne.s32 s2, $0x0  }
0xf2: {  	s3 =	rddreg [dreg:$0x2];
	[bflag:$0x3] =	sbarrier.arrive $0xFFFF;
	s2 =	simm.s32 @!p0 $0x1C05  }
0xf3: {  	[timem:s3], [sflag:s2] =	dma.local @!p0 [hbm:s0], s1  }
0xf4: {  	s0 =	simm.s32 @!p0 $0x5  }
0xf5: {  	_ =	swait.ge @!p0 [sflag:s0], s1  }
0xf6: {  	s1 =	ssub.s32 @!p0 $0x0, s1;
	[sflag:s0] =	ssyncset.done @!p0 $0x0  }
0xf7: {  	[sflag:s0] =	ssyncadd.s32 @!p0 s1  }
0xf8: {  	[bflag:$0x3] =	sbarrier.arrive $0xFFFF  }
0xf9: {  	_ =	shalt  }

// kernel: kernel.8.cloned.1.call-start
scs
__scs_entry_jumppad:
0x0: {  	(pc) =	sbr.rel $0x88, $3  }
0x1: {  	(tag) =	ssettag $0x0;
	lr =	simm.s32 $0x1  }
0x2: {  	[smem:$0x3F99] =	sst lr;
	_ =	strace $0xD0000000  }
0x3: {  	_ = 	snop  }
0x4: {  	_ = 	snop  }
0x5: {  	_ = 	snop  }
0x6: {  	_ = 	snop  }
0x7: {  	_ = 	snop  }
__scs_overlays_trampoline_lowered:
0x8: {  	[smem:$0x3FA8] =	sst s0  }
0x9: {  	[smem:$0x3FA9] =	sst s1  }
0xa: {  	[smem:$0x3FAA] =	sst s2  }
0xb: {  	[smem:$0x3FAB] =	sst s3  }
0xc: {  	[smem:$0x3FAC] =	sst s4  }
0xd: {  	[smem:$0x3FAD] =	sst s5  }
0xe: {  	[smem:$0x3FAE] =	sst s6  }
0xf: {  	[smem:$0x3FAF] =	sst s7  }
0x10: {  	[smem:$0x3FB0] =	sst s8  }
0x11: {  	[smem:$0x3FB1] =	sst s9;
	s0 =	simm.s32 @!p0 $0x0  }
0x12: {  	s1 =	sld [smem:$0x3F97];
	s0 =	simm.s32 @p0 $0x1  }
0x13: {  	[smem:$0x3FB2] =	sst s0;
	s0 =	simm.s32 @!p1 $0x0  }
0x14: {  	s2 =	sld [smem:$0x3F96];
	s0 =	simm.s32 @p1 $0x1  }
0x15: {  	[smem:$0x3FB3] =	sst s0;
	s0 =	simm.s32 @!p2 $0x0  }
0x16: {  	s3 =	sld [smem:$0x3FDB];
	s0 =	simm.s32 @p2 $0x1  }
0x17: {  	s4 =	simm.s32 $0x1BF5;
	[smem:$0x3FB5] =	sst s0  }
0x18: {  	s0 =	sld [smem:$0x3F98];
	_ =	swait.ge [sflag:s4], $0x0  }
0x19: {  	s7 =	sld [smem:$0x3F99]  }
0x1a: {  	s8 =	sadd.s32 $0xFFFFE003, lr  }
0x1b: {  	s9 =	sadd.s32 $0xFFFFFEF7, lr;
	s5 =	simm.s32 $0xFFFFFFFF;
	p2 =	slt.u32 s8, $0xFFFFF086  }
0x1c: {  	p1 =	slt.u32 s9, $0xF7A;
	s5 =	simm.s32 @!p2 $0x0  }
0x1d: {  	s5 =	simm.s32 @p1 $0x1;
	p0 =	seq.s32 s7, s2  }
0x1e: {  	s7 =	smul.u32 @!p0 $0xF7A, s2;
	p2 =	seq.s32 @!p0 s5, $0x0  }
0x1f: {  	s9 =	smul.u32 $0xF7A, s1;
	s8 =	simm.s32 @!p0 $0x1BF5;
	p2 =	por !p2, p0  }
0x20: {  	[sflag:s8] =	ssyncset.s32 @!p0 $0xFFFFF086;
	s6 =	sadd.s32 @!p0 s3, s7;
	s7 =	simm.s32 @!p0 $0x108  }
0x21: {  	s3 =	sadd.s32 s3, s9;
	s6 =	sadd.s32 @!p0 $0x88, s6;
	s7 =	simm.s32 @p2 $0x1082  }
0x22: {  	[simem:s7], [sflag:s8] =	dma.local @!p0 [hbm:s6], $0xF7A  }
0x23: {  	s9 =	sor.u32 $0xD0000000, s2;
	s6 =	simm.s32 $0x108;
	_ =	swait.ge @!p0 [sflag:s8], $0x0  }
0x24: {  	s3 =	sadd.s32 $0x88, s3;
	s6 =	simm.s32 @!p1 $0x1082;
	[sflag:s4] =	ssyncset.s32 $0xFFFFF086  }
0x25: {  	[simem:s6], [sflag:s4] =	dma.local [hbm:s3], $0xF7A  }
0x26: {  	[smem:$0x3F99] =	sst s1;
	(tag) =	ssettag s2;
	_ =	strace s9  }
0x27: {  	s1 =	sld [smem:$0x3FA9]  }
0x28: {  	s2 =	sld [smem:$0x3FAA]  }
0x29: {  	s4 =	sld [smem:$0x3FAC]  }
0x2a: {  	p0 =	seq.s32 s5, $0x0;
	s5 =	sld [smem:$0x3FAD]  }
0x2b: {  	s6 =	sld [smem:$0x3FAE]  }
0x2c: {  	s7 =	sld [smem:$0x3FAF]  }
0x2d: {  	s3 =	simm.s32 $0x108;
	s8 =	sld [smem:$0x3FB0]  }
0x2e: {  	s3 =	simm.s32 @!p0 $0x1082;
	s9 =	sld [smem:$0x3FB1]  }
0x2f: {  	lr =	sadd.s32 s0, s3;
	s0 =	sld [smem:$0x3FA8]  }
0x30: {  	s3 =	sld [smem:$0x3FAB]  }
0x31: {  	[smem:$0x3FB4] =	sst s10  }
0x32: {  	s10 =	sld [smem:$0x3FB2];
	_ =	sdelay $0x3  }
0x33: {  	p0 =	seq.s32 s10, $0x1;
	s10 =	sld [smem:$0x3FB4];
	_ =	sdelay $0x3  }
0x34: {  	[smem:$0x3FB4] =	sst s10  }
0x35: {  	s10 =	sld [smem:$0x3FB3];
	_ =	sdelay $0x3  }
0x36: {  	p1 =	seq.s32 s10, $0x1;
	s10 =	sld [smem:$0x3FB4];
	_ =	sdelay $0x3  }
0x37: {  	[smem:$0x3FB4] =	sst s10  }
0x38: {  	s10 =	sld [smem:$0x3FB5]  }
0x39: {  	_ = 	snop;
	(pc) =	sbr.ind lr, $3  }
0x3a: {  	_ = 	snop  }
0x3b: {  	_ = 	snop  }
0x3c: {  	p2 =	seq.s32 s10, $0x1;
	s10 =	sld [smem:$0x3FB4]  }
0x3d: {  	_ =	shalt  }
0x3e: {  	_ =	shalt  }
0x3f: {  	_ =	shalt  }
0x40: {  	_ =	shalt  }
0x41: {  	_ =	shalt  }
0x42: {  	_ =	shalt  }
0x43: {  	_ =	shalt  }
0x44: {  	_ =	shalt  }
0x45: {  	_ =	shalt  }
0x46: {  	_ =	shalt  }
0x47: {  	_ =	shalt  }
0x48: {  	_ =	shalt  }
0x49: {  	_ =	shalt  }
0x4a: {  	_ =	shalt  }
0x4b: {  	_ =	shalt  }
0x4c: {  	_ =	shalt  }
0x4d: {  	_ =	shalt  }
0x4e: {  	_ =	shalt  }
0x4f: {  	_ =	shalt  }
0x50: {  	_ =	shalt  }
0x51: {  	_ =	shalt  }
0x52: {  	_ =	shalt  }
0x53: {  	_ =	shalt  }
0x54: {  	_ =	shalt  }
0x55: {  	_ =	shalt  }
0x56: {  	_ =	shalt  }
0x57: {  	_ =	shalt  }
0x58: {  	_ =	shalt  }
0x59: {  	_ =	shalt  }
0x5a: {  	_ =	shalt  }
0x5b: {  	_ =	shalt  }
0x5c: {  	_ =	shalt  }
0x5d: {  	_ =	shalt  }
0x5e: {  	_ =	shalt  }
0x5f: {  	_ =	shalt  }
0x60: {  	_ =	shalt  }
0x61: {  	_ =	shalt  }
0x62: {  	_ =	shalt  }
0x63: {  	_ =	shalt  }
0x64: {  	_ =	shalt  }
0x65: {  	_ =	shalt  }
0x66: {  	_ =	shalt  }
0x67: {  	_ =	shalt  }
0x68: {  	_ =	shalt  }
0x69: {  	_ =	shalt  }
0x6a: {  	_ =	shalt  }
0x6b: {  	_ =	shalt  }
0x6c: {  	_ =	shalt  }
0x6d: {  	_ =	shalt  }
0x6e: {  	_ =	shalt  }
0x6f: {  	_ =	shalt  }
0x70: {  	_ =	shalt  }
0x71: {  	_ =	shalt  }
0x72: {  	_ =	shalt  }
0x73: {  	_ =	shalt  }
0x74: {  	_ =	shalt  }
0x75: {  	_ =	shalt  }
0x76: {  	_ =	shalt  }
0x77: {  	_ =	shalt  }
0x78: {  	_ =	shalt  }
0x79: {  	_ =	shalt  }
0x7a: {  	_ =	shalt  }
0x7b: {  	_ =	shalt  }
0x7c: {  	_ =	shalt  }
0x7d: {  	_ =	shalt  }
0x7e: {  	_ =	shalt  }
0x7f: {  	_ =	shalt  }
0x80: {  	_ =	shalt  }
0x81: {  	_ =	shalt  }
0x82: {  	_ =	shalt  }
0x83: {  	_ =	shalt  }
0x84: {  	_ =	shalt  }
0x85: {  	_ =	shalt  }
0x86: {  	_ =	shalt  }
0x87: {  	_ =	shalt  }
.Lfunc_end0:
.L_simem_size_0:
called_computation.1_lowered:
.L_overlay_start_0:
0x88: {  	s2 =	sld [smem:$0x3FD9]  }
0x89: {  	s3 =	sld [smem:$0x3FFE];
	_ =	sdelay $0x1  }
0x8a: {  	s1 =	srdreg.scid  }
0x8b: {  	s0 =	sand.u32 $0x1, s1  }
0x8c: {  	s14 =	sshll.u32 s0, $0xA;
	s2 =	sadd.s32 s3, s2  }
0x8d: {  	s2 =	sadd.s32 s2, s14  }
0x8e: {  	[smem:$0x3FC0] =	sst s2  }
0x8f: {  	_ = 	snop  }
0x90: {  	s2 =	sld [smem:$0x3FD0];
	_ =	sdelay $0x1  }
0x91: {  	s15 =	sld [smem:$0x3FC7]  }
0x92: {  	s5 =	simm.s32 $0xA;
	s6 =	simm.s32 $0x10;
	s4 =	sld [smem:$0x3FC6]  }
0x93: {  	[smem:s6], [sflag:s5] =	dma.local [hbm:s2], $0x1  }
0x94: {  	_ =	swait.eq [sflag:s5], $0x1  }
0x95: {  	[sflag:s5] =	ssyncset.done $0x0  }
0x96: {  	[sflag:s5] =	ssyncadd.s32 $0xFFFFFFFF  }
0x97: {  	s16 =	sld [smem:$0x11];
	(tm) =	ssettm $0x1  }
0x98: {  	s17 =	sld [smem:$0x3FFB];
	_ =	sdelay $0x3  }
0x99: {  	_ =	strace s17  }
0x9a: {  	s5 =	sld [smem:$0x3FFC];
	_ =	sdelay $0x3  }
0x9b: {  	_ =	strace s5  }
0x9c: {  	s5 =	sld [smem:$0x3FFD];
	_ =	sdelay $0x3  }
0x9d: {  	_ =	strace s5  }
0x9e: {  	_ =	strace $0x8FFFFFFF  }
0x9f: {  	s18 =	sld [smem:$0x3FDB];
	_ =	sdelay $0x1  }
0xa0: {  	s19 =	simm.s32 $_scs_section_size  }
0xa1: {  	s7 =	simm.s32 $_size__tile_overlayer_lowered;
	s8 =	simm.s32 $_tile_overlayer_lowered  }
0xa2: {  	s22 =	simm.s32 $0x1BFF;
	s21 =	sshll.u32 s8, $0x1;
	s5 =	sadd.s32 s19, s18  }
0xa3: {  	s9 =	simm.s32 $0x0;
	s20 =	sshll.u32 s7, $0x1;
	s7 =	sadd.s32 s21, s5  }
0xa4: {  	[timem:s9], [sflag:s22] =	dma.local [hbm:s7], s20  }
0xa5: {  	_ =	swait.ge [sflag:s22], s20  }
0xa6: {  	s6 =	ssub.s32 $0x0, s20;
	[sflag:s22] =	ssyncset.done $0x0  }
0xa7: {  	[sflag:s22] =	ssyncadd.s32 s6;
	_ =	sdelay $0x1  }
0xa8: {  	s23 =	simm.s32 $0x1B8B  }
0xa9: {  	_ =	swait.ge [sflag:s23], $0x1  }
0xaa: {  	[sflag:s23] =	ssyncset.done $0x0  }
0xab: {  	s25 =	simm.s32 $0x1B8E;
	s24 =	sld [smem:$0x3FFE];
	[sflag:s23] =	ssyncadd.s32 $0xFFFFFFFF  }
0xac: {  	s26 =	simm.s32 $execute0_lowered;
	[smem:$0x3FD2] =	sst s25  }
0xad: {  	s7 =	sshll.u32 s26, $0x1;
	_ =	strace $0x80000049;
	[dreg:$0x1] =	wrdreg $0xFFFFFFFF  }
0xae: {  	s28 =	simm.s32 $_size_execute0_lowered;
	s5 =	sadd.s32 s5, s7;
	[dreg:$0x0] =	wrdreg $0x0  }
0xaf: {  	s7 =	sshll.u32 s28, $0x1;
	[dreg:$0x2] =	wrdreg s5  }
0xb0: {  	[dreg:$0x3] =	wrdreg s7  }
0xb1: {  	[dreg:$0x4] =	wrdreg $0xC0  }
0xb2: {  	_ =	task [dreg:s9], $0x5FFFF  }
0xb3: {  	[dreg:$0x1] =	wrdreg $0xFFFFFFFF  }
0xb4: {  	[dreg:$0x0] =	wrdreg $0x60  }
0xb5: {  	[dreg:$0x2] =	wrdreg s15  }
0xb6: {  	[dreg:$0x3] =	wrdreg s4  }
0xb7: {  	[dreg:$0x4] =	wrdreg s24  }
0xb8: {  	[dreg:$0x5] =	wrdreg s16  }
0xb9: {  	[dreg:$0x6] =	wrdreg $0x9  }
0xba: {  	_ =	task.clear_ibuf [dreg:s9], $0x7FFFF;
	_ =	strace $0x90000049  }
0xbb: {  	s29 =	simm.s32 $0x9;
	_ =	strace $0x8000004B  }
0xbc: {  	_ =	swait.ge [sflag:s29], $0x1  }
0xbd: {  	[sflag:s29] =	ssyncadd.s32 $0xFFFFFFFF  }
0xbe: {  	_ =	strace $0x9000004B  }
0xbf: {  	_ =	sfence  }
0xc0: {  	s30 =	sld [smem:$0x0];
	_ =	sdelay $0x2  }
0xc1: {  	s31 =	sshll.u32 s1, $0xD;
	s1 =	sshrl.u32 s1, $0x2  }
0xc2: {  	s3 =	sand.u32 $0x4000, s31;
	s1 =	sadd.s32 s1, s30  }
0xc3: {  	s0 =	sor.u32 s3, s0;
	s1 =	sshll.u32 s1, $0x11  }
0xc4: {  	s0 =	sor.u32 s1, s0  }
0xc5: {  	s0 =	sadd.s32 $0x8F2B, s0  }
0xc6: {  	[sflag:s0] =	ssyncadd.remote.s32 $0x1  }
0xc7: {  	_ =	sfence.sel $0xFFFF  }
0xc8: {  	[dreg:$0x0] =	wrdreg $0xFFFFFFFF;
	(pc) =	sbr.abs _section_cstart, $3  }
0xc9: {  	[dreg:$0x1] =	wrdreg $0xFFFFFFFF  }
0xca: {  	_ =	task.clear_ibuf [dreg:s9], $0x2FFFF;
	_ =	strace $0x9FFFFFFF  }
0xcb: {  	(tm) =	ssettm $0x7FFFFFFF  }
tec
execute0_lowered:
.L_overlay_start_1:
0x0: {  	(tag) =	ssettag $0x1  }
0x1: {  	s0 =	rddreg [dreg:$0x0]  }
0x2: {  	s1 =	rddreg [dreg:$0x1];
	s2 =	srdreg.scid  }
0x3: {  	s8 =	stileid.u32;
	s6 =	rddreg [dreg:$0x2];
	s16 =	simm.s32 $0x5  }
0x4: {  	s17 =	simm.s32 $0xC80;
	s18 =	simm.s32 $0x80;
	s19 =	simm.s32 $0x1900  }
0x5: {  	s20 =	simm.s32 $0x5900;
	s21 =	simm.s32 $0x9900;
	s22 =	simm.s32 $0xD900  }
0x6: {  	s23 =	simm.s32 $0x1;
	s24 =	simm.s32 $0x2;
	s25 =	simm.s32 $0x3  }
0x7: {  	s26 =	simm.s32 $0x4;
	s7 =	sand.u32 $0x1, s2;
	s3 =	sshll.u32 s8, $0x1  }
0x8: {  	s2 =	rddreg [dreg:$0x3];
	p0 =	sgt.u32 s8, $0x9;
	s5 =	sor.u32 s7, s3  }
0x9: {  	s3 =	simm.s32 $0x0;
	s7 =	ssub.s32 $0x2, s7;
	s4 =	smul.u32 $0xC38, s5  }
0xa: {  	[smem:$0x7FF] =	sst s3;
	s10 =	smul.u32 $0xC30, s5;
	s5 =	sadd.s32 $0x1C00, s6  }
0xb: {  	s6 =	sadd.s32 $0x29C00, s6;
	s28 =	sshrl.u32 s7, $0x1;
	_ =	strace $0x8000004A  }
0xc: {  	s15 =	ssub.s32 s7, s28;
	s8 =	sadd.s32 $0xA0, s10;
	s9 =	sshrl.u32 s4, $0x3  }
0xd: {  	s30 =	sshrl.u32 s10, $0x3;
	s15 =	smax.u32 s15, $0x1;
	s4 =	smov.u32 @p0 s8  }
.Ltmp0:
0xe: {  	s12 =	sadd.s32 $0x180, s9;
	s31 =	sadd.s32 $0x194, s30;
	(pc) =	sbr.rel .LBB2_1-.Ltmp0, $4  }
0xf: {  	s11 =	sshrl.u32 s4, $0x3;
	s9 =	sadd.s32 s0, s12;
	s10 =	sadd.s32 s1, s12  }
0x10: {  	s13 =	sshll.u32 s4, $0x4;
	s12 =	sadd.s32 s1, s31;
	s29 =	sadd.s32 s0, s11  }
0x11: {  	s8 =	sadd.s32 s1, s11;
	s11 =	sadd.s32 s0, s31;
	s13 =	sadd.s32 s2, s13  }
0x12: {  	s1 =	simm.s32 $0x0;
	[dreg:$0x5] =	wrdreg s29;
	s14 =	sadd.s32 $0xC000, s13  }
.LBB2_14:
0x13: {  	s1 =	sadd.s32 $0x1, s1  }
0x14: {  	p1 =	sne.s32 s1, s15  }
.Ltmp1:
0x15: {  	_ = 	snop;
	(pc) =	sbr.rel @!p1 .LBB2_15-.Ltmp1, $1  }
0x16: {  	_ =	sdelay $0x3  }
.LBB2_1:
0x17: {  	s0 =	rddreg [dreg:$0x5]  }
0x18: {  	[tilespmem:s3], [sflag:$0x5] =	stream.linear.gather [hbm4b:s0+s3], $0xC00, $0x38;
	[tilespmem:$0x11900] =	vst v63  }
0x19: {  	_ =	swait.ge [sflag:s16], $0xC00  }
0x1a: {  	[sflag:s16] =	ssyncset.done $0x0  }
0x1b: {  	[sflag:s16] =	ssyncadd.s32 $0xFFFFF400  }
0x1c: {  	[tilespmem:s17], [sflag:$0x5] =	stream.linear.gather [hbm4b:s8+s3], $0xC00, $0x38;
	[tilespmem:$0x11900] =	vst v63  }
0x1d: {  	_ =	swait.ge [sflag:s16], $0xC00  }
0x1e: {  	[sflag:s16] =	ssyncset.done $0x0  }
0x1f: {  	s28 =	simm.s32 @p0 $0xC00;
	s0 =	simm.s32 @p0 $0x0;
	[sflag:s16] =	ssyncadd.s32 $0xFFFFF400  }
0x20: {  	[tilespmem:s28], [sflag:$0x5] =	stream.linear.gather @p0 [hbm4b:s11+s0], $0x30, $0x38;
	[tilespmem:$0x11900] =	vst v63  }
0x21: {  	s28 =	simm.s32 @p0 $0x5  }
0x22: {  	_ =	swait.ge @p0 [sflag:s28], $0x30  }
0x23: {  	[sflag:s28] =	ssyncset.done @p0 $0x0  }
0x24: {  	s29 =	simm.s32 @p0 $0x1880;
	[sflag:s28] =	ssyncadd.s32 @p0 $0xFFFFFFD0  }
0x25: {  	[tilespmem:s29], [sflag:$0x5] =	stream.linear.gather @p0 [hbm4b:s12+s0], $0x30, $0x38;
	[tilespmem:$0x11900] =	vst v63  }
0x26: {  	_ =	swait.ge @p0 [sflag:s28], $0x30  }
0x27: {  	[sflag:s28] =	ssyncset.done @p0 $0x0  }
0x28: {  	s0 =	simm.s32 @!p0 $0x0;
	[sflag:s28] =	ssyncadd.s32 @p0 $0xFFFFFFD0;
	s28 =	simm.s32 @!p0 $0xC00  }
0x29: {  	[tilespmem:s28], [sflag:$0x5] =	stream.linear.gather @!p0 [hbm4b:s9+s0], $0x38, $0x38;
	[tilespmem:$0x11900] =	vst v63  }
0x2a: {  	s28 =	simm.s32 @!p0 $0x5  }
0x2b: {  	_ =	swait.ge @!p0 [sflag:s28], $0x38  }
0x2c: {  	[sflag:s28] =	ssyncset.done @!p0 $0x0  }
0x2d: {  	s29 =	simm.s32 @!p0 $0x1880;
	[sflag:s28] =	ssyncadd.s32 @!p0 $0xFFFFFFC8  }
0x2e: {  	[tilespmem:s29], [sflag:$0x5] =	stream.linear.gather @!p0 [hbm4b:s10+s0], $0x38, $0x38;
	[tilespmem:$0x11900] =	vst v63  }
0x2f: {  	_ =	swait.ge @!p0 [sflag:s28], $0x38  }
0x30: {  	[sflag:s28] =	ssyncset.done @!p0 $0x0  }
0x31: {  	[sflag:s28] =	ssyncadd.s32 @!p0 $0xFFFFFFC8  }
0x32: {  	[tilespmem:s19], [sflag:$0x1] =	stream.indirect.gather [hbm4b:s5+s18], $0x80, s3, s18, $0xb8;
	[tilespmem:$0x11900] =	vst v63  }
0x33: {  	s0 =	simm.s32 $0x0  }
0x34: {  	[tilespmem:s20], [sflag:$0x2] =	stream.indirect.gather [hbm4b:s6+s18], $0x80, s17, s18, $0xb8;
	[tilespmem:$0x11900] =	vst v63  }
.LBB2_2:
0x35: {  	s29 =	sshll.u32 s0, $0x8  }
0x36: {  	s28 =	sor.u32 $0x80, s29  }
0x37: {  	[tilespmem:s21], [sflag:$0x3] =	stream.indirect.gather [hbm4b:s5+s18], $0x80, s28, s18, $0xb8;
	[tilespmem:$0x11900] =	vst v63  }
0x38: {  	s30 =	sadd.s32 $0xD00, s29  }
0x39: {  	[tilespmem:s22], [sflag:$0x4] =	stream.indirect.gather [hbm4b:s6+s18], $0x80, s30, s18, $0xb8;
	[tilespmem:$0x11900] =	vst v63  }
0x3a: {  	_ =	swait.ge [sflag:s23], $0x4000  }
0x3b: {  	[sflag:s23] =	ssyncset.done $0x0  }
0x3c: {  	[sflag:s23] =	ssyncadd.s32 $0xFFFFC000  }
0x3d: {  	_ =	swait.ge [sflag:s24], $0x4000  }
0x3e: {  	[sflag:s24] =	ssyncset.done $0x0  }
0x3f: {  	s30 =	simm.s32 $0x0;
	[sflag:s24] =	ssyncadd.s32 $0xFFFFC000  }
0x40: {  	v6 =	vld [tilespmem:s30+$0x5900]  }
0x41: {  	v7 =	vld [tilespmem:s30+$0x5910]  }
0x42: {  	v8 =	vld [tilespmem:s30+$0x5920]  }
0x43: {  	v9 =	vld [tilespmem:s30+$0x5930]  }
0x44: {  	v10 =	vld [tilespmem:s30+$0x5940]  }
0x45: {  	v11 =	vld [tilespmem:s30+$0x5950]  }
0x46: {  	v12 =	vld [tilespmem:s30+$0x5960]  }
0x47: {  	v13 =	vld [tilespmem:s30+$0x5970]  }
0x48: {  	v14 =	vld [tilespmem:s30+$0x5980]  }
0x49: {  	v15 =	vld [tilespmem:s30+$0x5990]  }
0x4a: {  	v5 =	vld [tilespmem:s30+$0x59A0]  }
0x4b: {  	v4 =	vld [tilespmem:s30+$0x59B0]  }
0x4c: {  	v3 =	vld [tilespmem:s30+$0x59C0]  }
0x4d: {  	v2 =	vld [tilespmem:s30+$0x59D0]  }
0x4e: {  	v1 =	vld [tilespmem:s30+$0x59E0]  }
0x4f: {  	v0 =	vld [tilespmem:s30+$0x59F0]  }
0x50: {  	v16 =	vld [tilespmem:s30+$0x1900]  }
0x51: {  	v17 =	vld [tilespmem:s30+$0x1910]  }
0x52: {  	v18 =	vld [tilespmem:s30+$0x1920]  }
0x53: {  	v19 =	vld [tilespmem:s30+$0x1930]  }
0x54: {  	v20 =	vld [tilespmem:s30+$0x1940]  }
0x55: {  	v60 =	vld [tilespmem:s30+$0x1950];
	v6 =	vadd.f32 v6, v16  }
0x56: {  	v21 =	vld [tilespmem:s30+$0x1960];
	v7 =	vadd.f32 v7, v17  }
0x57: {  	v61 =	vld [tilespmem:s30+$0x1970];
	[tilespmem:s30+$0x1900] =	vst v6;
	v6 =	vadd.f32 v8, v18  }
0x58: {  	v62 =	vld [tilespmem:s30+$0x1980];
	[tilespmem:s30+$0x1910] =	vst v7;
	v7 =	vadd.f32 v9, v19  }
0x59: {  	v63 =	vld [tilespmem:s30+$0x1990];
	[tilespmem:s30+$0x1920] =	vst v6;
	v6 =	vadd.f32 v10, v20  }
0x5a: {  	v8 =	vadd.f32 v11, v60;
	[tilespmem:s30+$0x1930] =	vst v7;
	v7 =	vld [tilespmem:s30+$0x19A0]  }
0x5b: {  	v9 =	vadd.f32 v12, v21;
	[tilespmem:s30+$0x1940] =	vst v6;
	v6 =	vld [tilespmem:s30+$0x19B0]  }
0x5c: {  	[tilespmem:s30+$0x1950] =	vst v8;
	v8 =	vld [tilespmem:s30+$0x19C0];
	v10 =	vadd.f32 v13, v61  }
0x5d: {  	v12 =	vadd.f32 v14, v62;
	[tilespmem:s30+$0x1960] =	vst v9;
	v9 =	vld [tilespmem:s30+$0x19D0]  }
0x5e: {  	s31 =	simm.s32 $0x400;
	v11 =	vadd.f32 v15, v63;
	[tilespmem:s30+$0x1970] =	vst v10;
	v10 =	vld [tilespmem:s30+$0x19E0]  }
.LBB2_3:
0x5f: {  	s7 =	sshra.s32 s31, $0x2;
	p1 =	sne.s32 s31, $0xFC00;
	[tilespmem:s30+$0x1980] =	vst v12;
	v5 =	vadd.f32 v5, v7;
	v7 =	vld [tilespmem:s30+$0x19F0]  }
0x60: {  	v12 =	vld [tilespmem:s7+$0x5900];
	[tilespmem:s30+$0x1990] =	vst v11;
	v4 =	vadd.f32 v4, v6  }
0x61: {  	v6 =	vld [tilespmem:s7+$0x5910];
	[tilespmem:s30+$0x19A0] =	vst v5;
	v3 =	vadd.f32 v3, v8  }
0x62: {  	v8 =	vld [tilespmem:s7+$0x5920];
	[tilespmem:s30+$0x19B0] =	vst v4;
	v2 =	vadd.f32 v2, v9  }
0x63: {  	v9 =	vld [tilespmem:s7+$0x5930];
	[tilespmem:s30+$0x19C0] =	vst v3;
	v1 =	vadd.f32 v1, v10  }
0x64: {  	v10 =	vld [tilespmem:s7+$0x5940];
	[tilespmem:s30+$0x19D0] =	vst v2;
	v0 =	vadd.f32 v0, v7  }
0x65: {  	v7 =	vld [tilespmem:s7+$0x5950];
	[tilespmem:s30+$0x19E0] =	vst v1  }
0x66: {  	v11 =	vld [tilespmem:s7+$0x5960];
	[tilespmem:s30+$0x19F0] =	vst v0;
	s30 =	smov.u32 s7  }
0x67: {  	v13 =	vld [tilespmem:s30+$0x5970]  }
0x68: {  	v14 =	vld [tilespmem:s30+$0x5980]  }
0x69: {  	v15 =	vld [tilespmem:s30+$0x5990]  }
0x6a: {  	v5 =	vld [tilespmem:s30+$0x59A0]  }
0x6b: {  	v4 =	vld [tilespmem:s30+$0x59B0]  }
0x6c: {  	v3 =	vld [tilespmem:s30+$0x59C0]  }
0x6d: {  	v2 =	vld [tilespmem:s30+$0x59D0]  }
0x6e: {  	v1 =	vld [tilespmem:s30+$0x59E0]  }
0x6f: {  	v0 =	vld [tilespmem:s30+$0x59F0]  }
0x70: {  	v16 =	vld [tilespmem:s30+$0x1900]  }
0x71: {  	v17 =	vld [tilespmem:s30+$0x1910]  }
0x72: {  	v18 =	vld [tilespmem:s30+$0x1920]  }
0x73: {  	v19 =	vld [tilespmem:s30+$0x1930]  }
0x74: {  	v20 =	vld [tilespmem:s30+$0x1940]  }
0x75: {  	v12 =	vadd.f32 v12, v16;
	v16 =	vld [tilespmem:s30+$0x1950]  }
0x76: {  	v6 =	vadd.f32 v6, v17;
	v17 =	vld [tilespmem:s30+$0x1960]  }
0x77: {  	[tilespmem:s30+$0x1900] =	vst v12;
	v8 =	vadd.f32 v8, v18;
	v12 =	vld [tilespmem:s30+$0x1970]  }
0x78: {  	[tilespmem:s30+$0x1910] =	vst v6;
	v6 =	vadd.f32 v9, v19;
	v9 =	vld [tilespmem:s30+$0x1980]  }
0x79: {  	[tilespmem:s30+$0x1920] =	vst v8;
	v8 =	vadd.f32 v10, v20;
	v10 =	vld [tilespmem:s30+$0x1990]  }
.Ltmp2:
0x7a: {  	[tilespmem:s30+$0x1930] =	vst v6;
	v16 =	vadd.f32 v7, v16;
	v7 =	vld [tilespmem:s30+$0x19A0];
	(pc) =	sbr.rel @p1 .LBB2_3-.Ltmp2, $4  }
0x7b: {  	[tilespmem:s30+$0x1940] =	vst v8;
	v11 =	vadd.f32 v11, v17;
	v6 =	vld [tilespmem:s30+$0x19B0]  }
0x7c: {  	[tilespmem:s30+$0x1950] =	vst v16;
	v13 =	vadd.f32 v13, v12;
	v8 =	vld [tilespmem:s30+$0x19C0]  }
0x7d: {  	[tilespmem:s30+$0x1960] =	vst v11;
	v12 =	vadd.f32 v14, v9;
	v9 =	vld [tilespmem:s30+$0x19D0]  }
0x7e: {  	s31 =	sadd.s32 $0x400, s31;
	[tilespmem:s30+$0x1970] =	vst v13;
	v11 =	vadd.f32 v15, v10;
	v10 =	vld [tilespmem:s30+$0x19E0]  }
0x7f: {  	[tilespmem:s30+$0x1980] =	vst v12;
	v5 =	vadd.f32 v5, v7;
	v7 =	vld [tilespmem:s30+$0x19F0]  }
0x80: {  	[tilespmem:s30+$0x1990] =	vst v11;
	v4 =	vadd.f32 v4, v6  }
0x81: {  	[tilespmem:s30+$0x19A0] =	vst v5;
	v3 =	vadd.f32 v3, v8  }
0x82: {  	[tilespmem:s30+$0x19B0] =	vst v4;
	v2 =	vadd.f32 v2, v9  }
0x83: {  	[tilespmem:s30+$0x19C0] =	vst v3;
	v1 =	vadd.f32 v1, v10  }
0x84: {  	[tilespmem:s30+$0x19D0] =	vst v2;
	v0 =	vadd.f32 v0, v7  }
0x85: {  	s7 =	sshll.u32 s0, $0xC;
	[tilespmem:s30+$0x19E0] =	vst v1  }
0x86: {  	s7 =	sadd.s32 s7, s13;
	[tilespmem:s30+$0x19F0] =	vst v0  }
0x87: {  	[hbm4b:s7+s3] =	stream.linear.scatter [tilespmem:s19], [sflag:$0x5], $0x4000, $0x38;
	[tilespmem:$0x11900] =	vst v63  }
0x88: {  	p1 =	seq.s32 s0, $0xB;
	_ =	swait.ge [sflag:s16], $0x4000  }
0x89: {  	s31 =	simm.s32 @!p1 $0x1900;
	[sflag:s16] =	ssyncset.done $0x0  }
0x8a: {  	s30 =	simm.s32 @!p1 $0x80;
	s7 =	sadd.s32 @!p1 $0x100, s29;
	[sflag:s16] =	ssyncadd.s32 $0xFFFFC000  }
0x8b: {  	[tilespmem:s31], [sflag:$0x1] =	stream.indirect.gather @!p1 [hbm4b:s5+s30], $0x80, s7, s30, $0xb8;
	[tilespmem:$0x11900] =	vst v63  }
0x8c: {  	s7 =	sadd.s32 @!p1 $0xD80, s29;
	s29 =	simm.s32 @!p1 $0x5900  }
0x8d: {  	[tilespmem:s29], [sflag:$0x2] =	stream.indirect.gather @!p1 [hbm4b:s6+s30], $0x80, s7, s30, $0xb8;
	[tilespmem:$0x11900] =	vst v63  }
0x8e: {  	_ =	swait.ge [sflag:s25], $0x4000  }
0x8f: {  	[sflag:s25] =	ssyncset.done $0x0  }
0x90: {  	[sflag:s25] =	ssyncadd.s32 $0xFFFFC000  }
0x91: {  	_ =	swait.ge [sflag:s26], $0x4000  }
0x92: {  	[sflag:s26] =	ssyncset.done $0x0  }
0x93: {  	s29 =	simm.s32 $0x0;
	[sflag:s26] =	ssyncadd.s32 $0xFFFFC000  }
0x94: {  	v6 =	vld [tilespmem:s29+$0xD900]  }
0x95: {  	v7 =	vld [tilespmem:s29+$0xD910]  }
0x96: {  	v8 =	vld [tilespmem:s29+$0xD920]  }
0x97: {  	v9 =	vld [tilespmem:s29+$0xD930]  }
0x98: {  	v10 =	vld [tilespmem:s29+$0xD940]  }
0x99: {  	v11 =	vld [tilespmem:s29+$0xD950]  }
0x9a: {  	v12 =	vld [tilespmem:s29+$0xD960]  }
0x9b: {  	v13 =	vld [tilespmem:s29+$0xD970]  }
0x9c: {  	v14 =	vld [tilespmem:s29+$0xD980]  }
0x9d: {  	v15 =	vld [tilespmem:s29+$0xD990]  }
0x9e: {  	v5 =	vld [tilespmem:s29+$0xD9A0]  }
0x9f: {  	v4 =	vld [tilespmem:s29+$0xD9B0]  }
0xa0: {  	v3 =	vld [tilespmem:s29+$0xD9C0]  }
0xa1: {  	v2 =	vld [tilespmem:s29+$0xD9D0]  }
0xa2: {  	v1 =	vld [tilespmem:s29+$0xD9E0]  }
0xa3: {  	v0 =	vld [tilespmem:s29+$0xD9F0]  }
0xa4: {  	v16 =	vld [tilespmem:s29+$0x9900]  }
0xa5: {  	v17 =	vld [tilespmem:s29+$0x9910]  }
0xa6: {  	v18 =	vld [tilespmem:s29+$0x9920]  }
0xa7: {  	v19 =	vld [tilespmem:s29+$0x9930]  }
0xa8: {  	v20 =	vld [tilespmem:s29+$0x9940]  }
0xa9: {  	v60 =	vld [tilespmem:s29+$0x9950];
	v6 =	vadd.f32 v6, v16  }
0xaa: {  	v21 =	vld [tilespmem:s29+$0x9960];
	v7 =	vadd.f32 v7, v17  }
0xab: {  	v61 =	vld [tilespmem:s29+$0x9970];
	[tilespmem:s29+$0x9900] =	vst v6;
	v6 =	vadd.f32 v8, v18  }
0xac: {  	v62 =	vld [tilespmem:s29+$0x9980];
	[tilespmem:s29+$0x9910] =	vst v7;
	v7 =	vadd.f32 v9, v19  }
0xad: {  	v63 =	vld [tilespmem:s29+$0x9990];
	[tilespmem:s29+$0x9920] =	vst v6;
	v6 =	vadd.f32 v10, v20  }
0xae: {  	v8 =	vadd.f32 v11, v60;
	[tilespmem:s29+$0x9930] =	vst v7;
	v7 =	vld [tilespmem:s29+$0x99A0]  }
0xaf: {  	v9 =	vadd.f32 v12, v21;
	[tilespmem:s29+$0x9940] =	vst v6;
	v6 =	vld [tilespmem:s29+$0x99B0]  }
0xb0: {  	[tilespmem:s29+$0x9950] =	vst v8;
	v8 =	vld [tilespmem:s29+$0x99C0];
	v10 =	vadd.f32 v13, v61  }
0xb1: {  	v12 =	vadd.f32 v14, v62;
	[tilespmem:s29+$0x9960] =	vst v9;
	v9 =	vld [tilespmem:s29+$0x99D0]  }
0xb2: {  	s30 =	simm.s32 $0x400;
	v11 =	vadd.f32 v15, v63;
	[tilespmem:s29+$0x9970] =	vst v10;
	v10 =	vld [tilespmem:s29+$0x99E0]  }
.LBB2_5:
0xb3: {  	s7 =	sshra.s32 s30, $0x2;
	p1 =	sne.s32 s30, $0xFC00;
	[tilespmem:s29+$0x9980] =	vst v12;
	v5 =	vadd.f32 v5, v7;
	v7 =	vld [tilespmem:s29+$0x99F0]  }
0xb4: {  	v12 =	vld [tilespmem:s7+$0xD900];
	[tilespmem:s29+$0x9990] =	vst v11;
	v4 =	vadd.f32 v4, v6  }
0xb5: {  	v6 =	vld [tilespmem:s7+$0xD910];
	[tilespmem:s29+$0x99A0] =	vst v5;
	v3 =	vadd.f32 v3, v8  }
0xb6: {  	v8 =	vld [tilespmem:s7+$0xD920];
	[tilespmem:s29+$0x99B0] =	vst v4;
	v2 =	vadd.f32 v2, v9  }
0xb7: {  	v9 =	vld [tilespmem:s7+$0xD930];
	[tilespmem:s29+$0x99C0] =	vst v3;
	v1 =	vadd.f32 v1, v10  }
0xb8: {  	v10 =	vld [tilespmem:s7+$0xD940];
	[tilespmem:s29+$0x99D0] =	vst v2;
	v0 =	vadd.f32 v0, v7  }
0xb9: {  	v7 =	vld [tilespmem:s7+$0xD950];
	[tilespmem:s29+$0x99E0] =	vst v1  }
0xba: {  	v11 =	vld [tilespmem:s7+$0xD960];
	[tilespmem:s29+$0x99F0] =	vst v0;
	s29 =	smov.u32 s7  }
0xbb: {  	v13 =	vld [tilespmem:s29+$0xD970]  }
0xbc: {  	v14 =	vld [tilespmem:s29+$0xD980]  }
0xbd: {  	v15 =	vld [tilespmem:s29+$0xD990]  }
0xbe: {  	v5 =	vld [tilespmem:s29+$0xD9A0]  }
0xbf: {  	v4 =	vld [tilespmem:s29+$0xD9B0]  }
0xc0: {  	v3 =	vld [tilespmem:s29+$0xD9C0]  }
0xc1: {  	v2 =	vld [tilespmem:s29+$0xD9D0]  }
0xc2: {  	v1 =	vld [tilespmem:s29+$0xD9E0]  }
0xc3: {  	v0 =	vld [tilespmem:s29+$0xD9F0]  }
0xc4: {  	v16 =	vld [tilespmem:s29+$0x9900]  }
0xc5: {  	v17 =	vld [tilespmem:s29+$0x9910]  }
0xc6: {  	v18 =	vld [tilespmem:s29+$0x9920]  }
0xc7: {  	v19 =	vld [tilespmem:s29+$0x9930]  }
0xc8: {  	v20 =	vld [tilespmem:s29+$0x9940]  }
0xc9: {  	v12 =	vadd.f32 v12, v16;
	v16 =	vld [tilespmem:s29+$0x9950]  }
0xca: {  	v6 =	vadd.f32 v6, v17;
	v17 =	vld [tilespmem:s29+$0x9960]  }
0xcb: {  	[tilespmem:s29+$0x9900] =	vst v12;
	v8 =	vadd.f32 v8, v18;
	v12 =	vld [tilespmem:s29+$0x9970]  }
0xcc: {  	[tilespmem:s29+$0x9910] =	vst v6;
	v6 =	vadd.f32 v9, v19;
	v9 =	vld [tilespmem:s29+$0x9980]  }
0xcd: {  	[tilespmem:s29+$0x9920] =	vst v8;
	v8 =	vadd.f32 v10, v20;
	v10 =	vld [tilespmem:s29+$0x9990]  }
.Ltmp3:
0xce: {  	[tilespmem:s29+$0x9930] =	vst v6;
	v16 =	vadd.f32 v7, v16;
	v7 =	vld [tilespmem:s29+$0x99A0];
	(pc) =	sbr.rel @p1 .LBB2_5-.Ltmp3, $4  }
0xcf: {  	[tilespmem:s29+$0x9940] =	vst v8;
	v11 =	vadd.f32 v11, v17;
	v6 =	vld [tilespmem:s29+$0x99B0]  }
0xd0: {  	[tilespmem:s29+$0x9950] =	vst v16;
	v13 =	vadd.f32 v13, v12;
	v8 =	vld [tilespmem:s29+$0x99C0]  }
0xd1: {  	[tilespmem:s29+$0x9960] =	vst v11;
	v12 =	vadd.f32 v14, v9;
	v9 =	vld [tilespmem:s29+$0x99D0]  }
0xd2: {  	s30 =	sadd.s32 $0x400, s30;
	[tilespmem:s29+$0x9970] =	vst v13;
	v11 =	vadd.f32 v15, v10;
	v10 =	vld [tilespmem:s29+$0x99E0]  }
0xd3: {  	[tilespmem:s29+$0x9980] =	vst v12;
	v5 =	vadd.f32 v5, v7;
	v63 =	vld [tilespmem:s29+$0x99F0]  }
0xd4: {  	[tilespmem:s29+$0x9990] =	vst v11;
	v4 =	vadd.f32 v4, v6  }
0xd5: {  	[tilespmem:s29+$0x99A0] =	vst v5;
	v3 =	vadd.f32 v3, v8  }
0xd6: {  	[tilespmem:s29+$0x99B0] =	vst v4;
	v2 =	vadd.f32 v2, v9  }
0xd7: {  	[tilespmem:s29+$0x99C0] =	vst v3;
	v1 =	vadd.f32 v1, v10  }
0xd8: {  	s7 =	sadd.s32 s4, s28;
	s0 =	sadd.s32 $0x1, s0;
	[tilespmem:s29+$0x99D0] =	vst v2;
	v0 =	vadd.f32 v0, v63  }
0xd9: {  	s7 =	sshll.u32 s7, $0x4;
	p1 =	sne.s32 s0, $0xC;
	[tilespmem:s29+$0x99E0] =	vst v1  }
.Ltmp4:
0xda: {  	s7 =	sadd.s32 s2, s7;
	[tilespmem:s29+$0x99F0] =	vst v0;
	(pc) =	sbr.rel @p1 .LBB2_2-.Ltmp4, $4  }
0xdb: {  	[hbm4b:s7+s3] =	stream.linear.scatter [tilespmem:s21], [sflag:$0x5], $0x4000, $0x38;
	[tilespmem:$0x11900] =	vst v63  }
0xdc: {  	_ =	swait.ge [sflag:s16], $0x4000  }
0xdd: {  	[sflag:s16] =	ssyncset.done $0x0  }
0xde: {  	[sflag:s16] =	ssyncadd.s32 $0xFFFFC000  }
.Ltmp5:
0xdf: {  	(pc) =	sbr.rel @!p0 .LBB2_8-.Ltmp5, $1  }
0xe0: {  	_ =	sdelay $0x3  }
0xe1: {  	s0 =	simm.s32 $0x30;
	s7 =	simm.s32 $0xC00  }
0xe2: {  	[tilespmem:s19], [sflag:$0x1] =	stream.indirect.gather [hbm4b:s5+s0], $0x80, s7, s0, $0xb8;
	[tilespmem:$0x11900] =	vst v63  }
0xe3: {  	s31 =	simm.s32 $0x1880  }
0xe4: {  	[tilespmem:s20], [sflag:$0x2] =	stream.indirect.gather [hbm4b:s6+s0], $0x80, s31, s0, $0xb8;
	[tilespmem:$0x11900] =	vst v63  }
0xe5: {  	_ =	swait.ge [sflag:s23], $0x1800  }
0xe6: {  	[sflag:s23] =	ssyncset.done $0x0  }
0xe7: {  	[sflag:s23] =	ssyncadd.s32 $0xFFFFE800  }
0xe8: {  	_ =	swait.ge [sflag:s24], $0x1800  }
0xe9: {  	[sflag:s24] =	ssyncset.done $0x0  }
0xea: {  	s0 =	simm.s32 $0xF0;
	[sflag:s24] =	ssyncadd.s32 $0xFFFFE800  }
0xeb: {  	v6 =	vld [tilespmem:s0+$0x5810]  }
0xec: {  	v7 =	vld [tilespmem:s0+$0x5820]  }
0xed: {  	v8 =	vld [tilespmem:s0+$0x5830]  }
0xee: {  	v9 =	vld [tilespmem:s0+$0x5840]  }
0xef: {  	v10 =	vld [tilespmem:s0+$0x5850]  }
0xf0: {  	v11 =	vld [tilespmem:s0+$0x5860]  }
0xf1: {  	v12 =	vld [tilespmem:s0+$0x5870]  }
0xf2: {  	v13 =	vld [tilespmem:s0+$0x5880]  }
0xf3: {  	v14 =	vld [tilespmem:s0+$0x5890]  }
0xf4: {  	v15 =	vld [tilespmem:s0+$0x58A0]  }
0xf5: {  	v5 =	vld [tilespmem:s0+$0x58B0]  }
0xf6: {  	v4 =	vld [tilespmem:s0+$0x58C0]  }
0xf7: {  	v3 =	vld [tilespmem:s0+$0x58D0]  }
0xf8: {  	v2 =	vld [tilespmem:s0+$0x58E0]  }
0xf9: {  	v1 =	vld [tilespmem:s0+$0x58F0]  }
0xfa: {  	v0 =	vld [tilespmem:s0+$0x5900]  }
0xfb: {  	v16 =	vld [tilespmem:s0+$0x1810]  }
0xfc: {  	v17 =	vld [tilespmem:s0+$0x1820]  }
0xfd: {  	v18 =	vld [tilespmem:s0+$0x1830]  }
0xfe: {  	v19 =	vld [tilespmem:s0+$0x1840]  }
0xff: {  	v20 =	vld [tilespmem:s0+$0x1850]  }
0x100: {  	v60 =	vld [tilespmem:s0+$0x1860];
	v6 =	vadd.f32 v6, v16  }
0x101: {  	v21 =	vld [tilespmem:s0+$0x1870];
	v7 =	vadd.f32 v7, v17  }
0x102: {  	v61 =	vld [tilespmem:s0+$0x1880];
	[tilespmem:s0+$0x1810] =	vst v6;
	v6 =	vadd.f32 v8, v18  }
0x103: {  	v62 =	vld [tilespmem:s0+$0x1890];
	[tilespmem:s0+$0x1820] =	vst v7;
	v7 =	vadd.f32 v9, v19  }
0x104: {  	v63 =	vld [tilespmem:s0+$0x18A0];
	[tilespmem:s0+$0x1830] =	vst v6;
	v6 =	vadd.f32 v10, v20  }
0x105: {  	v8 =	vadd.f32 v11, v60;
	[tilespmem:s0+$0x1840] =	vst v7;
	v7 =	vld [tilespmem:s0+$0x18B0]  }
0x106: {  	v9 =	vadd.f32 v12, v21;
	[tilespmem:s0+$0x1850] =	vst v6;
	v6 =	vld [tilespmem:s0+$0x18C0]  }
0x107: {  	[tilespmem:s0+$0x1860] =	vst v8;
	v8 =	vld [tilespmem:s0+$0x18D0];
	v10 =	vadd.f32 v13, v61  }
0x108: {  	v12 =	vadd.f32 v14, v62;
	[tilespmem:s0+$0x1870] =	vst v9;
	v9 =	vld [tilespmem:s0+$0x18E0]  }
0x109: {  	s28 =	simm.s32 $0x7C0;
	v11 =	vadd.f32 v15, v63;
	[tilespmem:s0+$0x1880] =	vst v10;
	v10 =	vld [tilespmem:s0+$0x18F0]  }
.LBB2_12:
0x10a: {  	s7 =	sshra.s32 s28, $0x2;
	p1 =	sne.s32 s28, $0x5FC0;
	[tilespmem:s0+$0x1890] =	vst v12;
	v5 =	vadd.f32 v5, v7;
	v7 =	vld [tilespmem:s0+$0x1900]  }
0x10b: {  	v12 =	vld [tilespmem:s7+$0x5810];
	[tilespmem:s0+$0x18A0] =	vst v11;
	v4 =	vadd.f32 v4, v6  }
0x10c: {  	v6 =	vld [tilespmem:s7+$0x5820];
	[tilespmem:s0+$0x18B0] =	vst v5;
	v3 =	vadd.f32 v3, v8  }
0x10d: {  	v8 =	vld [tilespmem:s7+$0x5830];
	[tilespmem:s0+$0x18C0] =	vst v4;
	v2 =	vadd.f32 v2, v9  }
0x10e: {  	v9 =	vld [tilespmem:s7+$0x5840];
	[tilespmem:s0+$0x18D0] =	vst v3;
	v1 =	vadd.f32 v1, v10  }
0x10f: {  	v10 =	vld [tilespmem:s7+$0x5850];
	[tilespmem:s0+$0x18E0] =	vst v2;
	v0 =	vadd.f32 v0, v7  }
0x110: {  	v7 =	vld [tilespmem:s7+$0x5860];
	[tilespmem:s0+$0x18F0] =	vst v1  }
0x111: {  	v11 =	vld [tilespmem:s7+$0x5870];
	[tilespmem:s0+$0x1900] =	vst v0;
	s0 =	smov.u32 s7  }
0x112: {  	v13 =	vld [tilespmem:s0+$0x5880]  }
0x113: {  	v14 =	vld [tilespmem:s0+$0x5890]  }
0x114: {  	v15 =	vld [tilespmem:s0+$0x58A0]  }
0x115: {  	v5 =	vld [tilespmem:s0+$0x58B0]  }
0x116: {  	v4 =	vld [tilespmem:s0+$0x58C0]  }
0x117: {  	v3 =	vld [tilespmem:s0+$0x58D0]  }
0x118: {  	v2 =	vld [tilespmem:s0+$0x58E0]  }
0x119: {  	v1 =	vld [tilespmem:s0+$0x58F0]  }
0x11a: {  	v0 =	vld [tilespmem:s0+$0x5900]  }
0x11b: {  	v16 =	vld [tilespmem:s0+$0x1810]  }
0x11c: {  	v17 =	vld [tilespmem:s0+$0x1820]  }
0x11d: {  	v18 =	vld [tilespmem:s0+$0x1830]  }
0x11e: {  	v19 =	vld [tilespmem:s0+$0x1840]  }
0x11f: {  	v20 =	vld [tilespmem:s0+$0x1850]  }
0x120: {  	v12 =	vadd.f32 v12, v16;
	v16 =	vld [tilespmem:s0+$0x1860]  }
0x121: {  	v6 =	vadd.f32 v6, v17;
	v17 =	vld [tilespmem:s0+$0x1870]  }
0x122: {  	[tilespmem:s0+$0x1810] =	vst v12;
	v8 =	vadd.f32 v8, v18;
	v12 =	vld [tilespmem:s0+$0x1880]  }
0x123: {  	[tilespmem:s0+$0x1820] =	vst v6;
	v6 =	vadd.f32 v9, v19;
	v9 =	vld [tilespmem:s0+$0x1890]  }
0x124: {  	[tilespmem:s0+$0x1830] =	vst v8;
	v8 =	vadd.f32 v10, v20;
	v10 =	vld [tilespmem:s0+$0x18A0]  }
.Ltmp6:
0x125: {  	[tilespmem:s0+$0x1840] =	vst v6;
	v16 =	vadd.f32 v7, v16;
	v7 =	vld [tilespmem:s0+$0x18B0];
	(pc) =	sbr.rel @p1 .LBB2_12-.Ltmp6, $4  }
0x126: {  	[tilespmem:s0+$0x1850] =	vst v8;
	v11 =	vadd.f32 v11, v17;
	v6 =	vld [tilespmem:s0+$0x18C0]  }
0x127: {  	[tilespmem:s0+$0x1860] =	vst v16;
	v13 =	vadd.f32 v13, v12;
	v8 =	vld [tilespmem:s0+$0x18D0]  }
0x128: {  	[tilespmem:s0+$0x1870] =	vst v11;
	v12 =	vadd.f32 v14, v9;
	v9 =	vld [tilespmem:s0+$0x18E0]  }
0x129: {  	s28 =	sadd.s32 $0x400, s28;
	[tilespmem:s0+$0x1880] =	vst v13;
	v11 =	vadd.f32 v15, v10;
	v10 =	vld [tilespmem:s0+$0x18F0]  }
0x12a: {  	[tilespmem:s0+$0x1890] =	vst v12;
	v5 =	vadd.f32 v5, v7;
	v63 =	vld [tilespmem:s0+$0x1900]  }
0x12b: {  	[tilespmem:s0+$0x18A0] =	vst v11;
	v4 =	vadd.f32 v4, v6  }
0x12c: {  	[tilespmem:s0+$0x18B0] =	vst v5;
	v3 =	vadd.f32 v3, v8  }
0x12d: {  	[tilespmem:s0+$0x18C0] =	vst v4;
	v2 =	vadd.f32 v2, v9  }
0x12e: {  	[tilespmem:s0+$0x18D0] =	vst v3;
	v1 =	vadd.f32 v1, v10  }
0x12f: {  	[tilespmem:s0+$0x18E0] =	vst v2;
	v0 =	vadd.f32 v0, v63  }
0x130: {  	[tilespmem:s0+$0x18F0] =	vst v1  }
.Ltmp7:
0x131: {  	[tilespmem:s0+$0x1900] =	vst v0;
	(pc) =	sbr.rel .LBB2_14-.Ltmp7, $4  }
0x132: {  	[hbm4b:s14+s3] =	stream.linear.scatter [tilespmem:s19], [sflag:$0x5], $0x1800, $0x38;
	[tilespmem:$0x11900] =	vst v63  }
0x133: {  	_ =	swait.ge [sflag:s16], $0x1800  }
0x134: {  	[sflag:s16] =	ssyncset.done $0x0  }
0x135: {  	[sflag:s16] =	ssyncadd.s32 $0xFFFFE800  }
.LBB2_8:
0x136: {  	s0 =	simm.s32 $0xC00;
	s7 =	simm.s32 $0x38  }
0x137: {  	[tilespmem:s19], [sflag:$0x1] =	stream.indirect.gather [hbm4b:s5+s7], $0x80, s0, s7, $0xb8;
	[tilespmem:$0x11900] =	vst v63  }
0x138: {  	s31 =	simm.s32 $0x1880  }
0x139: {  	[tilespmem:s20], [sflag:$0x2] =	stream.indirect.gather [hbm4b:s6+s7], $0x80, s31, s7, $0xb8;
	[tilespmem:$0x11900] =	vst v63  }
0x13a: {  	_ =	swait.ge [sflag:s23], $0x1C00  }
0x13b: {  	[sflag:s23] =	ssyncset.done $0x0  }
0x13c: {  	[sflag:s23] =	ssyncadd.s32 $0xFFFFE400  }
0x13d: {  	_ =	swait.ge [sflag:s24], $0x1C00  }
0x13e: {  	[sflag:s24] =	ssyncset.done $0x0  }
0x13f: {  	s0 =	simm.s32 $0xF0;
	[sflag:s24] =	ssyncadd.s32 $0xFFFFE400  }
0x140: {  	v6 =	vld [tilespmem:s0+$0x5810]  }
0x141: {  	v7 =	vld [tilespmem:s0+$0x5820]  }
0x142: {  	v8 =	vld [tilespmem:s0+$0x5830]  }
0x143: {  	v9 =	vld [tilespmem:s0+$0x5840]  }
0x144: {  	v10 =	vld [tilespmem:s0+$0x5850]  }
0x145: {  	v11 =	vld [tilespmem:s0+$0x5860]  }
0x146: {  	v12 =	vld [tilespmem:s0+$0x5870]  }
0x147: {  	v13 =	vld [tilespmem:s0+$0x5880]  }
0x148: {  	v14 =	vld [tilespmem:s0+$0x5890]  }
0x149: {  	v15 =	vld [tilespmem:s0+$0x58A0]  }
0x14a: {  	v5 =	vld [tilespmem:s0+$0x58B0]  }
0x14b: {  	v4 =	vld [tilespmem:s0+$0x58C0]  }
0x14c: {  	v3 =	vld [tilespmem:s0+$0x58D0]  }
0x14d: {  	v2 =	vld [tilespmem:s0+$0x58E0]  }
0x14e: {  	v1 =	vld [tilespmem:s0+$0x58F0]  }
0x14f: {  	v0 =	vld [tilespmem:s0+$0x5900]  }
0x150: {  	v16 =	vld [tilespmem:s0+$0x1810]  }
0x151: {  	v17 =	vld [tilespmem:s0+$0x1820]  }
0x152: {  	v18 =	vld [tilespmem:s0+$0x1830]  }
0x153: {  	v19 =	vld [tilespmem:s0+$0x1840]  }
0x154: {  	v20 =	vld [tilespmem:s0+$0x1850]  }
0x155: {  	v60 =	vld [tilespmem:s0+$0x1860];
	v6 =	vadd.f32 v6, v16  }
0x156: {  	v21 =	vld [tilespmem:s0+$0x1870];
	v7 =	vadd.f32 v7, v17  }
0x157: {  	v61 =	vld [tilespmem:s0+$0x1880];
	[tilespmem:s0+$0x1810] =	vst v6;
	v6 =	vadd.f32 v8, v18  }
0x158: {  	v62 =	vld [tilespmem:s0+$0x1890];
	[tilespmem:s0+$0x1820] =	vst v7;
	v7 =	vadd.f32 v9, v19  }
0x159: {  	v63 =	vld [tilespmem:s0+$0x18A0];
	[tilespmem:s0+$0x1830] =	vst v6;
	v6 =	vadd.f32 v10, v20  }
0x15a: {  	v8 =	vadd.f32 v11, v60;
	[tilespmem:s0+$0x1840] =	vst v7;
	v7 =	vld [tilespmem:s0+$0x18B0]  }
0x15b: {  	v9 =	vadd.f32 v12, v21;
	[tilespmem:s0+$0x1850] =	vst v6;
	v6 =	vld [tilespmem:s0+$0x18C0]  }
0x15c: {  	[tilespmem:s0+$0x1860] =	vst v8;
	v8 =	vld [tilespmem:s0+$0x18D0];
	v10 =	vadd.f32 v13, v61  }
0x15d: {  	v12 =	vadd.f32 v14, v62;
	[tilespmem:s0+$0x1870] =	vst v9;
	v9 =	vld [tilespmem:s0+$0x18E0]  }
0x15e: {  	s28 =	simm.s32 $0x7C0;
	v11 =	vadd.f32 v15, v63;
	[tilespmem:s0+$0x1880] =	vst v10;
	v10 =	vld [tilespmem:s0+$0x18F0]  }
.LBB2_9:
0x15f: {  	s7 =	sshra.s32 s28, $0x2;
	p1 =	sne.s32 s28, $0x6FC0;
	[tilespmem:s0+$0x1890] =	vst v12;
	v5 =	vadd.f32 v5, v7;
	v7 =	vld [tilespmem:s0+$0x1900]  }
0x160: {  	v12 =	vld [tilespmem:s7+$0x5810];
	[tilespmem:s0+$0x18A0] =	vst v11;
	v4 =	vadd.f32 v4, v6  }
0x161: {  	v6 =	vld [tilespmem:s7+$0x5820];
	[tilespmem:s0+$0x18B0] =	vst v5;
	v3 =	vadd.f32 v3, v8  }
0x162: {  	v8 =	vld [tilespmem:s7+$0x5830];
	[tilespmem:s0+$0x18C0] =	vst v4;
	v2 =	vadd.f32 v2, v9  }
0x163: {  	v9 =	vld [tilespmem:s7+$0x5840];
	[tilespmem:s0+$0x18D0] =	vst v3;
	v1 =	vadd.f32 v1, v10  }
0x164: {  	v10 =	vld [tilespmem:s7+$0x5850];
	[tilespmem:s0+$0x18E0] =	vst v2;
	v0 =	vadd.f32 v0, v7  }
0x165: {  	v7 =	vld [tilespmem:s7+$0x5860];
	[tilespmem:s0+$0x18F0] =	vst v1  }
0x166: {  	v11 =	vld [tilespmem:s7+$0x5870];
	[tilespmem:s0+$0x1900] =	vst v0;
	s0 =	smov.u32 s7  }
0x167: {  	v13 =	vld [tilespmem:s0+$0x5880]  }
0x168: {  	v14 =	vld [tilespmem:s0+$0x5890]  }
0x169: {  	v15 =	vld [tilespmem:s0+$0x58A0]  }
0x16a: {  	v5 =	vld [tilespmem:s0+$0x58B0]  }
0x16b: {  	v4 =	vld [tilespmem:s0+$0x58C0]  }
0x16c: {  	v3 =	vld [tilespmem:s0+$0x58D0]  }
0x16d: {  	v2 =	vld [tilespmem:s0+$0x58E0]  }
0x16e: {  	v1 =	vld [tilespmem:s0+$0x58F0]  }
0x16f: {  	v0 =	vld [tilespmem:s0+$0x5900]  }
0x170: {  	v16 =	vld [tilespmem:s0+$0x1810]  }
0x171: {  	v17 =	vld [tilespmem:s0+$0x1820]  }
0x172: {  	v18 =	vld [tilespmem:s0+$0x1830]  }
0x173: {  	v19 =	vld [tilespmem:s0+$0x1840]  }
0x174: {  	v20 =	vld [tilespmem:s0+$0x1850]  }
0x175: {  	v12 =	vadd.f32 v12, v16;
	v16 =	vld [tilespmem:s0+$0x1860]  }
0x176: {  	v6 =	vadd.f32 v6, v17;
	v17 =	vld [tilespmem:s0+$0x1870]  }
0x177: {  	[tilespmem:s0+$0x1810] =	vst v12;
	v8 =	vadd.f32 v8, v18;
	v12 =	vld [tilespmem:s0+$0x1880]  }
0x178: {  	[tilespmem:s0+$0x1820] =	vst v6;
	v6 =	vadd.f32 v9, v19;
	v9 =	vld [tilespmem:s0+$0x1890]  }
0x179: {  	[tilespmem:s0+$0x1830] =	vst v8;
	v8 =	vadd.f32 v10, v20;
	v10 =	vld [tilespmem:s0+$0x18A0]  }
.Ltmp8:
0x17a: {  	[tilespmem:s0+$0x1840] =	vst v6;
	v16 =	vadd.f32 v7, v16;
	v7 =	vld [tilespmem:s0+$0x18B0];
	(pc) =	sbr.rel @p1 .LBB2_9-.Ltmp8, $4  }
0x17b: {  	[tilespmem:s0+$0x1850] =	vst v8;
	v11 =	vadd.f32 v11, v17;
	v6 =	vld [tilespmem:s0+$0x18C0]  }
0x17c: {  	[tilespmem:s0+$0x1860] =	vst v16;
	v13 =	vadd.f32 v13, v12;
	v8 =	vld [tilespmem:s0+$0x18D0]  }
0x17d: {  	[tilespmem:s0+$0x1870] =	vst v11;
	v12 =	vadd.f32 v14, v9;
	v9 =	vld [tilespmem:s0+$0x18E0]  }
0x17e: {  	s28 =	sadd.s32 $0x400, s28;
	[tilespmem:s0+$0x1880] =	vst v13;
	v11 =	vadd.f32 v15, v10;
	v10 =	vld [tilespmem:s0+$0x18F0]  }
0x17f: {  	[tilespmem:s0+$0x1890] =	vst v12;
	v5 =	vadd.f32 v5, v7;
	v63 =	vld [tilespmem:s0+$0x1900]  }
0x180: {  	[tilespmem:s0+$0x18A0] =	vst v11;
	v4 =	vadd.f32 v4, v6  }
0x181: {  	[tilespmem:s0+$0x18B0] =	vst v5;
	v3 =	vadd.f32 v3, v8  }
0x182: {  	[tilespmem:s0+$0x18C0] =	vst v4;
	v2 =	vadd.f32 v2, v9  }
0x183: {  	[tilespmem:s0+$0x18D0] =	vst v3;
	v1 =	vadd.f32 v1, v10  }
0x184: {  	[tilespmem:s0+$0x18E0] =	vst v2;
	v0 =	vadd.f32 v0, v63  }
0x185: {  	[tilespmem:s0+$0x18F0] =	vst v1  }
.Ltmp9:
0x186: {  	[tilespmem:s0+$0x1900] =	vst v0;
	(pc) =	sbr.rel .LBB2_14-.Ltmp9, $4  }
0x187: {  	[hbm4b:s14+s3] =	stream.linear.scatter [tilespmem:s19], [sflag:$0x5], $0x1C00, $0x38;
	[tilespmem:$0x11900] =	vst v63  }
0x188: {  	_ =	swait.ge [sflag:s16], $0x1C00  }
0x189: {  	[sflag:s16] =	ssyncset.done $0x0  }
0x18a: {  	[sflag:s16] =	ssyncadd.s32 $0xFFFFE400  }
.LBB2_15:
0x18b: {  	_ =	sfence.sel $0x180000  }
0x18c: {  	[bflag:$0x0] =	sbarrier.arrive $0xFFFF  }
0x18d: {  	_ =	strace $0x9000004A  }
0x18e: {  	s0 =	stileid.u32;
	[bflag:$0x2] =	sbarrier.arrive $0xFFFF  }
0x18f: {  	p0 =	sne.s32 s0, $0x0;
	s0 =	rddreg [dreg:$0x4]  }
0x190: {  	s0 =	sadd.s32 @!p0 $0x100000, s0  }
0x191: {  	[sflag:s0] =	ssyncadd.tile.s32 @!p0 $0x1;
	_ =	shalt  }
.Lfunc_end2:
_tile_overlayer_lowered:
.L_overlay_start_2:
0x192: {  	(tag) =	ssettag $0x2  }
0x193: {  	s0 =	rddreg [dreg:$0x0];
	s2 =	stileid.u32  }
0x194: {  	s1 =	rddreg [dreg:$0x1];
	p0 =	sne.s32 s2, $0x0  }
0x195: {  	s3 =	rddreg [dreg:$0x2];
	[bflag:$0x3] =	sbarrier.arrive $0xFFFF;
	s2 =	simm.s32 @!p0 $0x1C05  }
0x196: {  	[timem:s3], [sflag:s2] =	dma.local @!p0 [hbm:s0], s1  }
0x197: {  	s0 =	simm.s32 @!p0 $0x5  }
0x198: {  	_ =	swait.ge @!p0 [sflag:s0], s1  }
0x199: {  	s1 =	ssub.s32 @!p0 $0x0, s1;
	[sflag:s0] =	ssyncset.done @!p0 $0x0  }
0x19a: {  	[sflag:s0] =	ssyncadd.s32 @!p0 s1  }
0x19b: {  	[bflag:$0x3] =	sbarrier.arrive $0xFFFF  }
0x19c: {  	_ =	shalt  }

</sc_bundles>
